<compile_context>
chip_gen: v7x
topology: tpu7x:2x2x1
jax: 0.10.2.dev20260603
libtpu: 0.0.44.dev20260713+nightly
codegen_flags: <defaults>
</compile_context>

<pallas_src>
import functools

import jax
import jax.numpy as jnp
import numpy as np
from jax import lax
from jax.experimental import pallas as pl
from jax.experimental.pallas import tpu as pltpu
from jax.experimental.pallas import tpu_sc as plsc

N = 100000
NP = N + 96
PK = NP // 8
PK_VALID = N // 8
NW = 32
NCORE = 2
NSUB = 16
ZR = NP // NSUB

E = 1600000
NCHT = E // 128
CPW = NCHT // NW
XTRA = NCHT - CPW * NW
SP = 98

NBUF = 12
PF = 6
BRP = 368
GPK = PK // BRP

BC = 1280
KB = BC // 8
GPRE = -(-N // BC)

_F32 = jnp.float32
_BF16 = jnp.bfloat16



def _make_sc_scatter():
    mesh = plsc.VectorSubcoreMesh(
        core_axis_name="c", subcore_axis_name="s",
        num_cores=NCORE, num_subcores=NSUB)

    @functools.partial(
        pl.kernel,
        out_type=jax.ShapeDtypeStruct((NCORE, NP, 16), _BF16),
        mesh=mesh,
        scratch_types=[
            pltpu.VMEM((SP, 128), jnp.int32),
            pltpu.VMEM((SP, 128), jnp.int32),
            pltpu.VMEM((NBUF, 128, 16), _BF16),
            pltpu.VMEM_SHARED((NP, 16), _BF16),
            pltpu.SemaphoreType.DMA((NBUF,)),
            pltpu.SemaphoreType.DMA,
        ],
        compiler_params=pltpu.CompilerParams(use_tc_tiling_on_sc=False),
    )
    def sc_scatter(y_hbm, edges_hbm, zeros_hbm, out_hbm,
                   ridx, cidx, gbuf, acc, gsem, ssem):
        c = lax.axis_index("c")
        s = lax.axis_index("s")
        w = c * NSUB + s
        pltpu.sync_copy(zeros_hbm.at[pl.ds(s * ZR, ZR)],
                        acc.at[pl.ds(s * ZR, ZR)])
        plsc.subcore_barrier()

        def gstart(k):
            pltpu.async_copy(y_hbm.at[ridx.at[k]], gbuf.at[k % NBUF],
                             gsem.at[k % NBUF])

        def gwait(j):
            pltpu.make_async_copy(y_hbm.at[ridx.at[j]], gbuf.at[j % NBUF],
                                  gsem.at[j % NBUF]).wait()

        def sdrain():
            pltpu.make_async_copy(y_hbm.at[pl.ds(0, 128)], gbuf.at[0],
                                  ssem).wait()

        for p in range(4):
            lo = p * SP
            cnt = min(SP, CPW - lo)
            pltpu.sync_copy(edges_hbm.at[pl.ds(w * CPW + lo, cnt)],
                            ridx.at[pl.ds(0, cnt)])
            pltpu.sync_copy(edges_hbm.at[pl.ds(NCHT + w * CPW + lo, cnt)],
                            cidx.at[pl.ds(0, cnt)])
            if p == 3:
                @pl.when(w < XTRA)
                def _():
                    pltpu.sync_copy(edges_hbm.at[pl.ds(NW * CPW + w, 1)],
                                    ridx.at[pl.ds(cnt, 1)])
                    pltpu.sync_copy(
                        edges_hbm.at[pl.ds(NCHT + NW * CPW + w, 1)],
                        cidx.at[pl.ds(cnt, 1)])
                nloc = cnt + jnp.where(w < XTRA, 1, 0)
            else:
                nloc = cnt

            for k in range(PF):
                @pl.when(k < nloc)
                def _(k=k):
                    gstart(k)

            def body(j, carry2):
                gwait(j)
                pltpu.async_copy(gbuf.at[j % NBUF], acc.at[cidx.at[j]],
                                 ssem, add=True)

                @pl.when(j >= PF)
                def _():
                    sdrain()

                @pl.when(j + PF < nloc)
                def _():
                    gstart(j + PF)

                return carry2

            lax.fori_loop(0, nloc, body, 0)
            for k in range(PF):
                @pl.when(k < nloc)
                def _():
                    sdrain()

        plsc.subcore_barrier()
        pltpu.sync_copy(acc.at[pl.ds(s * ZR, ZR)],
                        out_hbm.at[c].at[pl.ds(s * ZR, ZR)])

    return sc_scatter


_SC_CACHE = {}


def _sc_scatter(*args):
    if "k" not in _SC_CACHE:
        _SC_CACHE["k"] = _make_sc_scatter()
    return _SC_CACHE["k"](*args)



def _pre_body(x1t_ref, x2t_ref, wts_ref, A_ref, h0_ref, c2_ref, psum_ref):
    i = pl.program_id(0)
    x1b = x1t_ref[...]
    x2b = x2t_ref[...]
    wts = wts_ref[...]
    W1T = wts[:, 0:15]
    MAT = wts[:, 16:31]
    MBT = wts[:, 32:36]
    b1c = wts[:, 48:49]
    c2c = wts[:, 49:50]

    h0t = jnp.maximum(
        jnp.dot(W1T, x1b, preferred_element_type=_F32) + b1c, 0.0)
    c2t = (jnp.dot(MAT, x1b, preferred_element_type=_F32)
           + jnp.dot(MBT, x2b, preferred_element_type=_F32) + c2c)

    A = A_ref[...]
    h0n = jnp.transpose(h0t)
    c2n = jnp.transpose(c2t)
    h0_ref[...] = jnp.concatenate(
        [jnp.dot(A[r * KB:(r + 1) * KB], h0n, preferred_element_type=_F32)
         for r in range(8)], axis=1).astype(_BF16)
    c2_ref[...] = jnp.concatenate(
        [jnp.dot(A[r * KB:(r + 1) * KB], c2n, preferred_element_type=_F32)
         for r in range(8)], axis=1).astype(_BF16)

    lane = i * BC + lax.broadcasted_iota(jnp.int32, (16, BC), 1)
    m = lane < N
    ps1 = jnp.sum(jnp.where(m[:15], x1b, 0.0), axis=1, keepdims=True)
    ps2 = jnp.sum(jnp.where(m[:4], x2b, 0.0), axis=1, keepdims=True)
    col0 = jnp.concatenate([ps1, jnp.zeros((1, 1), _F32)], axis=0)
    col2 = jnp.concatenate([ps2, jnp.zeros((12, 1), _F32)], axis=0)
    ps = jnp.concatenate(
        [col0, jnp.zeros((16, 1), _F32), col2, jnp.zeros((16, 125), _F32)],
        axis=1)

    @pl.when(i == 0)
    def _():
        psum_ref[...] = ps

    @pl.when(i > 0)
    def _():
        psum_ref[...] += ps


def _y0_body(p_ref, h0_ref, c2_ref, spread_ref, WB1_ref, dis_ref, y0_ref):
    cnt = (p_ref[0] + p_ref[1]).astype(_F32)
    deg = jnp.dot(cnt, spread_ref[...], preferred_element_type=_F32) + 1.0
    dis = lax.rsqrt(deg)
    dis_ref[...] = dis
    y0 = (jnp.dot(h0_ref[...].astype(_F32), WB1_ref[...],
                  preferred_element_type=_F32)
          + c2_ref[...].astype(_F32)) * dis
    y0_ref[...] = y0.astype(_BF16)


def _layer_body(s_ref, y_ref, dis_ref, c2_ref, WB1_ref, bgt_ref, ynew_ref):
    dis = dis_ref[...]
    s = (s_ref[0] + s_ref[1] + y_ref[...]).astype(_F32)
    h = jnp.maximum(dis * s + bgt_ref[...], 0.0)
    ynew = (jnp.dot(h, WB1_ref[...],
                    preferred_element_type=_F32)
            + c2_ref[...].astype(_F32)) * dis
    ynew_ref[...] = ynew.astype(_BF16)


def _final_body(s_ref, y_ref, dis_ref, bgt_ref, out_ref):
    i = pl.program_id(0)
    s = (s_ref[0] + s_ref[1] + y_ref[...]).astype(_F32)
    h = jnp.maximum(dis_ref[...] * s + bgt_ref[...], 0.0)
    prid = i * BRP + lax.broadcasted_iota(jnp.int32, (BRP, 128), 0)
    ps = jnp.sum(jnp.where(prid < PK_VALID, h, 0.0), axis=0, keepdims=True)

    @pl.when(i == 0)
    def _():
        out_ref[...] = ps

    @pl.when(i > 0)
    def _():
        out_ref[...] += ps


def _const_spec(shape):
    nd = len(shape)
    return pl.BlockSpec(shape, lambda i: (0,) * nd)


_pre_call = pl.pallas_call(
    _pre_body,
    grid=(GPRE,),
    in_specs=[
        pl.BlockSpec((15, BC), lambda i: (0, i)),
        pl.BlockSpec((4, BC), lambda i: (0, i)),
        _const_spec((16, 128)),
        _const_spec((BC, BC)),
    ],
    out_specs=[
        pl.BlockSpec((KB, 128), lambda i: (i, 0)),
        pl.BlockSpec((KB, 128), lambda i: (i, 0)),
        pl.BlockSpec((16, 128), lambda i: (0, 0)),
    ],
    out_shape=[
        jax.ShapeDtypeStruct((PK, 128), _BF16),
        jax.ShapeDtypeStruct((PK, 128), _BF16),
        jax.ShapeDtypeStruct((16, 128), _F32),
    ],
)

_y0_call = pl.pallas_call(
    _y0_body,
    grid=(GPK,),
    in_specs=[
        pl.BlockSpec((2, BRP, 128), lambda i: (0, i, 0)),
        pl.BlockSpec((BRP, 128), lambda i: (i, 0)),
        pl.BlockSpec((BRP, 128), lambda i: (i, 0)),
        _const_spec((128, 128)),
        _const_spec((128, 128)),
    ],
    out_specs=[
        pl.BlockSpec((BRP, 128), lambda i: (i, 0)),
        pl.BlockSpec((BRP, 128), lambda i: (i, 0)),
    ],
    out_shape=[
        jax.ShapeDtypeStruct((PK, 128), _F32),
        jax.ShapeDtypeStruct((PK, 128), _BF16),
    ],
)

_layer_call = pl.pallas_call(
    _layer_body,
    grid=(GPK,),
    in_specs=[
        pl.BlockSpec((2, BRP, 128), lambda i: (0, i, 0)),
        pl.BlockSpec((BRP, 128), lambda i: (i, 0)),
        pl.BlockSpec((BRP, 128), lambda i: (i, 0)),
        pl.BlockSpec((BRP, 128), lambda i: (i, 0)),
        _const_spec((128, 128)),
        _const_spec((1, 128)),
    ],
    out_specs=pl.BlockSpec((BRP, 128), lambda i: (i, 0)),
    out_shape=jax.ShapeDtypeStruct((PK, 128), _BF16),
)

_final_call = pl.pallas_call(
    _final_body,
    grid=(GPK,),
    in_specs=[
        pl.BlockSpec((2, BRP, 128), lambda i: (0, i, 0)),
        pl.BlockSpec((BRP, 128), lambda i: (i, 0)),
        pl.BlockSpec((BRP, 128), lambda i: (i, 0)),
        _const_spec((1, 128)),
    ],
    out_specs=pl.BlockSpec((1, 128), lambda i: (0, 0)),
    out_shape=jax.ShapeDtypeStruct((1, 128), _F32),
)

_PERM = np.zeros((BC, BC), np.float32)
for _q in range(BC):
    _PERM[_q, 8 * (_q % KB) + (_q // KB)] = 1.0



def kernel(x1, x2, edges, W1, b1, Wg, bg, W3, b3, W4, b4):
    x1t = jnp.transpose(x1)
    x2t = jnp.tile(jnp.transpose(x2), (1, 20))
    edges_pk = edges.reshape(2 * NCHT, 128)

    W4a = jnp.zeros((16, 32), _F32).at[:15, :19].set(W4[:15])
    W4b16 = jnp.zeros((16, 32), _F32).at[:4, :19].set(W4[15:])
    Wg2 = jnp.zeros((32, 16), _F32).at[:19, :15].set(Wg[15:])
    wts = jnp.zeros((16, 128), _F32)
    wts = wts.at[:15, 0:15].set(W1.T)
    wts = wts.at[:, 16:31].set((W4a @ Wg2).T[:, :15])
    wts = wts.at[:, 32:36].set((W4b16 @ Wg2).T[:, :4])
    wts = wts.at[:15, 48].set(b1)
    wts = wts.at[:15, 49].set(b4 @ Wg[15:])
    A = jnp.asarray(_PERM)

    eye8 = jnp.eye(8, dtype=_F32)
    Wg1 = jnp.zeros((16, 16), _F32).at[:15, :15].set(Wg[:15])
    WB1 = jnp.kron(eye8, Wg1)
    spread = jnp.kron(eye8, jnp.zeros((16, 16), _F32).at[0, :].set(1.0))
    bgt = jnp.tile(jnp.zeros((16,), _F32).at[:15].set(bg), 8)[None, :]

    zeros_np16 = jnp.zeros((NP, 16), _BF16)
    ones_e0 = jnp.zeros((PK, 128), _BF16).at[:, 0::16].set(1.0)

    h0_pk, c2_pk, psums = _pre_call(x1t, x2t, wts, A)

    def step(carry, it):
        y, dis, _, _ = carry
        s = _sc_scatter(y.reshape(NP, 16), edges_pk, zeros_np16)
        s_pk = s.reshape(NCORE, PK, 128)

        def b0(_):
            d, y0 = _y0_call(s_pk, h0_pk, c2_pk, spread, WB1)
            return d, y0

        def bn(_):
            return dis, _layer_call(s_pk, y, dis, c2_pk, WB1, bgt)

        dis2, ynew = lax.cond(it == 0, b0, bn, None)
        return (ynew, dis2, s_pk, y), None

    carry0 = (ones_e0,
              jnp.zeros((PK, 128), _F32),
              jnp.zeros((NCORE, PK, 128), _BF16),
              jnp.zeros((PK, 128), _BF16))
    (_, dis, s5_pk, y4), _ = lax.scan(step, carry0, jnp.arange(6))
    ch5 = _final_call(s5_pk, y4, dis, bgt)

    ch5_16 = ch5.reshape(8, 16).sum(axis=0)
    x1sum = psums[:15, 0]
    x2sum = psums[:4, 2]
    bsum = x1sum @ W4[:15] + x2sum @ W4[15:] + N * b4
    val = (ch5_16[:15] @ W3[:15, 0] + bsum @ W3[15:, 0]) / N + b3[0]
    return jnp.tanh(val)

# --- scband reference (transcript-rebuilt; emitter-appended) ---
"""Pipeline reference for scband-model4-9620726743220 (READ-ONLY COPY).

The authoritative reference and input builder live on the scoring server;
editing this copy changes nothing except your own understanding.
"""

import jax, jax.numpy as jnp
import numpy as np

N = 100000
E = 1600000


def _gcn(x, edge_index, W, b):
    row = edge_index[0]
    col = edge_index[1]
    loop = jnp.arange(N, dtype=edge_index.dtype)
    row = jnp.concatenate([row, loop])
    col = jnp.concatenate([col, loop])
    deg = jnp.zeros((N,), jnp.float32).at[col].add(1.0)
    dis = jnp.where(deg > 0, jax.lax.rsqrt(jnp.maximum(deg, 1e-12)), 0.0)
    norm = dis[row] * dis[col]
    xw = x @ W
    msg = xw[row] * norm[:, None]
    out = jnp.zeros((N, W.shape[1]), jnp.float32).at[col].add(msg)
    return out + b


def setup_inputs(seed: int = 0):
    key = jax.random.key(seed)
    ks = jax.random.split(key, 12)
    x1 = jax.random.normal(ks[0], (N, 15), dtype=jnp.float32)
    x2 = jax.random.normal(ks[1], (N // 20, 4), dtype=jnp.float32)
    edges = jax.random.randint(ks[2], (2, E), 0, N, dtype=jnp.int32)
    W1 = jax.random.normal(ks[3], (15, 15), dtype=jnp.float32) / np.sqrt(15.0)
    b1 = jnp.zeros((15,), jnp.float32)
    Wg = jax.random.normal(ks[4], (34, 15), dtype=jnp.float32) / np.sqrt(34.0)
    bg = jnp.zeros((15,), jnp.float32)
    W3 = jax.random.normal(ks[5], (34, 1), dtype=jnp.float32) / np.sqrt(34.0)
    b3 = jnp.zeros((1,), jnp.float32)
    W4 = jax.random.normal(ks[6], (19, 19), dtype=jnp.float32) / np.sqrt(19.0)
    b4 = jnp.zeros((19,), jnp.float32)
    return {"x1": x1, "x2": x2, "edges": edges, "W1": W1, "b1": b1, "Wg": Wg, "bg": bg, "W3": W3, "b3": b3, "W4": W4, "b4": b4}


def reference(x1, x2, edges, W1, b1, Wg, bg, W3, b3, W4, b4):
    x2t = jnp.tile(x2, (20, 1))
    b = jnp.concatenate([x1, x2t], axis=1) @ W4 + b4
    a = jax.nn.relu(x1 @ W1 + b1)
    for _ in range(5):
        a = jax.nn.relu(_gcn(jnp.concatenate([a, b], axis=1), edges, Wg, bg))
    a = jnp.concatenate([a, b], axis=1) @ W3 + b3
    return jnp.tanh(a.mean())

if __name__ == "__main__":
    import jax
    _d = setup_inputs()
    print(jax.jit(kernel)(*tuple(_d.values())))

</pallas_src>

<mosaic_0001>
#map = affine_map<(d0, d1) -> (0, 0)>
#map1 = affine_map<(d0, d1) -> (0, 0, 0)>
module attributes {stable_mosaic.version = 14 : i64} {
  func.func @sc_scatter(%arg0: i32, %arg1: i32, %arg2: memref<100096x16xbf16, #tpu.memory_space<hbm>>, %arg3: memref<25000x128xi32, #tpu.memory_space<hbm>>, %arg4: memref<100096x16xbf16, #tpu.memory_space<hbm>>, %arg5: memref<2x100096x16xbf16, #tpu.memory_space<hbm>>, %arg6: memref<98x128xi32, #tpu.memory_space<vmem>>, %arg7: memref<98x128xi32, #tpu.memory_space<vmem>>, %arg8: memref<12x128x16xbf16, #tpu.memory_space<vmem>>, %arg9: memref<100096x16xbf16, #tpu.memory_space<vmem_shared>>, %arg10: memref<12x!tpu.dma_semaphore, #tpu.memory_space<semaphore_mem>>, %arg11: memref<!tpu.dma_semaphore, #tpu.memory_space<semaphore_mem>>) attributes {dimension_semantics = [#tpu.dimension_semantics<core_parallel>, #tpu.dimension_semantics<subcore_parallel>], iteration_bounds = array<i64: 2, 16>, scalar_prefetch = 0 : i64, scratch_operands = 6 : i64, tpu.core_type = #tpu.core_type<sc_vector_subcore>, window_params = [{transform_indices = #map}, {transform_indices = #map}, {transform_indices = #map}, {transform_indices = #map1}]} {
    %mul3A = arith.constant 16 : i32
    %mul3A_0 = arith.muli %arg0, %mul3A : i32
    %add3A = arith.addi %mul3A_0, %arg1 : i32
    %mul3A_1 = arith.constant 6256 : i32
    %mul3A_2 = arith.muli %arg1, %mul3A_1 : i32
    %mul3A_3 = arith.constant 6256 : i32
    %mul3A_4 = arith.muli %arg1, %mul3A_3 : i32
    "tpu.region"() ({
      %run_scoped3A = tpu.sem_alloc : memref<!tpu.dma_semaphore, #tpu.memory_space<semaphore_mem>>
      %dma_start3A_680 = arith.constant 0 : i32
      %dma_start3A_681 = tpu.memref_slice %arg9[%mul3A_4, %dma_start3A_680] : memref<100096x16xbf16, #tpu.memory_space<vmem_shared>> -> memref<6256x16xbf16, #tpu.memory_space<vmem_shared>>
      %dma_start3A_682 = arith.constant 0 : i32
      %dma_start3A_683 = tpu.memref_slice %arg4[%mul3A_2, %dma_start3A_682] : memref<100096x16xbf16, #tpu.memory_space<hbm>> -> memref<6256x16xbf16, #tpu.memory_space<hbm>>
      tpu.enqueue_dma source(%dma_start3A_683 : memref<6256x16xbf16, #tpu.memory_space<hbm>>) target(%dma_start3A_681 : memref<6256x16xbf16, #tpu.memory_space<vmem_shared>>) target_semaphore(%run_scoped3A : memref<!tpu.dma_semaphore, #tpu.memory_space<semaphore_mem>>)
      %dma_wait3A_684 = arith.constant 0 : i32
      %dma_wait3A_685 = tpu.memref_slice %arg9[%mul3A_4, %dma_wait3A_684] : memref<100096x16xbf16, #tpu.memory_space<vmem_shared>> -> memref<6256x16xbf16, #tpu.memory_space<vmem_shared>>
      %dma_wait3A_686 = arith.constant 0 : i32
      %dma_wait3A_687 = tpu.memref_slice %arg4[%mul3A_2, %dma_wait3A_686] : memref<100096x16xbf16, #tpu.memory_space<hbm>> -> memref<6256x16xbf16, #tpu.memory_space<hbm>>
      tpu.wait_dma2 semaphore(%run_scoped3A : memref<!tpu.dma_semaphore, #tpu.memory_space<semaphore_mem>>) src(%dma_wait3A_687 : memref<6256x16xbf16, #tpu.memory_space<hbm>>) dst(%dma_wait3A_685 : memref<6256x16xbf16, #tpu.memory_space<vmem_shared>>)
      tpu.yield
    }) : () -> ()
    %barrier3A = arith.constant 0 : index
    tpu.barrier barrier_id(%barrier3A)
    %mul3A_5 = arith.constant 390 : i32
    %mul3A_6 = arith.muli %add3A, %mul3A_5 : i32
    %add3A_7 = arith.constant 0 : i32
    %add3A_8 = arith.addi %mul3A_6, %add3A_7 : i32
    "tpu.region"() ({
      %run_scoped3A = tpu.sem_alloc : memref<!tpu.dma_semaphore, #tpu.memory_space<semaphore_mem>>
      %dma_start3A_680 = arith.constant 0 : i32
      %dma_start3A_681 = arith.constant 0 : i32
      %dma_start3A_682 = tpu.memref_slice %arg6[%dma_start3A_680, %dma_start3A_681] : memref<98x128xi32, #tpu.memory_space<vmem>> -> memref<98x128xi32, #tpu.memory_space<vmem>>
      %dma_start3A_683 = arith.constant 0 : i32
      %dma_start3A_684 = tpu.memref_slice %arg3[%add3A_8, %dma_start3A_683] : memref<25000x128xi32, #tpu.memory_space<hbm>> -> memref<98x128xi32, #tpu.memory_space<hbm>>
      %dma_start3A_685 = arith.constant 0 : i32
      %dma_start3A_686 = arith.constant 0 : i32
      %dma_start3A_687 = tpu.memref_slice %arg6[%dma_start3A_685, %dma_start3A_686] : memref<98x128xi32, #tpu.memory_space<vmem>> -> memref<98x128xi32, #tpu.memory_space<vmem>>
      %dma_start3A_688 = arith.constant 0 : i32
      %dma_start3A_689 = tpu.memref_slice %arg3[%add3A_8, %dma_start3A_688] : memref<25000x128xi32, #tpu.memory_space<hbm>> -> memref<98x128xi32, #tpu.memory_space<hbm>>
      tpu.enqueue_dma source(%dma_start3A_689 : memref<98x128xi32, #tpu.memory_space<hbm>>) target(%dma_start3A_687 : memref<98x128xi32, #tpu.memory_space<vmem>>) target_semaphore(%run_scoped3A : memref<!tpu.dma_semaphore, #tpu.memory_space<semaphore_mem>>)
      %dma_wait3A_690 = arith.constant 0 : i32
      %dma_wait3A_691 = arith.constant 0 : i32
      %dma_wait3A_692 = tpu.memref_slice %arg6[%dma_wait3A_690, %dma_wait3A_691] : memref<98x128xi32, #tpu.memory_space<vmem>> -> memref<98x128xi32, #tpu.memory_space<vmem>>
      %dma_wait3A_693 = arith.constant 0 : i32
      %dma_wait3A_694 = tpu.memref_slice %arg3[%add3A_8, %dma_wait3A_693] : memref<25000x128xi32, #tpu.memory_space<hbm>> -> memref<98x128xi32, #tpu.memory_space<hbm>>
      %dma_wait3A_695 = arith.constant 0 : i32
      %dma_wait3A_696 = arith.constant 0 : i32
      %dma_wait3A_697 = tpu.memref_slice %arg6[%dma_wait3A_695, %dma_wait3A_696] : memref<98x128xi32, #tpu.memory_space<vmem>> -> memref<98x128xi32, #tpu.memory_space<vmem>>
      %dma_wait3A_698 = arith.constant 0 : i32
      %dma_wait3A_699 = tpu.memref_slice %arg3[%add3A_8, %dma_wait3A_698] : memref<25000x128xi32, #tpu.memory_space<hbm>> -> memref<98x128xi32, #tpu.memory_space<hbm>>
      tpu.wait_dma2 semaphore(%run_scoped3A : memref<!tpu.dma_semaphore, #tpu.memory_space<semaphore_mem>>) src(%dma_wait3A_699 : memref<98x128xi32, #tpu.memory_space<hbm>>) dst(%dma_wait3A_697 : memref<98x128xi32, #tpu.memory_space<vmem>>)
      tpu.yield
    }) : () -> ()
    %mul3A_9 = arith.constant 390 : i32
    %mul3A_10 = arith.muli %add3A, %mul3A_9 : i32
    %add3A_11 = arith.constant 12500 : i32
    %add3A_12 = arith.addi %add3A_11, %mul3A_10 : i32
    %add3A_13 = arith.constant 0 : i32
    %add3A_14 = arith.addi %add3A_12, %add3A_13 : i32
    "tpu.region"() ({
      %run_scoped3A = tpu.sem_alloc : memref<!tpu.dma_semaphore, #tpu.memory_space<semaphore_mem>>
      %dma_start3A_680 = arith.constant 0 : i32
      %dma_start3A_681 = arith.constant 0 : i32
      %dma_start3A_682 = tpu.memref_slice %arg7[%dma_start3A_680, %dma_start3A_681] : memref<98x128xi32, #tpu.memory_space<vmem>> -> memref<98x128xi32, #tpu.memory_space<vmem>>
      %dma_start3A_683 = arith.constant 0 : i32
      %dma_start3A_684 = tpu.memref_slice %arg3[%add3A_14, %dma_start3A_683] : memref<25000x128xi32, #tpu.memory_space<hbm>> -> memref<98x128xi32, #tpu.memory_space<hbm>>
      %dma_start3A_685 = arith.constant 0 : i32
      %dma_start3A_686 = arith.constant 0 : i32
      %dma_start3A_687 = tpu.memref_slice %arg7[%dma_start3A_685, %dma_start3A_686] : memref<98x128xi32, #tpu.memory_space<vmem>> -> memref<98x128xi32, #tpu.memory_space<vmem>>
      %dma_start3A_688 = arith.constant 0 : i32
      %dma_start3A_689 = tpu.memref_slice %arg3[%add3A_14, %dma_start3A_688] : memref<25000x128xi32, #tpu.memory_space<hbm>> -> memref<98x128xi32, #tpu.memory_space<hbm>>
      tpu.enqueue_dma source(%dma_start3A_689 : memref<98x128xi32, #tpu.memory_space<hbm>>) target(%dma_start3A_687 : memref<98x128xi32, #tpu.memory_space<vmem>>) target_semaphore(%run_scoped3A : memref<!tpu.dma_semaphore, #tpu.memory_space<semaphore_mem>>)
      %dma_wait3A_690 = arith.constant 0 : i32
      %dma_wait3A_691 = arith.constant 0 : i32
      %dma_wait3A_692 = tpu.memref_slice %arg7[%dma_wait3A_690, %dma_wait3A_691] : memref<98x128xi32, #tpu.memory_space<vmem>> -> memref<98x128xi32, #tpu.memory_space<vmem>>
      %dma_wait3A_693 = arith.constant 0 : i32
      %dma_wait3A_694 = tpu.memref_slice %arg3[%add3A_14, %dma_wait3A_693] : memref<25000x128xi32, #tpu.memory_space<hbm>> -> memref<98x128xi32, #tpu.memory_space<hbm>>
      %dma_wait3A_695 = arith.constant 0 : i32
      %dma_wait3A_696 = arith.constant 0 : i32
      %dma_wait3A_697 = tpu.memref_slice %arg7[%dma_wait3A_695, %dma_wait3A_696] : memref<98x128xi32, #tpu.memory_space<vmem>> -> memref<98x128xi32, #tpu.memory_space<vmem>>
      %dma_wait3A_698 = arith.constant 0 : i32
      %dma_wait3A_699 = tpu.memref_slice %arg3[%add3A_14, %dma_wait3A_698] : memref<25000x128xi32, #tpu.memory_space<hbm>> -> memref<98x128xi32, #tpu.memory_space<hbm>>
      tpu.wait_dma2 semaphore(%run_scoped3A : memref<!tpu.dma_semaphore, #tpu.memory_space<semaphore_mem>>) src(%dma_wait3A_699 : memref<98x128xi32, #tpu.memory_space<hbm>>) dst(%dma_wait3A_697 : memref<98x128xi32, #tpu.memory_space<vmem>>)
      tpu.yield
    }) : () -> ()
    %dma_start3A = arith.constant 0 : i32
    %dma_start3A_15 = arith.constant 0 : i32
    %dma_start3A_16 = arith.constant 0 : i32
    %dma_start3A_17 = arith.constant 0 : i32
    %dma_start3A_18 = arith.constant 0 : i32
    %dma_start3A_19 = tpu.memref_slice %arg8[%dma_start3A_15, %dma_start3A_17, %dma_start3A_18] : memref<12x128x16xbf16, #tpu.memory_space<vmem>> -> memref<1x128x16xbf16, #tpu.memory_space<vmem>>
    %dma_start3A_20 = tpu.memref_squeeze %dma_start3A_19 : memref<1x128x16xbf16, #tpu.memory_space<vmem>> -> memref<128x16xbf16, #tpu.memory_space<vmem>>
    %dma_start3A_21 = arith.constant 0 : i32
    %dma_start3A_22 = tpu.memref_slice %arg6[%dma_start3A, %dma_start3A_21] : memref<98x128xi32, #tpu.memory_space<vmem>> -> memref<1x128xi32, #tpu.memory_space<vmem>>
    %dma_start3A_23 = tpu.memref_squeeze %dma_start3A_22 : memref<1x128xi32, #tpu.memory_space<vmem>> -> memref<128xi32, #tpu.memory_space<vmem>>
    %dma_start3A_24 = arith.constant 0 : i32
    %dma_start3A_25 = arith.constant 0 : i32
    %dma_start3A_26 = tpu.memref_slice %arg2[%dma_start3A_24, %dma_start3A_25] : memref<100096x16xbf16, #tpu.memory_space<hbm>> -> memref<100096x16xbf16, #tpu.memory_space<hbm>>
    %dma_start3A_27 = tpu.memref_slice %arg10[%dma_start3A_16] : memref<12x!tpu.dma_semaphore, #tpu.memory_space<semaphore_mem>> -> memref<1x!tpu.dma_semaphore, #tpu.memory_space<semaphore_mem>>
    %dma_start3A_28 = tpu.memref_squeeze %dma_start3A_27 : memref<1x!tpu.dma_semaphore, #tpu.memory_space<semaphore_mem>> -> memref<!tpu.dma_semaphore, #tpu.memory_space<semaphore_mem>>
    tpu.enqueue_indirect_dma source(%dma_start3A_26 : memref<100096x16xbf16, #tpu.memory_space<hbm>>) target(%dma_start3A_20 : memref<128x16xbf16, #tpu.memory_space<vmem>>) offsets(%dma_start3A_23 : memref<128xi32, #tpu.memory_space<vmem>>) semaphore(%dma_start3A_28 : memref<!tpu.dma_semaphore, #tpu.memory_space<semaphore_mem>>)
    %dma_start3A_29 = arith.constant 1 : i32
    %dma_start3A_30 = arith.constant 1 : i32
    %dma_start3A_31 = arith.constant 1 : i32
    %dma_start3A_32 = arith.constant 0 : i32
    %dma_start3A_33 = arith.constant 0 : i32
    %dma_start3A_34 = tpu.memref_slice %arg8[%dma_start3A_30, %dma_start3A_32, %dma_start3A_33] : memref<12x128x16xbf16, #tpu.memory_space<vmem>> -> memref<1x128x16xbf16, #tpu.memory_space<vmem>>
    %dma_start3A_35 = tpu.memref_squeeze %dma_start3A_34 : memref<1x128x16xbf16, #tpu.memory_space<vmem>> -> memref<128x16xbf16, #tpu.memory_space<vmem>>
    %dma_start3A_36 = arith.constant 0 : i32
    %dma_start3A_37 = tpu.memref_slice %arg6[%dma_start3A_29, %dma_start3A_36] : memref<98x128xi32, #tpu.memory_space<vmem>> -> memref<1x128xi32, #tpu.memory_space<vmem>>
    %dma_start3A_38 = tpu.memref_squeeze %dma_start3A_37 : memref<1x128xi32, #tpu.memory_space<vmem>> -> memref<128xi32, #tpu.memory_space<vmem>>
    %dma_start3A_39 = arith.constant 0 : i32
    %dma_start3A_40 = arith.constant 0 : i32
    %dma_start3A_41 = tpu.memref_slice %arg2[%dma_start3A_39, %dma_start3A_40] : memref<100096x16xbf16, #tpu.memory_space<hbm>> -> memref<100096x16xbf16, #tpu.memory_space<hbm>>
    %dma_start3A_42 = tpu.memref_slice %arg10[%dma_start3A_31] : memref<12x!tpu.dma_semaphore, #tpu.memory_space<semaphore_mem>> -> memref<1x!tpu.dma_semaphore, #tpu.memory_space<semaphore_mem>>
    %dma_start3A_43 = tpu.memref_squeeze %dma_start3A_42 : memref<1x!tpu.dma_semaphore, #tpu.memory_space<semaphore_mem>> -> memref<!tpu.dma_semaphore, #tpu.memory_space<semaphore_mem>>
    tpu.enqueue_indirect_dma source(%dma_start3A_41 : memref<100096x16xbf16, #tpu.memory_space<hbm>>) target(%dma_start3A_35 : memref<128x16xbf16, #tpu.memory_space<vmem>>) offsets(%dma_start3A_38 : memref<128xi32, #tpu.memory_space<vmem>>) semaphore(%dma_start3A_43 : memref<!tpu.dma_semaphore, #tpu.memory_space<semaphore_mem>>)
    %dma_start3A_44 = arith.constant 2 : i32
    %dma_start3A_45 = arith.constant 2 : i32
    %dma_start3A_46 = arith.constant 2 : i32
    %dma_start3A_47 = arith.constant 0 : i32
    %dma_start3A_48 = arith.constant 0 : i32
    %dma_start3A_49 = tpu.memref_slice %arg8[%dma_start3A_45, %dma_start3A_47, %dma_start3A_48] : memref<12x128x16xbf16, #tpu.memory_space<vmem>> -> memref<1x128x16xbf16, #tpu.memory_space<vmem>>
    %dma_start3A_50 = tpu.memref_squeeze %dma_start3A_49 : memref<1x128x16xbf16, #tpu.memory_space<vmem>> -> memref<128x16xbf16, #tpu.memory_space<vmem>>
    %dma_start3A_51 = arith.constant 0 : i32
    %dma_start3A_52 = tpu.memref_slice %arg6[%dma_start3A_44, %dma_start3A_51] : memref<98x128xi32, #tpu.memory_space<vmem>> -> memref<1x128xi32, #tpu.memory_space<vmem>>
    %dma_start3A_53 = tpu.memref_squeeze %dma_start3A_52 : memref<1x128xi32, #tpu.memory_space<vmem>> -> memref<128xi32, #tpu.memory_space<vmem>>
    %dma_start3A_54 = arith.constant 0 : i32
    %dma_start3A_55 = arith.constant 0 : i32
    %dma_start3A_56 = tpu.memref_slice %arg2[%dma_start3A_54, %dma_start3A_55] : memref<100096x16xbf16, #tpu.memory_space<hbm>> -> memref<100096x16xbf16, #tpu.memory_space<hbm>>
    %dma_start3A_57 = tpu.memref_slice %arg10[%dma_start3A_46] : memref<12x!tpu.dma_semaphore, #tpu.memory_space<semaphore_mem>> -> memref<1x!tpu.dma_semaphore, #tpu.memory_space<semaphore_mem>>
    %dma_start3A_58 = tpu.memref_squeeze %dma_start3A_57 : memref<1x!tpu.dma_semaphore, #tpu.memory_space<semaphore_mem>> -> memref<!tpu.dma_semaphore, #tpu.memory_space<semaphore_mem>>
    tpu.enqueue_indirect_dma source(%dma_start3A_56 : memref<100096x16xbf16, #tpu.memory_space<hbm>>) target(%dma_start3A_50 : memref<128x16xbf16, #tpu.memory_space<vmem>>) offsets(%dma_start3A_53 : memref<128xi32, #tpu.memory_space<vmem>>) semaphore(%dma_start3A_58 : memref<!tpu.dma_semaphore, #tpu.memory_space<semaphore_mem>>)
    %dma_start3A_59 = arith.constant 3 : i32
    %dma_start3A_60 = arith.constant 3 : i32
    %dma_start3A_61 = arith.constant 3 : i32
    %dma_start3A_62 = arith.constant 0 : i32
    %dma_start3A_63 = arith.constant 0 : i32
    %dma_start3A_64 = tpu.memref_slice %arg8[%dma_start3A_60, %dma_start3A_62, %dma_start3A_63] : memref<12x128x16xbf16, #tpu.memory_space<vmem>> -> memref<1x128x16xbf16, #tpu.memory_space<vmem>>
    %dma_start3A_65 = tpu.memref_squeeze %dma_start3A_64 : memref<1x128x16xbf16, #tpu.memory_space<vmem>> -> memref<128x16xbf16, #tpu.memory_space<vmem>>
    %dma_start3A_66 = arith.constant 0 : i32
    %dma_start3A_67 = tpu.memref_slice %arg6[%dma_start3A_59, %dma_start3A_66] : memref<98x128xi32, #tpu.memory_space<vmem>> -> memref<1x128xi32, #tpu.memory_space<vmem>>
    %dma_start3A_68 = tpu.memref_squeeze %dma_start3A_67 : memref<1x128xi32, #tpu.memory_space<vmem>> -> memref<128xi32, #tpu.memory_space<vmem>>
    %dma_start3A_69 = arith.constant 0 : i32
    %dma_start3A_70 = arith.constant 0 : i32
    %dma_start3A_71 = tpu.memref_slice %arg2[%dma_start3A_69, %dma_start3A_70] : memref<100096x16xbf16, #tpu.memory_space<hbm>> -> memref<100096x16xbf16, #tpu.memory_space<hbm>>
    %dma_start3A_72 = tpu.memref_slice %arg10[%dma_start3A_61] : memref<12x!tpu.dma_semaphore, #tpu.memory_space<semaphore_mem>> -> memref<1x!tpu.dma_semaphore, #tpu.memory_space<semaphore_mem>>
    %dma_start3A_73 = tpu.memref_squeeze %dma_start3A_72 : memref<1x!tpu.dma_semaphore, #tpu.memory_space<semaphore_mem>> -> memref<!tpu.dma_semaphore, #tpu.memory_space<semaphore_mem>>
    tpu.enqueue_indirect_dma source(%dma_start3A_71 : memref<100096x16xbf16, #tpu.memory_space<hbm>>) target(%dma_start3A_65 : memref<128x16xbf16, #tpu.memory_space<vmem>>) offsets(%dma_start3A_68 : memref<128xi32, #tpu.memory_space<vmem>>) semaphore(%dma_start3A_73 : memref<!tpu.dma_semaphore, #tpu.memory_space<semaphore_mem>>)
    %dma_start3A_74 = arith.constant 4 : i32
    %dma_start3A_75 = arith.constant 4 : i32
    %dma_start3A_76 = arith.constant 4 : i32
    %dma_start3A_77 = arith.constant 0 : i32
    %dma_start3A_78 = arith.constant 0 : i32
    %dma_start3A_79 = tpu.memref_slice %arg8[%dma_start3A_75, %dma_start3A_77, %dma_start3A_78] : memref<12x128x16xbf16, #tpu.memory_space<vmem>> -> memref<1x128x16xbf16, #tpu.memory_space<vmem>>
    %dma_start3A_80 = tpu.memref_squeeze %dma_start3A_79 : memref<1x128x16xbf16, #tpu.memory_space<vmem>> -> memref<128x16xbf16, #tpu.memory_space<vmem>>
    %dma_start3A_81 = arith.constant 0 : i32
    %dma_start3A_82 = tpu.memref_slice %arg6[%dma_start3A_74, %dma_start3A_81] : memref<98x128xi32, #tpu.memory_space<vmem>> -> memref<1x128xi32, #tpu.memory_space<vmem>>
    %dma_start3A_83 = tpu.memref_squeeze %dma_start3A_82 : memref<1x128xi32, #tpu.memory_space<vmem>> -> memref<128xi32, #tpu.memory_space<vmem>>
    %dma_start3A_84 = arith.constant 0 : i32
    %dma_start3A_85 = arith.constant 0 : i32
    %dma_start3A_86 = tpu.memref_slice %arg2[%dma_start3A_84, %dma_start3A_85] : memref<100096x16xbf16, #tpu.memory_space<hbm>> -> memref<100096x16xbf16, #tpu.memory_space<hbm>>
    %dma_start3A_87 = tpu.memref_slice %arg10[%dma_start3A_76] : memref<12x!tpu.dma_semaphore, #tpu.memory_space<semaphore_mem>> -> memref<1x!tpu.dma_semaphore, #tpu.memory_space<semaphore_mem>>
    %dma_start3A_88 = tpu.memref_squeeze %dma_start3A_87 : memref<1x!tpu.dma_semaphore, #tpu.memory_space<semaphore_mem>> -> memref<!tpu.dma_semaphore, #tpu.memory_space<semaphore_mem>>
    tpu.enqueue_indirect_dma source(%dma_start3A_86 : memref<100096x16xbf16, #tpu.memory_space<hbm>>) target(%dma_start3A_80 : memref<128x16xbf16, #tpu.memory_space<vmem>>) offsets(%dma_start3A_83 : memref<128xi32, #tpu.memory_space<vmem>>) semaphore(%dma_start3A_88 : memref<!tpu.dma_semaphore, #tpu.memory_space<semaphore_mem>>)
    %dma_start3A_89 = arith.constant 5 : i32
    %dma_start3A_90 = arith.constant 5 : i32
    %dma_start3A_91 = arith.constant 5 : i32
    %dma_start3A_92 = arith.constant 0 : i32
    %dma_start3A_93 = arith.constant 0 : i32
    %dma_start3A_94 = tpu.memref_slice %arg8[%dma_start3A_90, %dma_start3A_92, %dma_start3A_93] : memref<12x128x16xbf16, #tpu.memory_space<vmem>> -> memref<1x128x16xbf16, #tpu.memory_space<vmem>>
    %dma_start3A_95 = tpu.memref_squeeze %dma_start3A_94 : memref<1x128x16xbf16, #tpu.memory_space<vmem>> -> memref<128x16xbf16, #tpu.memory_space<vmem>>
    %dma_start3A_96 = arith.constant 0 : i32
    %dma_start3A_97 = tpu.memref_slice %arg6[%dma_start3A_89, %dma_start3A_96] : memref<98x128xi32, #tpu.memory_space<vmem>> -> memref<1x128xi32, #tpu.memory_space<vmem>>
    %dma_start3A_98 = tpu.memref_squeeze %dma_start3A_97 : memref<1x128xi32, #tpu.memory_space<vmem>> -> memref<128xi32, #tpu.memory_space<vmem>>
    %dma_start3A_99 = arith.constant 0 : i32
    %dma_start3A_100 = arith.constant 0 : i32
    %dma_start3A_101 = tpu.memref_slice %arg2[%dma_start3A_99, %dma_start3A_100] : memref<100096x16xbf16, #tpu.memory_space<hbm>> -> memref<100096x16xbf16, #tpu.memory_space<hbm>>
    %dma_start3A_102 = tpu.memref_slice %arg10[%dma_start3A_91] : memref<12x!tpu.dma_semaphore, #tpu.memory_space<semaphore_mem>> -> memref<1x!tpu.dma_semaphore, #tpu.memory_space<semaphore_mem>>
    %dma_start3A_103 = tpu.memref_squeeze %dma_start3A_102 : memref<1x!tpu.dma_semaphore, #tpu.memory_space<semaphore_mem>> -> memref<!tpu.dma_semaphore, #tpu.memory_space<semaphore_mem>>
    tpu.enqueue_indirect_dma source(%dma_start3A_101 : memref<100096x16xbf16, #tpu.memory_space<hbm>>) target(%dma_start3A_95 : memref<128x16xbf16, #tpu.memory_space<vmem>>) offsets(%dma_start3A_98 : memref<128xi32, #tpu.memory_space<vmem>>) semaphore(%dma_start3A_103 : memref<!tpu.dma_semaphore, #tpu.memory_space<semaphore_mem>>)
    %scan3A = arith.constant 0 : i32
    %scan3A_104 = arith.constant 0 : i32
    %scan3A_105 = arith.constant 98 : i32
    %scan3A_106 = arith.addi %scan3A_104, %scan3A_105 : i32
    %scan3A_107 = arith.constant 1 : i32
    scf.for %scan3A_680 = %scan3A_104 to %scan3A_106 step %scan3A_107  : i32 {
      %jit3A_681 = arith.constant 12 : i32
      %eq3A = arith.constant 0 : i32
      %eq3A_682 = arith.cmpi eq, %jit3A_681, %eq3A : i32
      %jit3A_683 = arith.constant 1 : i32
      %select_n3A_684 = arith.select %eq3A_682, %jit3A_683, %jit3A_681 : i32
      %rem3A = arith.remsi %scan3A_680, %select_n3A_684 : i32
      %ne3A = arith.constant 0 : i32
      %ne3A_685 = arith.cmpi ne, %rem3A, %ne3A : i32
      %lt3A_686 = arith.constant 0 : i32
      %lt3A_687 = arith.cmpi slt, %rem3A, %lt3A_686 : i32
      %lt3A_688 = arith.constant 0 : i32
      %lt3A_689 = arith.cmpi slt, %select_n3A_684, %lt3A_688 : i32
      %ne3A_690 = arith.xori %lt3A_687, %lt3A_689 : i1
      %and3A = arith.andi %ne3A_690, %ne3A_685 : i1
      %add3A_691 = arith.addi %rem3A, %select_n3A_684 : i32
      %select_n3A_692 = arith.select %and3A, %add3A_691, %rem3A : i32
      %jit3A_693 = arith.constant 12 : i32
      %eq3A_694 = arith.constant 0 : i32
      %eq3A_695 = arith.cmpi eq, %jit3A_693, %eq3A_694 : i32
      %jit3A_696 = arith.constant 1 : i32
      %select_n3A_697 = arith.select %eq3A_695, %jit3A_696, %jit3A_693 : i32
      %rem3A_698 = arith.remsi %scan3A_680, %select_n3A_697 : i32
      %ne3A_699 = arith.constant 0 : i32
      %ne3A_700 = arith.cmpi ne, %rem3A_698, %ne3A_699 : i32
      %lt3A_701 = arith.constant 0 : i32
      %lt3A_702 = arith.cmpi slt, %rem3A_698, %lt3A_701 : i32
      %lt3A_703 = arith.constant 0 : i32
      %lt3A_704 = arith.cmpi slt, %select_n3A_697, %lt3A_703 : i32
      %ne3A_705 = arith.xori %lt3A_702, %lt3A_704 : i1
      %and3A_706 = arith.andi %ne3A_705, %ne3A_700 : i1
      %add3A_707 = arith.addi %rem3A_698, %select_n3A_697 : i32
      %select_n3A_708 = arith.select %and3A_706, %add3A_707, %rem3A_698 : i32
      %dma_wait3A_709 = arith.constant 0 : i32
      %dma_wait3A_710 = arith.constant 0 : i32
      %dma_wait3A_711 = tpu.memref_slice %arg8[%select_n3A_692, %dma_wait3A_709, %dma_wait3A_710] : memref<12x128x16xbf16, #tpu.memory_space<vmem>> -> memref<1x128x16xbf16, #tpu.memory_space<vmem>>
      %dma_wait3A_712 = tpu.memref_squeeze %dma_wait3A_711 : memref<1x128x16xbf16, #tpu.memory_space<vmem>> -> memref<128x16xbf16, #tpu.memory_space<vmem>>
      %dma_wait3A_713 = arith.constant 0 : i32
      %dma_wait3A_714 = tpu.memref_slice %arg6[%scan3A_680, %dma_wait3A_713] : memref<98x128xi32, #tpu.memory_space<vmem>> -> memref<1x128xi32, #tpu.memory_space<vmem>>
      %dma_wait3A_715 = tpu.memref_squeeze %dma_wait3A_714 : memref<1x128xi32, #tpu.memory_space<vmem>> -> memref<128xi32, #tpu.memory_space<vmem>>
      %dma_wait3A_716 = arith.constant 0 : i32
      %dma_wait3A_717 = arith.constant 0 : i32
      %dma_wait3A_718 = tpu.memref_slice %arg2[%dma_wait3A_716, %dma_wait3A_717] : memref<100096x16xbf16, #tpu.memory_space<hbm>> -> memref<100096x16xbf16, #tpu.memory_space<hbm>>
      %dma_wait3A_719 = tpu.memref_slice %arg10[%select_n3A_708] : memref<12x!tpu.dma_semaphore, #tpu.memory_space<semaphore_mem>> -> memref<1x!tpu.dma_semaphore, #tpu.memory_space<semaphore_mem>>
      %dma_wait3A_720 = tpu.memref_squeeze %dma_wait3A_719 : memref<1x!tpu.dma_semaphore, #tpu.memory_space<semaphore_mem>> -> memref<!tpu.dma_semaphore, #tpu.memory_space<semaphore_mem>>
      tpu.wait_indirect_dma semaphore(%dma_wait3A_720 : memref<!tpu.dma_semaphore, #tpu.memory_space<semaphore_mem>>) src(%dma_wait3A_718 : memref<100096x16xbf16, #tpu.memory_space<hbm>>) dst(%dma_wait3A_712 : memref<128x16xbf16, #tpu.memory_space<vmem>>)
      %jit3A_721 = arith.constant 12 : i32
      %eq3A_722 = arith.constant 0 : i32
      %eq3A_723 = arith.cmpi eq, %jit3A_721, %eq3A_722 : i32
      %jit3A_724 = arith.constant 1 : i32
      %select_n3A_725 = arith.select %eq3A_723, %jit3A_724, %jit3A_721 : i32
      %rem3A_726 = arith.remsi %scan3A_680, %select_n3A_725 : i32
      %ne3A_727 = arith.constant 0 : i32
      %ne3A_728 = arith.cmpi ne, %rem3A_726, %ne3A_727 : i32
      %lt3A_729 = arith.constant 0 : i32
      %lt3A_730 = arith.cmpi slt, %rem3A_726, %lt3A_729 : i32
      %lt3A_731 = arith.constant 0 : i32
      %lt3A_732 = arith.cmpi slt, %select_n3A_725, %lt3A_731 : i32
      %ne3A_733 = arith.xori %lt3A_730, %lt3A_732 : i1
      %and3A_734 = arith.andi %ne3A_733, %ne3A_728 : i1
      %add3A_735 = arith.addi %rem3A_726, %select_n3A_725 : i32
      %select_n3A_736 = arith.select %and3A_734, %add3A_735, %rem3A_726 : i32
      %dma_start3A_737 = arith.constant 0 : i32
      %dma_start3A_738 = arith.constant 0 : i32
      %dma_start3A_739 = tpu.memref_slice %arg8[%select_n3A_736, %dma_start3A_737, %dma_start3A_738] : memref<12x128x16xbf16, #tpu.memory_space<vmem>> -> memref<1x128x16xbf16, #tpu.memory_space<vmem>>
      %dma_start3A_740 = tpu.memref_squeeze %dma_start3A_739 : memref<1x128x16xbf16, #tpu.memory_space<vmem>> -> memref<128x16xbf16, #tpu.memory_space<vmem>>
      %dma_start3A_741 = arith.constant 0 : i32
      %dma_start3A_742 = tpu.memref_slice %arg7[%scan3A_680, %dma_start3A_741] : memref<98x128xi32, #tpu.memory_space<vmem>> -> memref<1x128xi32, #tpu.memory_space<vmem>>
      %dma_start3A_743 = tpu.memref_squeeze %dma_start3A_742 : memref<1x128xi32, #tpu.memory_space<vmem>> -> memref<128xi32, #tpu.memory_space<vmem>>
      %dma_start3A_744 = arith.constant 0 : i32
      %dma_start3A_745 = arith.constant 0 : i32
      %dma_start3A_746 = tpu.memref_slice %arg9[%dma_start3A_744, %dma_start3A_745] : memref<100096x16xbf16, #tpu.memory_space<vmem_shared>> -> memref<100096x16xbf16, #tpu.memory_space<vmem_shared>>
      tpu.enqueue_indirect_dma source(%dma_start3A_740 : memref<128x16xbf16, #tpu.memory_space<vmem>>) target(%dma_start3A_746 : memref<100096x16xbf16, #tpu.memory_space<vmem_shared>>) offsets(%dma_start3A_743 : memref<128xi32, #tpu.memory_space<vmem>>) semaphore(%arg11 : memref<!tpu.dma_semaphore, #tpu.memory_space<semaphore_mem>>) {add = true}
      %ge3A = arith.constant 6 : i32
      %ge3A_747 = arith.cmpi sge, %scan3A_680, %ge3A : i32
      %convert_element_type3A_748 = arith.extui %ge3A_747 : i1 to i32
      %cond3A_749 = arith.constant 0 : i32
      %cond3A_750 = arith.cmpi ne, %convert_element_type3A_748, %cond3A_749 : i32
      scf.if %cond3A_750 {
        %dma_wait3A_758 = arith.constant 0 : i32
        %dma_wait3A_759 = arith.constant 0 : i32
        %dma_wait3A_760 = arith.constant 0 : i32
        %dma_wait3A_761 = tpu.memref_slice %arg8[%dma_wait3A_758, %dma_wait3A_759, %dma_wait3A_760] : memref<12x128x16xbf16, #tpu.memory_space<vmem>> -> memref<1x128x16xbf16, #tpu.memory_space<vmem>>
        %dma_wait3A_762 = tpu.memref_squeeze %dma_wait3A_761 : memref<1x128x16xbf16, #tpu.memory_space<vmem>> -> memref<128x16xbf16, #tpu.memory_space<vmem>>
        %dma_wait3A_763 = arith.constant 0 : i32
        %dma_wait3A_764 = arith.constant 0 : i32
        %dma_wait3A_765 = tpu.memref_slice %arg2[%dma_wait3A_763, %dma_wait3A_764] : memref<100096x16xbf16, #tpu.memory_space<hbm>> -> memref<128x16xbf16, #tpu.memory_space<hbm>>
        %dma_wait3A_766 = arith.constant 0 : i32
        %dma_wait3A_767 = arith.constant 0 : i32
        %dma_wait3A_768 = tpu.memref_slice %arg8[%dma_wait3A_758, %dma_wait3A_766, %dma_wait3A_767] : memref<12x128x16xbf16, #tpu.memory_space<vmem>> -> memref<1x128x16xbf16, #tpu.memory_space<vmem>>
        %dma_wait3A_769 = tpu.memref_squeeze %dma_wait3A_768 : memref<1x128x16xbf16, #tpu.memory_space<vmem>> -> memref<128x16xbf16, #tpu.memory_space<vmem>>
        %dma_wait3A_770 = arith.constant 0 : i32
        %dma_wait3A_771 = arith.constant 0 : i32
        %dma_wait3A_772 = tpu.memref_slice %arg2[%dma_wait3A_770, %dma_wait3A_771] : memref<100096x16xbf16, #tpu.memory_space<hbm>> -> memref<128x16xbf16, #tpu.memory_space<hbm>>
        tpu.wait_dma2 semaphore(%arg11 : memref<!tpu.dma_semaphore, #tpu.memory_space<semaphore_mem>>) src(%dma_wait3A_772 : memref<128x16xbf16, #tpu.memory_space<hbm>>) dst(%dma_wait3A_769 : memref<128x16xbf16, #tpu.memory_space<vmem>>)
      } else {
      }
      %add3A_751 = arith.constant 6 : i32
      %add3A_752 = arith.addi %scan3A_680, %add3A_751 : i32
      %lt3A_753 = arith.constant 98 : i32
      %lt3A_754 = arith.cmpi slt, %add3A_752, %lt3A_753 : i32
      %convert_element_type3A_755 = arith.extui %lt3A_754 : i1 to i32
      %cond3A_756 = arith.constant 0 : i32
      %cond3A_757 = arith.cmpi ne, %convert_element_type3A_755, %cond3A_756 : i32
      scf.if %cond3A_757 {
        %add3A_758 = arith.constant 6 : i32
        %add3A_759 = arith.addi %scan3A_680, %add3A_758 : i32
        %jit3A_760 = arith.constant 12 : i32
        %eq3A_761 = arith.constant 0 : i32
        %eq3A_762 = arith.cmpi eq, %jit3A_760, %eq3A_761 : i32
        %jit3A_763 = arith.constant 1 : i32
        %select_n3A_764 = arith.select %eq3A_762, %jit3A_763, %jit3A_760 : i32
        %rem3A_765 = arith.remsi %add3A_759, %select_n3A_764 : i32
        %ne3A_766 = arith.constant 0 : i32
        %ne3A_767 = arith.cmpi ne, %rem3A_765, %ne3A_766 : i32
        %lt3A_768 = arith.constant 0 : i32
        %lt3A_769 = arith.cmpi slt, %rem3A_765, %lt3A_768 : i32
        %lt3A_770 = arith.constant 0 : i32
        %lt3A_771 = arith.cmpi slt, %select_n3A_764, %lt3A_770 : i32
        %ne3A_772 = arith.xori %lt3A_769, %lt3A_771 : i1
        %and3A_773 = arith.andi %ne3A_772, %ne3A_767 : i1
        %add3A_774 = arith.addi %rem3A_765, %select_n3A_764 : i32
        %select_n3A_775 = arith.select %and3A_773, %add3A_774, %rem3A_765 : i32
        %jit3A_776 = arith.constant 12 : i32
        %eq3A_777 = arith.constant 0 : i32
        %eq3A_778 = arith.cmpi eq, %jit3A_776, %eq3A_777 : i32
        %jit3A_779 = arith.constant 1 : i32
        %select_n3A_780 = arith.select %eq3A_778, %jit3A_779, %jit3A_776 : i32
        %rem3A_781 = arith.remsi %add3A_759, %select_n3A_780 : i32
        %ne3A_782 = arith.constant 0 : i32
        %ne3A_783 = arith.cmpi ne, %rem3A_781, %ne3A_782 : i32
        %lt3A_784 = arith.constant 0 : i32
        %lt3A_785 = arith.cmpi slt, %rem3A_781, %lt3A_784 : i32
        %lt3A_786 = arith.constant 0 : i32
        %lt3A_787 = arith.cmpi slt, %select_n3A_780, %lt3A_786 : i32
        %ne3A_788 = arith.xori %lt3A_785, %lt3A_787 : i1
        %and3A_789 = arith.andi %ne3A_788, %ne3A_783 : i1
        %add3A_790 = arith.addi %rem3A_781, %select_n3A_780 : i32
        %select_n3A_791 = arith.select %and3A_789, %add3A_790, %rem3A_781 : i32
        %dma_start3A_792 = arith.constant 0 : i32
        %dma_start3A_793 = arith.constant 0 : i32
        %dma_start3A_794 = tpu.memref_slice %arg8[%select_n3A_775, %dma_start3A_792, %dma_start3A_793] : memref<12x128x16xbf16, #tpu.memory_space<vmem>> -> memref<1x128x16xbf16, #tpu.memory_space<vmem>>
        %dma_start3A_795 = tpu.memref_squeeze %dma_start3A_794 : memref<1x128x16xbf16, #tpu.memory_space<vmem>> -> memref<128x16xbf16, #tpu.memory_space<vmem>>
        %dma_start3A_796 = arith.constant 0 : i32
        %dma_start3A_797 = tpu.memref_slice %arg6[%add3A_759, %dma_start3A_796] : memref<98x128xi32, #tpu.memory_space<vmem>> -> memref<1x128xi32, #tpu.memory_space<vmem>>
        %dma_start3A_798 = tpu.memref_squeeze %dma_start3A_797 : memref<1x128xi32, #tpu.memory_space<vmem>> -> memref<128xi32, #tpu.memory_space<vmem>>
        %dma_start3A_799 = arith.constant 0 : i32
        %dma_start3A_800 = arith.constant 0 : i32
        %dma_start3A_801 = tpu.memref_slice %arg2[%dma_start3A_799, %dma_start3A_800] : memref<100096x16xbf16, #tpu.memory_space<hbm>> -> memref<100096x16xbf16, #tpu.memory_space<hbm>>
        %dma_start3A_802 = tpu.memref_slice %arg10[%select_n3A_791] : memref<12x!tpu.dma_semaphore, #tpu.memory_space<semaphore_mem>> -> memref<1x!tpu.dma_semaphore, #tpu.memory_space<semaphore_mem>>
        %dma_start3A_803 = tpu.memref_squeeze %dma_start3A_802 : memref<1x!tpu.dma_semaphore, #tpu.memory_space<semaphore_mem>> -> memref<!tpu.dma_semaphore, #tpu.memory_space<semaphore_mem>>
        tpu.enqueue_indirect_dma source(%dma_start3A_801 : memref<100096x16xbf16, #tpu.memory_space<hbm>>) target(%dma_start3A_795 : memref<128x16xbf16, #tpu.memory_space<vmem>>) offsets(%dma_start3A_798 : memref<128xi32, #tpu.memory_space<vmem>>) semaphore(%dma_start3A_803 : memref<!tpu.dma_semaphore, #tpu.memory_space<semaphore_mem>>)
      } else {
      }
    }
    %scan3A_108 = arith.constant 98 : i32
    %dma_wait3A = arith.constant 0 : i32
    %dma_wait3A_109 = arith.constant 0 : i32
    %dma_wait3A_110 = arith.constant 0 : i32
    %dma_wait3A_111 = tpu.memref_slice %arg8[%dma_wait3A, %dma_wait3A_109, %dma_wait3A_110] : memref<12x128x16xbf16, #tpu.memory_space<vmem>> -> memref<1x128x16xbf16, #tpu.memory_space<vmem>>
    %dma_wait3A_112 = tpu.memref_squeeze %dma_wait3A_111 : memref<1x128x16xbf16, #tpu.memory_space<vmem>> -> memref<128x16xbf16, #tpu.memory_space<vmem>>
    %dma_wait3A_113 = arith.constant 0 : i32
    %dma_wait3A_114 = arith.constant 0 : i32
    %dma_wait3A_115 = tpu.memref_slice %arg2[%dma_wait3A_113, %dma_wait3A_114] : memref<100096x16xbf16, #tpu.memory_space<hbm>> -> memref<128x16xbf16, #tpu.memory_space<hbm>>
    %dma_wait3A_116 = arith.constant 0 : i32
    %dma_wait3A_117 = arith.constant 0 : i32
    %dma_wait3A_118 = tpu.memref_slice %arg8[%dma_wait3A, %dma_wait3A_116, %dma_wait3A_117] : memref<12x128x16xbf16, #tpu.memory_space<vmem>> -> memref<1x128x16xbf16, #tpu.memory_space<vmem>>
    %dma_wait3A_119 = tpu.memref_squeeze %dma_wait3A_118 : memref<1x128x16xbf16, #tpu.memory_space<vmem>> -> memref<128x16xbf16, #tpu.memory_space<vmem>>
    %dma_wait3A_120 = arith.constant 0 : i32
    %dma_wait3A_121 = arith.constant 0 : i32
    %dma_wait3A_122 = tpu.memref_slice %arg2[%dma_wait3A_120, %dma_wait3A_121] : memref<100096x16xbf16, #tpu.memory_space<hbm>> -> memref<128x16xbf16, #tpu.memory_space<hbm>>
    tpu.wait_dma2 semaphore(%arg11 : memref<!tpu.dma_semaphore, #tpu.memory_space<semaphore_mem>>) src(%dma_wait3A_122 : memref<128x16xbf16, #tpu.memory_space<hbm>>) dst(%dma_wait3A_119 : memref<128x16xbf16, #tpu.memory_space<vmem>>)
    %dma_wait3A_123 = arith.constant 0 : i32
    %dma_wait3A_124 = arith.constant 0 : i32
    %dma_wait3A_125 = arith.constant 0 : i32
    %dma_wait3A_126 = tpu.memref_slice %arg8[%dma_wait3A_123, %dma_wait3A_124, %dma_wait3A_125] : memref<12x128x16xbf16, #tpu.memory_space<vmem>> -> memref<1x128x16xbf16, #tpu.memory_space<vmem>>
    %dma_wait3A_127 = tpu.memref_squeeze %dma_wait3A_126 : memref<1x128x16xbf16, #tpu.memory_space<vmem>> -> memref<128x16xbf16, #tpu.memory_space<vmem>>
    %dma_wait3A_128 = arith.constant 0 : i32
    %dma_wait3A_129 = arith.constant 0 : i32
    %dma_wait3A_130 = tpu.memref_slice %arg2[%dma_wait3A_128, %dma_wait3A_129] : memref<100096x16xbf16, #tpu.memory_space<hbm>> -> memref<128x16xbf16, #tpu.memory_space<hbm>>
    %dma_wait3A_131 = arith.constant 0 : i32
    %dma_wait3A_132 = arith.constant 0 : i32
    %dma_wait3A_133 = tpu.memref_slice %arg8[%dma_wait3A_123, %dma_wait3A_131, %dma_wait3A_132] : memref<12x128x16xbf16, #tpu.memory_space<vmem>> -> memref<1x128x16xbf16, #tpu.memory_space<vmem>>
    %dma_wait3A_134 = tpu.memref_squeeze %dma_wait3A_133 : memref<1x128x16xbf16, #tpu.memory_space<vmem>> -> memref<128x16xbf16, #tpu.memory_space<vmem>>
    %dma_wait3A_135 = arith.constant 0 : i32
    %dma_wait3A_136 = arith.constant 0 : i32
    %dma_wait3A_137 = tpu.memref_slice %arg2[%dma_wait3A_135, %dma_wait3A_136] : memref<100096x16xbf16, #tpu.memory_space<hbm>> -> memref<128x16xbf16, #tpu.memory_space<hbm>>
    tpu.wait_dma2 semaphore(%arg11 : memref<!tpu.dma_semaphore, #tpu.memory_space<semaphore_mem>>) src(%dma_wait3A_137 : memref<128x16xbf16, #tpu.memory_space<hbm>>) dst(%dma_wait3A_134 : memref<128x16xbf16, #tpu.memory_space<vmem>>)
    %dma_wait3A_138 = arith.constant 0 : i32
    %dma_wait3A_139 = arith.constant 0 : i32
    %dma_wait3A_140 = arith.constant 0 : i32
    %dma_wait3A_141 = tpu.memref_slice %arg8[%dma_wait3A_138, %dma_wait3A_139, %dma_wait3A_140] : memref<12x128x16xbf16, #tpu.memory_space<vmem>> -> memref<1x128x16xbf16, #tpu.memory_space<vmem>>
    %dma_wait3A_142 = tpu.memref_squeeze %dma_wait3A_141 : memref<1x128x16xbf16, #tpu.memory_space<vmem>> -> memref<128x16xbf16, #tpu.memory_space<vmem>>
    %dma_wait3A_143 = arith.constant 0 : i32
    %dma_wait3A_144 = arith.constant 0 : i32
    %dma_wait3A_145 = tpu.memref_slice %arg2[%dma_wait3A_143, %dma_wait3A_144] : memref<100096x16xbf16, #tpu.memory_space<hbm>> -> memref<128x16xbf16, #tpu.memory_space<hbm>>
    %dma_wait3A_146 = arith.constant 0 : i32
    %dma_wait3A_147 = arith.constant 0 : i32
    %dma_wait3A_148 = tpu.memref_slice %arg8[%dma_wait3A_138, %dma_wait3A_146, %dma_wait3A_147] : memref<12x128x16xbf16, #tpu.memory_space<vmem>> -> memref<1x128x16xbf16, #tpu.memory_space<vmem>>
    %dma_wait3A_149 = tpu.memref_squeeze %dma_wait3A_148 : memref<1x128x16xbf16, #tpu.memory_space<vmem>> -> memref<128x16xbf16, #tpu.memory_space<vmem>>
    %dma_wait3A_150 = arith.constant 0 : i32
    %dma_wait3A_151 = arith.constant 0 : i32
    %dma_wait3A_152 = tpu.memref_slice %arg2[%dma_wait3A_150, %dma_wait3A_151] : memref<100096x16xbf16, #tpu.memory_space<hbm>> -> memref<128x16xbf16, #tpu.memory_space<hbm>>
    tpu.wait_dma2 semaphore(%arg11 : memref<!tpu.dma_semaphore, #tpu.memory_space<semaphore_mem>>) src(%dma_wait3A_152 : memref<128x16xbf16, #tpu.memory_space<hbm>>) dst(%dma_wait3A_149 : memref<128x16xbf16, #tpu.memory_space<vmem>>)
    %dma_wait3A_153 = arith.constant 0 : i32
    %dma_wait3A_154 = arith.constant 0 : i32
    %dma_wait3A_155 = arith.constant 0 : i32
    %dma_wait3A_156 = tpu.memref_slice %arg8[%dma_wait3A_153, %dma_wait3A_154, %dma_wait3A_155] : memref<12x128x16xbf16, #tpu.memory_space<vmem>> -> memref<1x128x16xbf16, #tpu.memory_space<vmem>>
    %dma_wait3A_157 = tpu.memref_squeeze %dma_wait3A_156 : memref<1x128x16xbf16, #tpu.memory_space<vmem>> -> memref<128x16xbf16, #tpu.memory_space<vmem>>
    %dma_wait3A_158 = arith.constant 0 : i32
    %dma_wait3A_159 = arith.constant 0 : i32
    %dma_wait3A_160 = tpu.memref_slice %arg2[%dma_wait3A_158, %dma_wait3A_159] : memref<100096x16xbf16, #tpu.memory_space<hbm>> -> memref<128x16xbf16, #tpu.memory_space<hbm>>
    %dma_wait3A_161 = arith.constant 0 : i32
    %dma_wait3A_162 = arith.constant 0 : i32
    %dma_wait3A_163 = tpu.memref_slice %arg8[%dma_wait3A_153, %dma_wait3A_161, %dma_wait3A_162] : memref<12x128x16xbf16, #tpu.memory_space<vmem>> -> memref<1x128x16xbf16, #tpu.memory_space<vmem>>
    %dma_wait3A_164 = tpu.memref_squeeze %dma_wait3A_163 : memref<1x128x16xbf16, #tpu.memory_space<vmem>> -> memref<128x16xbf16, #tpu.memory_space<vmem>>
    %dma_wait3A_165 = arith.constant 0 : i32
    %dma_wait3A_166 = arith.constant 0 : i32
    %dma_wait3A_167 = tpu.memref_slice %arg2[%dma_wait3A_165, %dma_wait3A_166] : memref<100096x16xbf16, #tpu.memory_space<hbm>> -> memref<128x16xbf16, #tpu.memory_space<hbm>>
    tpu.wait_dma2 semaphore(%arg11 : memref<!tpu.dma_semaphore, #tpu.memory_space<semaphore_mem>>) src(%dma_wait3A_167 : memref<128x16xbf16, #tpu.memory_space<hbm>>) dst(%dma_wait3A_164 : memref<128x16xbf16, #tpu.memory_space<vmem>>)
    %dma_wait3A_168 = arith.constant 0 : i32
    %dma_wait3A_169 = arith.constant 0 : i32
    %dma_wait3A_170 = arith.constant 0 : i32
    %dma_wait3A_171 = tpu.memref_slice %arg8[%dma_wait3A_168, %dma_wait3A_169, %dma_wait3A_170] : memref<12x128x16xbf16, #tpu.memory_space<vmem>> -> memref<1x128x16xbf16, #tpu.memory_space<vmem>>
    %dma_wait3A_172 = tpu.memref_squeeze %dma_wait3A_171 : memref<1x128x16xbf16, #tpu.memory_space<vmem>> -> memref<128x16xbf16, #tpu.memory_space<vmem>>
    %dma_wait3A_173 = arith.constant 0 : i32
    %dma_wait3A_174 = arith.constant 0 : i32
    %dma_wait3A_175 = tpu.memref_slice %arg2[%dma_wait3A_173, %dma_wait3A_174] : memref<100096x16xbf16, #tpu.memory_space<hbm>> -> memref<128x16xbf16, #tpu.memory_space<hbm>>
    %dma_wait3A_176 = arith.constant 0 : i32
    %dma_wait3A_177 = arith.constant 0 : i32
    %dma_wait3A_178 = tpu.memref_slice %arg8[%dma_wait3A_168, %dma_wait3A_176, %dma_wait3A_177] : memref<12x128x16xbf16, #tpu.memory_space<vmem>> -> memref<1x128x16xbf16, #tpu.memory_space<vmem>>
    %dma_wait3A_179 = tpu.memref_squeeze %dma_wait3A_178 : memref<1x128x16xbf16, #tpu.memory_space<vmem>> -> memref<128x16xbf16, #tpu.memory_space<vmem>>
    %dma_wait3A_180 = arith.constant 0 : i32
    %dma_wait3A_181 = arith.constant 0 : i32
    %dma_wait3A_182 = tpu.memref_slice %arg2[%dma_wait3A_180, %dma_wait3A_181] : memref<100096x16xbf16, #tpu.memory_space<hbm>> -> memref<128x16xbf16, #tpu.memory_space<hbm>>
    tpu.wait_dma2 semaphore(%arg11 : memref<!tpu.dma_semaphore, #tpu.memory_space<semaphore_mem>>) src(%dma_wait3A_182 : memref<128x16xbf16, #tpu.memory_space<hbm>>) dst(%dma_wait3A_179 : memref<128x16xbf16, #tpu.memory_space<vmem>>)
    %dma_wait3A_183 = arith.constant 0 : i32
    %dma_wait3A_184 = arith.constant 0 : i32
    %dma_wait3A_185 = arith.constant 0 : i32
    %dma_wait3A_186 = tpu.memref_slice %arg8[%dma_wait3A_183, %dma_wait3A_184, %dma_wait3A_185] : memref<12x128x16xbf16, #tpu.memory_space<vmem>> -> memref<1x128x16xbf16, #tpu.memory_space<vmem>>
    %dma_wait3A_187 = tpu.memref_squeeze %dma_wait3A_186 : memref<1x128x16xbf16, #tpu.memory_space<vmem>> -> memref<128x16xbf16, #tpu.memory_space<vmem>>
    %dma_wait3A_188 = arith.constant 0 : i32
    %dma_wait3A_189 = arith.constant 0 : i32
    %dma_wait3A_190 = tpu.memref_slice %arg2[%dma_wait3A_188, %dma_wait3A_189] : memref<100096x16xbf16, #tpu.memory_space<hbm>> -> memref<128x16xbf16, #tpu.memory_space<hbm>>
    %dma_wait3A_191 = arith.constant 0 : i32
    %dma_wait3A_192 = arith.constant 0 : i32
    %dma_wait3A_193 = tpu.memref_slice %arg8[%dma_wait3A_183, %dma_wait3A_191, %dma_wait3A_192] : memref<12x128x16xbf16, #tpu.memory_space<vmem>> -> memref<1x128x16xbf16, #tpu.memory_space<vmem>>
    %dma_wait3A_194 = tpu.memref_squeeze %dma_wait3A_193 : memref<1x128x16xbf16, #tpu.memory_space<vmem>> -> memref<128x16xbf16, #tpu.memory_space<vmem>>
    %dma_wait3A_195 = arith.constant 0 : i32
    %dma_wait3A_196 = arith.constant 0 : i32
    %dma_wait3A_197 = tpu.memref_slice %arg2[%dma_wait3A_195, %dma_wait3A_196] : memref<100096x16xbf16, #tpu.memory_space<hbm>> -> memref<128x16xbf16, #tpu.memory_space<hbm>>
    tpu.wait_dma2 semaphore(%arg11 : memref<!tpu.dma_semaphore, #tpu.memory_space<semaphore_mem>>) src(%dma_wait3A_197 : memref<128x16xbf16, #tpu.memory_space<hbm>>) dst(%dma_wait3A_194 : memref<128x16xbf16, #tpu.memory_space<vmem>>)
    %mul3A_198 = arith.constant 390 : i32
    %mul3A_199 = arith.muli %add3A, %mul3A_198 : i32
    %add3A_200 = arith.constant 98 : i32
    %add3A_201 = arith.addi %mul3A_199, %add3A_200 : i32
    "tpu.region"() ({
      %run_scoped3A = tpu.sem_alloc : memref<!tpu.dma_semaphore, #tpu.memory_space<semaphore_mem>>
      %dma_start3A_680 = arith.constant 0 : i32
      %dma_start3A_681 = arith.constant 0 : i32
      %dma_start3A_682 = tpu.memref_slice %arg6[%dma_start3A_680, %dma_start3A_681] : memref<98x128xi32, #tpu.memory_space<vmem>> -> memref<98x128xi32, #tpu.memory_space<vmem>>
      %dma_start3A_683 = arith.constant 0 : i32
      %dma_start3A_684 = tpu.memref_slice %arg3[%add3A_201, %dma_start3A_683] : memref<25000x128xi32, #tpu.memory_space<hbm>> -> memref<98x128xi32, #tpu.memory_space<hbm>>
      %dma_start3A_685 = arith.constant 0 : i32
      %dma_start3A_686 = arith.constant 0 : i32
      %dma_start3A_687 = tpu.memref_slice %arg6[%dma_start3A_685, %dma_start3A_686] : memref<98x128xi32, #tpu.memory_space<vmem>> -> memref<98x128xi32, #tpu.memory_space<vmem>>
      %dma_start3A_688 = arith.constant 0 : i32
      %dma_start3A_689 = tpu.memref_slice %arg3[%add3A_201, %dma_start3A_688] : memref<25000x128xi32, #tpu.memory_space<hbm>> -> memref<98x128xi32, #tpu.memory_space<hbm>>
      tpu.enqueue_dma source(%dma_start3A_689 : memref<98x128xi32, #tpu.memory_space<hbm>>) target(%dma_start3A_687 : memref<98x128xi32, #tpu.memory_space<vmem>>) target_semaphore(%run_scoped3A : memref<!tpu.dma_semaphore, #tpu.memory_space<semaphore_mem>>)
      %dma_wait3A_690 = arith.constant 0 : i32
      %dma_wait3A_691 = arith.constant 0 : i32
      %dma_wait3A_692 = tpu.memref_slice %arg6[%dma_wait3A_690, %dma_wait3A_691] : memref<98x128xi32, #tpu.memory_space<vmem>> -> memref<98x128xi32, #tpu.memory_space<vmem>>
      %dma_wait3A_693 = arith.constant 0 : i32
      %dma_wait3A_694 = tpu.memref_slice %arg3[%add3A_201, %dma_wait3A_693] : memref<25000x128xi32, #tpu.memory_space<hbm>> -> memref<98x128xi32, #tpu.memory_space<hbm>>
      %dma_wait3A_695 = arith.constant 0 : i32
      %dma_wait3A_696 = arith.constant 0 : i32
      %dma_wait3A_697 = tpu.memref_slice %arg6[%dma_wait3A_695, %dma_wait3A_696] : memref<98x128xi32, #tpu.memory_space<vmem>> -> memref<98x128xi32, #tpu.memory_space<vmem>>
      %dma_wait3A_698 = arith.constant 0 : i32
      %dma_wait3A_699 = tpu.memref_slice %arg3[%add3A_201, %dma_wait3A_698] : memref<25000x128xi32, #tpu.memory_space<hbm>> -> memref<98x128xi32, #tpu.memory_space<hbm>>
      tpu.wait_dma2 semaphore(%run_scoped3A : memref<!tpu.dma_semaphore, #tpu.memory_space<semaphore_mem>>) src(%dma_wait3A_699 : memref<98x128xi32, #tpu.memory_space<hbm>>) dst(%dma_wait3A_697 : memref<98x128xi32, #tpu.memory_space<vmem>>)
      tpu.yield
    }) : () -> ()
    %mul3A_202 = arith.constant 390 : i32
    %mul3A_203 = arith.muli %add3A, %mul3A_202 : i32
    %add3A_204 = arith.constant 12500 : i32
    %add3A_205 = arith.addi %add3A_204, %mul3A_203 : i32
    %add3A_206 = arith.constant 98 : i32
    %add3A_207 = arith.addi %add3A_205, %add3A_206 : i32
    "tpu.region"() ({
      %run_scoped3A = tpu.sem_alloc : memref<!tpu.dma_semaphore, #tpu.memory_space<semaphore_mem>>
      %dma_start3A_680 = arith.constant 0 : i32
      %dma_start3A_681 = arith.constant 0 : i32
      %dma_start3A_682 = tpu.memref_slice %arg7[%dma_start3A_680, %dma_start3A_681] : memref<98x128xi32, #tpu.memory_space<vmem>> -> memref<98x128xi32, #tpu.memory_space<vmem>>
      %dma_start3A_683 = arith.constant 0 : i32
      %dma_start3A_684 = tpu.memref_slice %arg3[%add3A_207, %dma_start3A_683] : memref<25000x128xi32, #tpu.memory_space<hbm>> -> memref<98x128xi32, #tpu.memory_space<hbm>>
      %dma_start3A_685 = arith.constant 0 : i32
      %dma_start3A_686 = arith.constant 0 : i32
      %dma_start3A_687 = tpu.memref_slice %arg7[%dma_start3A_685, %dma_start3A_686] : memref<98x128xi32, #tpu.memory_space<vmem>> -> memref<98x128xi32, #tpu.memory_space<vmem>>
      %dma_start3A_688 = arith.constant 0 : i32
      %dma_start3A_689 = tpu.memref_slice %arg3[%add3A_207, %dma_start3A_688] : memref<25000x128xi32, #tpu.memory_space<hbm>> -> memref<98x128xi32, #tpu.memory_space<hbm>>
      tpu.enqueue_dma source(%dma_start3A_689 : memref<98x128xi32, #tpu.memory_space<hbm>>) target(%dma_start3A_687 : memref<98x128xi32, #tpu.memory_space<vmem>>) target_semaphore(%run_scoped3A : memref<!tpu.dma_semaphore, #tpu.memory_space<semaphore_mem>>)
      %dma_wait3A_690 = arith.constant 0 : i32
      %dma_wait3A_691 = arith.constant 0 : i32
      %dma_wait3A_692 = tpu.memref_slice %arg7[%dma_wait3A_690, %dma_wait3A_691] : memref<98x128xi32, #tpu.memory_space<vmem>> -> memref<98x128xi32, #tpu.memory_space<vmem>>
      %dma_wait3A_693 = arith.constant 0 : i32
      %dma_wait3A_694 = tpu.memref_slice %arg3[%add3A_207, %dma_wait3A_693] : memref<25000x128xi32, #tpu.memory_space<hbm>> -> memref<98x128xi32, #tpu.memory_space<hbm>>
      %dma_wait3A_695 = arith.constant 0 : i32
      %dma_wait3A_696 = arith.constant 0 : i32
      %dma_wait3A_697 = tpu.memref_slice %arg7[%dma_wait3A_695, %dma_wait3A_696] : memref<98x128xi32, #tpu.memory_space<vmem>> -> memref<98x128xi32, #tpu.memory_space<vmem>>
      %dma_wait3A_698 = arith.constant 0 : i32
      %dma_wait3A_699 = tpu.memref_slice %arg3[%add3A_207, %dma_wait3A_698] : memref<25000x128xi32, #tpu.memory_space<hbm>> -> memref<98x128xi32, #tpu.memory_space<hbm>>
      tpu.wait_dma2 semaphore(%run_scoped3A : memref<!tpu.dma_semaphore, #tpu.memory_space<semaphore_mem>>) src(%dma_wait3A_699 : memref<98x128xi32, #tpu.memory_space<hbm>>) dst(%dma_wait3A_697 : memref<98x128xi32, #tpu.memory_space<vmem>>)
      tpu.yield
    }) : () -> ()
    %dma_start3A_208 = arith.constant 0 : i32
    %dma_start3A_209 = arith.constant 0 : i32
    %dma_start3A_210 = arith.constant 0 : i32
    %dma_start3A_211 = arith.constant 0 : i32
    %dma_start3A_212 = arith.constant 0 : i32
    %dma_start3A_213 = tpu.memref_slice %arg8[%dma_start3A_209, %dma_start3A_211, %dma_start3A_212] : memref<12x128x16xbf16, #tpu.memory_space<vmem>> -> memref<1x128x16xbf16, #tpu.memory_space<vmem>>
    %dma_start3A_214 = tpu.memref_squeeze %dma_start3A_213 : memref<1x128x16xbf16, #tpu.memory_space<vmem>> -> memref<128x16xbf16, #tpu.memory_space<vmem>>
    %dma_start3A_215 = arith.constant 0 : i32
    %dma_start3A_216 = tpu.memref_slice %arg6[%dma_start3A_208, %dma_start3A_215] : memref<98x128xi32, #tpu.memory_space<vmem>> -> memref<1x128xi32, #tpu.memory_space<vmem>>
    %dma_start3A_217 = tpu.memref_squeeze %dma_start3A_216 : memref<1x128xi32, #tpu.memory_space<vmem>> -> memref<128xi32, #tpu.memory_space<vmem>>
    %dma_start3A_218 = arith.constant 0 : i32
    %dma_start3A_219 = arith.constant 0 : i32
    %dma_start3A_220 = tpu.memref_slice %arg2[%dma_start3A_218, %dma_start3A_219] : memref<100096x16xbf16, #tpu.memory_space<hbm>> -> memref<100096x16xbf16, #tpu.memory_space<hbm>>
    %dma_start3A_221 = tpu.memref_slice %arg10[%dma_start3A_210] : memref<12x!tpu.dma_semaphore, #tpu.memory_space<semaphore_mem>> -> memref<1x!tpu.dma_semaphore, #tpu.memory_space<semaphore_mem>>
    %dma_start3A_222 = tpu.memref_squeeze %dma_start3A_221 : memref<1x!tpu.dma_semaphore, #tpu.memory_space<semaphore_mem>> -> memref<!tpu.dma_semaphore, #tpu.memory_space<semaphore_mem>>
    tpu.enqueue_indirect_dma source(%dma_start3A_220 : memref<100096x16xbf16, #tpu.memory_space<hbm>>) target(%dma_start3A_214 : memref<128x16xbf16, #tpu.memory_space<vmem>>) offsets(%dma_start3A_217 : memref<128xi32, #tpu.memory_space<vmem>>) semaphore(%dma_start3A_222 : memref<!tpu.dma_semaphore, #tpu.memory_space<semaphore_mem>>)
    %dma_start3A_223 = arith.constant 1 : i32
    %dma_start3A_224 = arith.constant 1 : i32
    %dma_start3A_225 = arith.constant 1 : i32
    %dma_start3A_226 = arith.constant 0 : i32
    %dma_start3A_227 = arith.constant 0 : i32
    %dma_start3A_228 = tpu.memref_slice %arg8[%dma_start3A_224, %dma_start3A_226, %dma_start3A_227] : memref<12x128x16xbf16, #tpu.memory_space<vmem>> -> memref<1x128x16xbf16, #tpu.memory_space<vmem>>
    %dma_start3A_229 = tpu.memref_squeeze %dma_start3A_228 : memref<1x128x16xbf16, #tpu.memory_space<vmem>> -> memref<128x16xbf16, #tpu.memory_space<vmem>>
    %dma_start3A_230 = arith.constant 0 : i32
    %dma_start3A_231 = tpu.memref_slice %arg6[%dma_start3A_223, %dma_start3A_230] : memref<98x128xi32, #tpu.memory_space<vmem>> -> memref<1x128xi32, #tpu.memory_space<vmem>>
    %dma_start3A_232 = tpu.memref_squeeze %dma_start3A_231 : memref<1x128xi32, #tpu.memory_space<vmem>> -> memref<128xi32, #tpu.memory_space<vmem>>
    %dma_start3A_233 = arith.constant 0 : i32
    %dma_start3A_234 = arith.constant 0 : i32
    %dma_start3A_235 = tpu.memref_slice %arg2[%dma_start3A_233, %dma_start3A_234] : memref<100096x16xbf16, #tpu.memory_space<hbm>> -> memref<100096x16xbf16, #tpu.memory_space<hbm>>
    %dma_start3A_236 = tpu.memref_slice %arg10[%dma_start3A_225] : memref<12x!tpu.dma_semaphore, #tpu.memory_space<semaphore_mem>> -> memref<1x!tpu.dma_semaphore, #tpu.memory_space<semaphore_mem>>
    %dma_start3A_237 = tpu.memref_squeeze %dma_start3A_236 : memref<1x!tpu.dma_semaphore, #tpu.memory_space<semaphore_mem>> -> memref<!tpu.dma_semaphore, #tpu.memory_space<semaphore_mem>>
    tpu.enqueue_indirect_dma source(%dma_start3A_235 : memref<100096x16xbf16, #tpu.memory_space<hbm>>) target(%dma_start3A_229 : memref<128x16xbf16, #tpu.memory_space<vmem>>) offsets(%dma_start3A_232 : memref<128xi32, #tpu.memory_space<vmem>>) semaphore(%dma_start3A_237 : memref<!tpu.dma_semaphore, #tpu.memory_space<semaphore_mem>>)
    %dma_start3A_238 = arith.constant 2 : i32
    %dma_start3A_239 = arith.constant 2 : i32
    %dma_start3A_240 = arith.constant 2 : i32
    %dma_start3A_241 = arith.constant 0 : i32
    %dma_start3A_242 = arith.constant 0 : i32
    %dma_start3A_243 = tpu.memref_slice %arg8[%dma_start3A_239, %dma_start3A_241, %dma_start3A_242] : memref<12x128x16xbf16, #tpu.memory_space<vmem>> -> memref<1x128x16xbf16, #tpu.memory_space<vmem>>
    %dma_start3A_244 = tpu.memref_squeeze %dma_start3A_243 : memref<1x128x16xbf16, #tpu.memory_space<vmem>> -> memref<128x16xbf16, #tpu.memory_space<vmem>>
    %dma_start3A_245 = arith.constant 0 : i32
    %dma_start3A_246 = tpu.memref_slice %arg6[%dma_start3A_238, %dma_start3A_245] : memref<98x128xi32, #tpu.memory_space<vmem>> -> memref<1x128xi32, #tpu.memory_space<vmem>>
    %dma_start3A_247 = tpu.memref_squeeze %dma_start3A_246 : memref<1x128xi32, #tpu.memory_space<vmem>> -> memref<128xi32, #tpu.memory_space<vmem>>
    %dma_start3A_248 = arith.constant 0 : i32
    %dma_start3A_249 = arith.constant 0 : i32
    %dma_start3A_250 = tpu.memref_slice %arg2[%dma_start3A_248, %dma_start3A_249] : memref<100096x16xbf16, #tpu.memory_space<hbm>> -> memref<100096x16xbf16, #tpu.memory_space<hbm>>
    %dma_start3A_251 = tpu.memref_slice %arg10[%dma_start3A_240] : memref<12x!tpu.dma_semaphore, #tpu.memory_space<semaphore_mem>> -> memref<1x!tpu.dma_semaphore, #tpu.memory_space<semaphore_mem>>
    %dma_start3A_252 = tpu.memref_squeeze %dma_start3A_251 : memref<1x!tpu.dma_semaphore, #tpu.memory_space<semaphore_mem>> -> memref<!tpu.dma_semaphore, #tpu.memory_space<semaphore_mem>>
    tpu.enqueue_indirect_dma source(%dma_start3A_250 : memref<100096x16xbf16, #tpu.memory_space<hbm>>) target(%dma_start3A_244 : memref<128x16xbf16, #tpu.memory_space<vmem>>) offsets(%dma_start3A_247 : memref<128xi32, #tpu.memory_space<vmem>>) semaphore(%dma_start3A_252 : memref<!tpu.dma_semaphore, #tpu.memory_space<semaphore_mem>>)
    %dma_start3A_253 = arith.constant 3 : i32
    %dma_start3A_254 = arith.constant 3 : i32
    %dma_start3A_255 = arith.constant 3 : i32
    %dma_start3A_256 = arith.constant 0 : i32
    %dma_start3A_257 = arith.constant 0 : i32
    %dma_start3A_258 = tpu.memref_slice %arg8[%dma_start3A_254, %dma_start3A_256, %dma_start3A_257] : memref<12x128x16xbf16, #tpu.memory_space<vmem>> -> memref<1x128x16xbf16, #tpu.memory_space<vmem>>
    %dma_start3A_259 = tpu.memref_squeeze %dma_start3A_258 : memref<1x128x16xbf16, #tpu.memory_space<vmem>> -> memref<128x16xbf16, #tpu.memory_space<vmem>>
    %dma_start3A_260 = arith.constant 0 : i32
    %dma_start3A_261 = tpu.memref_slice %arg6[%dma_start3A_253, %dma_start3A_260] : memref<98x128xi32, #tpu.memory_space<vmem>> -> memref<1x128xi32, #tpu.memory_space<vmem>>
    %dma_start3A_262 = tpu.memref_squeeze %dma_start3A_261 : memref<1x128xi32, #tpu.memory_space<vmem>> -> memref<128xi32, #tpu.memory_space<vmem>>
    %dma_start3A_263 = arith.constant 0 : i32
    %dma_start3A_264 = arith.constant 0 : i32
    %dma_start3A_265 = tpu.memref_slice %arg2[%dma_start3A_263, %dma_start3A_264] : memref<100096x16xbf16, #tpu.memory_space<hbm>> -> memref<100096x16xbf16, #tpu.memory_space<hbm>>
    %dma_start3A_266 = tpu.memref_slice %arg10[%dma_start3A_255] : memref<12x!tpu.dma_semaphore, #tpu.memory_space<semaphore_mem>> -> memref<1x!tpu.dma_semaphore, #tpu.memory_space<semaphore_mem>>
    %dma_start3A_267 = tpu.memref_squeeze %dma_start3A_266 : memref<1x!tpu.dma_semaphore, #tpu.memory_space<semaphore_mem>> -> memref<!tpu.dma_semaphore, #tpu.memory_space<semaphore_mem>>
    tpu.enqueue_indirect_dma source(%dma_start3A_265 : memref<100096x16xbf16, #tpu.memory_space<hbm>>) target(%dma_start3A_259 : memref<128x16xbf16, #tpu.memory_space<vmem>>) offsets(%dma_start3A_262 : memref<128xi32, #tpu.memory_space<vmem>>) semaphore(%dma_start3A_267 : memref<!tpu.dma_semaphore, #tpu.memory_space<semaphore_mem>>)
    %dma_start3A_268 = arith.constant 4 : i32
    %dma_start3A_269 = arith.constant 4 : i32
    %dma_start3A_270 = arith.constant 4 : i32
    %dma_start3A_271 = arith.constant 0 : i32
    %dma_start3A_272 = arith.constant 0 : i32
    %dma_start3A_273 = tpu.memref_slice %arg8[%dma_start3A_269, %dma_start3A_271, %dma_start3A_272] : memref<12x128x16xbf16, #tpu.memory_space<vmem>> -> memref<1x128x16xbf16, #tpu.memory_space<vmem>>
    %dma_start3A_274 = tpu.memref_squeeze %dma_start3A_273 : memref<1x128x16xbf16, #tpu.memory_space<vmem>> -> memref<128x16xbf16, #tpu.memory_space<vmem>>
    %dma_start3A_275 = arith.constant 0 : i32
    %dma_start3A_276 = tpu.memref_slice %arg6[%dma_start3A_268, %dma_start3A_275] : memref<98x128xi32, #tpu.memory_space<vmem>> -> memref<1x128xi32, #tpu.memory_space<vmem>>
    %dma_start3A_277 = tpu.memref_squeeze %dma_start3A_276 : memref<1x128xi32, #tpu.memory_space<vmem>> -> memref<128xi32, #tpu.memory_space<vmem>>
    %dma_start3A_278 = arith.constant 0 : i32
    %dma_start3A_279 = arith.constant 0 : i32
    %dma_start3A_280 = tpu.memref_slice %arg2[%dma_start3A_278, %dma_start3A_279] : memref<100096x16xbf16, #tpu.memory_space<hbm>> -> memref<100096x16xbf16, #tpu.memory_space<hbm>>
    %dma_start3A_281 = tpu.memref_slice %arg10[%dma_start3A_270] : memref<12x!tpu.dma_semaphore, #tpu.memory_space<semaphore_mem>> -> memref<1x!tpu.dma_semaphore, #tpu.memory_space<semaphore_mem>>
    %dma_start3A_282 = tpu.memref_squeeze %dma_start3A_281 : memref<1x!tpu.dma_semaphore, #tpu.memory_space<semaphore_mem>> -> memref<!tpu.dma_semaphore, #tpu.memory_space<semaphore_mem>>
    tpu.enqueue_indirect_dma source(%dma_start3A_280 : memref<100096x16xbf16, #tpu.memory_space<hbm>>) target(%dma_start3A_274 : memref<128x16xbf16, #tpu.memory_space<vmem>>) offsets(%dma_start3A_277 : memref<128xi32, #tpu.memory_space<vmem>>) semaphore(%dma_start3A_282 : memref<!tpu.dma_semaphore, #tpu.memory_space<semaphore_mem>>)
    %dma_start3A_283 = arith.constant 5 : i32
    %dma_start3A_284 = arith.constant 5 : i32
    %dma_start3A_285 = arith.constant 5 : i32
    %dma_start3A_286 = arith.constant 0 : i32
    %dma_start3A_287 = arith.constant 0 : i32
    %dma_start3A_288 = tpu.memref_slice %arg8[%dma_start3A_284, %dma_start3A_286, %dma_start3A_287] : memref<12x128x16xbf16, #tpu.memory_space<vmem>> -> memref<1x128x16xbf16, #tpu.memory_space<vmem>>
    %dma_start3A_289 = tpu.memref_squeeze %dma_start3A_288 : memref<1x128x16xbf16, #tpu.memory_space<vmem>> -> memref<128x16xbf16, #tpu.memory_space<vmem>>
    %dma_start3A_290 = arith.constant 0 : i32
    %dma_start3A_291 = tpu.memref_slice %arg6[%dma_start3A_283, %dma_start3A_290] : memref<98x128xi32, #tpu.memory_space<vmem>> -> memref<1x128xi32, #tpu.memory_space<vmem>>
    %dma_start3A_292 = tpu.memref_squeeze %dma_start3A_291 : memref<1x128xi32, #tpu.memory_space<vmem>> -> memref<128xi32, #tpu.memory_space<vmem>>
    %dma_start3A_293 = arith.constant 0 : i32
    %dma_start3A_294 = arith.constant 0 : i32
    %dma_start3A_295 = tpu.memref_slice %arg2[%dma_start3A_293, %dma_start3A_294] : memref<100096x16xbf16, #tpu.memory_space<hbm>> -> memref<100096x16xbf16, #tpu.memory_space<hbm>>
    %dma_start3A_296 = tpu.memref_slice %arg10[%dma_start3A_285] : memref<12x!tpu.dma_semaphore, #tpu.memory_space<semaphore_mem>> -> memref<1x!tpu.dma_semaphore, #tpu.memory_space<semaphore_mem>>
    %dma_start3A_297 = tpu.memref_squeeze %dma_start3A_296 : memref<1x!tpu.dma_semaphore, #tpu.memory_space<semaphore_mem>> -> memref<!tpu.dma_semaphore, #tpu.memory_space<semaphore_mem>>
    tpu.enqueue_indirect_dma source(%dma_start3A_295 : memref<100096x16xbf16, #tpu.memory_space<hbm>>) target(%dma_start3A_289 : memref<128x16xbf16, #tpu.memory_space<vmem>>) offsets(%dma_start3A_292 : memref<128xi32, #tpu.memory_space<vmem>>) semaphore(%dma_start3A_297 : memref<!tpu.dma_semaphore, #tpu.memory_space<semaphore_mem>>)
    %scan3A_298 = arith.constant 0 : i32
    %scan3A_299 = arith.constant 0 : i32
    %scan3A_300 = arith.constant 98 : i32
    %scan3A_301 = arith.addi %scan3A_299, %scan3A_300 : i32
    %scan3A_302 = arith.constant 1 : i32
    scf.for %scan3A_680 = %scan3A_299 to %scan3A_301 step %scan3A_302  : i32 {
      %jit3A_681 = arith.constant 12 : i32
      %eq3A = arith.constant 0 : i32
      %eq3A_682 = arith.cmpi eq, %jit3A_681, %eq3A : i32
      %jit3A_683 = arith.constant 1 : i32
      %select_n3A_684 = arith.select %eq3A_682, %jit3A_683, %jit3A_681 : i32
      %rem3A = arith.remsi %scan3A_680, %select_n3A_684 : i32
      %ne3A = arith.constant 0 : i32
      %ne3A_685 = arith.cmpi ne, %rem3A, %ne3A : i32
      %lt3A_686 = arith.constant 0 : i32
      %lt3A_687 = arith.cmpi slt, %rem3A, %lt3A_686 : i32
      %lt3A_688 = arith.constant 0 : i32
      %lt3A_689 = arith.cmpi slt, %select_n3A_684, %lt3A_688 : i32
      %ne3A_690 = arith.xori %lt3A_687, %lt3A_689 : i1
      %and3A = arith.andi %ne3A_690, %ne3A_685 : i1
      %add3A_691 = arith.addi %rem3A, %select_n3A_684 : i32
      %select_n3A_692 = arith.select %and3A, %add3A_691, %rem3A : i32
      %jit3A_693 = arith.constant 12 : i32
      %eq3A_694 = arith.constant 0 : i32
      %eq3A_695 = arith.cmpi eq, %jit3A_693, %eq3A_694 : i32
      %jit3A_696 = arith.constant 1 : i32
      %select_n3A_697 = arith.select %eq3A_695, %jit3A_696, %jit3A_693 : i32
      %rem3A_698 = arith.remsi %scan3A_680, %select_n3A_697 : i32
      %ne3A_699 = arith.constant 0 : i32
      %ne3A_700 = arith.cmpi ne, %rem3A_698, %ne3A_699 : i32
      %lt3A_701 = arith.constant 0 : i32
      %lt3A_702 = arith.cmpi slt, %rem3A_698, %lt3A_701 : i32
      %lt3A_703 = arith.constant 0 : i32
      %lt3A_704 = arith.cmpi slt, %select_n3A_697, %lt3A_703 : i32
      %ne3A_705 = arith.xori %lt3A_702, %lt3A_704 : i1
      %and3A_706 = arith.andi %ne3A_705, %ne3A_700 : i1
      %add3A_707 = arith.addi %rem3A_698, %select_n3A_697 : i32
      %select_n3A_708 = arith.select %and3A_706, %add3A_707, %rem3A_698 : i32
      %dma_wait3A_709 = arith.constant 0 : i32
      %dma_wait3A_710 = arith.constant 0 : i32
      %dma_wait3A_711 = tpu.memref_slice %arg8[%select_n3A_692, %dma_wait3A_709, %dma_wait3A_710] : memref<12x128x16xbf16, #tpu.memory_space<vmem>> -> memref<1x128x16xbf16, #tpu.memory_space<vmem>>
      %dma_wait3A_712 = tpu.memref_squeeze %dma_wait3A_711 : memref<1x128x16xbf16, #tpu.memory_space<vmem>> -> memref<128x16xbf16, #tpu.memory_space<vmem>>
      %dma_wait3A_713 = arith.constant 0 : i32
      %dma_wait3A_714 = tpu.memref_slice %arg6[%scan3A_680, %dma_wait3A_713] : memref<98x128xi32, #tpu.memory_space<vmem>> -> memref<1x128xi32, #tpu.memory_space<vmem>>
      %dma_wait3A_715 = tpu.memref_squeeze %dma_wait3A_714 : memref<1x128xi32, #tpu.memory_space<vmem>> -> memref<128xi32, #tpu.memory_space<vmem>>
      %dma_wait3A_716 = arith.constant 0 : i32
      %dma_wait3A_717 = arith.constant 0 : i32
      %dma_wait3A_718 = tpu.memref_slice %arg2[%dma_wait3A_716, %dma_wait3A_717] : memref<100096x16xbf16, #tpu.memory_space<hbm>> -> memref<100096x16xbf16, #tpu.memory_space<hbm>>
      %dma_wait3A_719 = tpu.memref_slice %arg10[%select_n3A_708] : memref<12x!tpu.dma_semaphore, #tpu.memory_space<semaphore_mem>> -> memref<1x!tpu.dma_semaphore, #tpu.memory_space<semaphore_mem>>
      %dma_wait3A_720 = tpu.memref_squeeze %dma_wait3A_719 : memref<1x!tpu.dma_semaphore, #tpu.memory_space<semaphore_mem>> -> memref<!tpu.dma_semaphore, #tpu.memory_space<semaphore_mem>>
      tpu.wait_indirect_dma semaphore(%dma_wait3A_720 : memref<!tpu.dma_semaphore, #tpu.memory_space<semaphore_mem>>) src(%dma_wait3A_718 : memref<100096x16xbf16, #tpu.memory_space<hbm>>) dst(%dma_wait3A_712 : memref<128x16xbf16, #tpu.memory_space<vmem>>)
      %jit3A_721 = arith.constant 12 : i32
      %eq3A_722 = arith.constant 0 : i32
      %eq3A_723 = arith.cmpi eq, %jit3A_721, %eq3A_722 : i32
      %jit3A_724 = arith.constant 1 : i32
      %select_n3A_725 = arith.select %eq3A_723, %jit3A_724, %jit3A_721 : i32
      %rem3A_726 = arith.remsi %scan3A_680, %select_n3A_725 : i32
      %ne3A_727 = arith.constant 0 : i32
      %ne3A_728 = arith.cmpi ne, %rem3A_726, %ne3A_727 : i32
      %lt3A_729 = arith.constant 0 : i32
      %lt3A_730 = arith.cmpi slt, %rem3A_726, %lt3A_729 : i32
      %lt3A_731 = arith.constant 0 : i32
      %lt3A_732 = arith.cmpi slt, %select_n3A_725, %lt3A_731 : i32
      %ne3A_733 = arith.xori %lt3A_730, %lt3A_732 : i1
      %and3A_734 = arith.andi %ne3A_733, %ne3A_728 : i1
      %add3A_735 = arith.addi %rem3A_726, %select_n3A_725 : i32
      %select_n3A_736 = arith.select %and3A_734, %add3A_735, %rem3A_726 : i32
      %dma_start3A_737 = arith.constant 0 : i32
      %dma_start3A_738 = arith.constant 0 : i32
      %dma_start3A_739 = tpu.memref_slice %arg8[%select_n3A_736, %dma_start3A_737, %dma_start3A_738] : memref<12x128x16xbf16, #tpu.memory_space<vmem>> -> memref<1x128x16xbf16, #tpu.memory_space<vmem>>
      %dma_start3A_740 = tpu.memref_squeeze %dma_start3A_739 : memref<1x128x16xbf16, #tpu.memory_space<vmem>> -> memref<128x16xbf16, #tpu.memory_space<vmem>>
      %dma_start3A_741 = arith.constant 0 : i32
      %dma_start3A_742 = tpu.memref_slice %arg7[%scan3A_680, %dma_start3A_741] : memref<98x128xi32, #tpu.memory_space<vmem>> -> memref<1x128xi32, #tpu.memory_space<vmem>>
      %dma_start3A_743 = tpu.memref_squeeze %dma_start3A_742 : memref<1x128xi32, #tpu.memory_space<vmem>> -> memref<128xi32, #tpu.memory_space<vmem>>
      %dma_start3A_744 = arith.constant 0 : i32
      %dma_start3A_745 = arith.constant 0 : i32
      %dma_start3A_746 = tpu.memref_slice %arg9[%dma_start3A_744, %dma_start3A_745] : memref<100096x16xbf16, #tpu.memory_space<vmem_shared>> -> memref<100096x16xbf16, #tpu.memory_space<vmem_shared>>
      tpu.enqueue_indirect_dma source(%dma_start3A_740 : memref<128x16xbf16, #tpu.memory_space<vmem>>) target(%dma_start3A_746 : memref<100096x16xbf16, #tpu.memory_space<vmem_shared>>) offsets(%dma_start3A_743 : memref<128xi32, #tpu.memory_space<vmem>>) semaphore(%arg11 : memref<!tpu.dma_semaphore, #tpu.memory_space<semaphore_mem>>) {add = true}
      %ge3A = arith.constant 6 : i32
      %ge3A_747 = arith.cmpi sge, %scan3A_680, %ge3A : i32
      %convert_element_type3A_748 = arith.extui %ge3A_747 : i1 to i32
      %cond3A_749 = arith.constant 0 : i32
      %cond3A_750 = arith.cmpi ne, %convert_element_type3A_748, %cond3A_749 : i32
      scf.if %cond3A_750 {
        %dma_wait3A_758 = arith.constant 0 : i32
        %dma_wait3A_759 = arith.constant 0 : i32
        %dma_wait3A_760 = arith.constant 0 : i32
        %dma_wait3A_761 = tpu.memref_slice %arg8[%dma_wait3A_758, %dma_wait3A_759, %dma_wait3A_760] : memref<12x128x16xbf16, #tpu.memory_space<vmem>> -> memref<1x128x16xbf16, #tpu.memory_space<vmem>>
        %dma_wait3A_762 = tpu.memref_squeeze %dma_wait3A_761 : memref<1x128x16xbf16, #tpu.memory_space<vmem>> -> memref<128x16xbf16, #tpu.memory_space<vmem>>
        %dma_wait3A_763 = arith.constant 0 : i32
        %dma_wait3A_764 = arith.constant 0 : i32
        %dma_wait3A_765 = tpu.memref_slice %arg2[%dma_wait3A_763, %dma_wait3A_764] : memref<100096x16xbf16, #tpu.memory_space<hbm>> -> memref<128x16xbf16, #tpu.memory_space<hbm>>
        %dma_wait3A_766 = arith.constant 0 : i32
        %dma_wait3A_767 = arith.constant 0 : i32
        %dma_wait3A_768 = tpu.memref_slice %arg8[%dma_wait3A_758, %dma_wait3A_766, %dma_wait3A_767] : memref<12x128x16xbf16, #tpu.memory_space<vmem>> -> memref<1x128x16xbf16, #tpu.memory_space<vmem>>
        %dma_wait3A_769 = tpu.memref_squeeze %dma_wait3A_768 : memref<1x128x16xbf16, #tpu.memory_space<vmem>> -> memref<128x16xbf16, #tpu.memory_space<vmem>>
        %dma_wait3A_770 = arith.constant 0 : i32
        %dma_wait3A_771 = arith.constant 0 : i32
        %dma_wait3A_772 = tpu.memref_slice %arg2[%dma_wait3A_770, %dma_wait3A_771] : memref<100096x16xbf16, #tpu.memory_space<hbm>> -> memref<128x16xbf16, #tpu.memory_space<hbm>>
        tpu.wait_dma2 semaphore(%arg11 : memref<!tpu.dma_semaphore, #tpu.memory_space<semaphore_mem>>) src(%dma_wait3A_772 : memref<128x16xbf16, #tpu.memory_space<hbm>>) dst(%dma_wait3A_769 : memref<128x16xbf16, #tpu.memory_space<vmem>>)
      } else {
      }
      %add3A_751 = arith.constant 6 : i32
      %add3A_752 = arith.addi %scan3A_680, %add3A_751 : i32
      %lt3A_753 = arith.constant 98 : i32
      %lt3A_754 = arith.cmpi slt, %add3A_752, %lt3A_753 : i32
      %convert_element_type3A_755 = arith.extui %lt3A_754 : i1 to i32
      %cond3A_756 = arith.constant 0 : i32
      %cond3A_757 = arith.cmpi ne, %convert_element_type3A_755, %cond3A_756 : i32
      scf.if %cond3A_757 {
        %add3A_758 = arith.constant 6 : i32
        %add3A_759 = arith.addi %scan3A_680, %add3A_758 : i32
        %jit3A_760 = arith.constant 12 : i32
        %eq3A_761 = arith.constant 0 : i32
        %eq3A_762 = arith.cmpi eq, %jit3A_760, %eq3A_761 : i32
        %jit3A_763 = arith.constant 1 : i32
        %select_n3A_764 = arith.select %eq3A_762, %jit3A_763, %jit3A_760 : i32
        %rem3A_765 = arith.remsi %add3A_759, %select_n3A_764 : i32
        %ne3A_766 = arith.constant 0 : i32
        %ne3A_767 = arith.cmpi ne, %rem3A_765, %ne3A_766 : i32
        %lt3A_768 = arith.constant 0 : i32
        %lt3A_769 = arith.cmpi slt, %rem3A_765, %lt3A_768 : i32
        %lt3A_770 = arith.constant 0 : i32
        %lt3A_771 = arith.cmpi slt, %select_n3A_764, %lt3A_770 : i32
        %ne3A_772 = arith.xori %lt3A_769, %lt3A_771 : i1
        %and3A_773 = arith.andi %ne3A_772, %ne3A_767 : i1
        %add3A_774 = arith.addi %rem3A_765, %select_n3A_764 : i32
        %select_n3A_775 = arith.select %and3A_773, %add3A_774, %rem3A_765 : i32
        %jit3A_776 = arith.constant 12 : i32
        %eq3A_777 = arith.constant 0 : i32
        %eq3A_778 = arith.cmpi eq, %jit3A_776, %eq3A_777 : i32
        %jit3A_779 = arith.constant 1 : i32
        %select_n3A_780 = arith.select %eq3A_778, %jit3A_779, %jit3A_776 : i32
        %rem3A_781 = arith.remsi %add3A_759, %select_n3A_780 : i32
        %ne3A_782 = arith.constant 0 : i32
        %ne3A_783 = arith.cmpi ne, %rem3A_781, %ne3A_782 : i32
        %lt3A_784 = arith.constant 0 : i32
        %lt3A_785 = arith.cmpi slt, %rem3A_781, %lt3A_784 : i32
        %lt3A_786 = arith.constant 0 : i32
        %lt3A_787 = arith.cmpi slt, %select_n3A_780, %lt3A_786 : i32
        %ne3A_788 = arith.xori %lt3A_785, %lt3A_787 : i1
        %and3A_789 = arith.andi %ne3A_788, %ne3A_783 : i1
        %add3A_790 = arith.addi %rem3A_781, %select_n3A_780 : i32
        %select_n3A_791 = arith.select %and3A_789, %add3A_790, %rem3A_781 : i32
        %dma_start3A_792 = arith.constant 0 : i32
        %dma_start3A_793 = arith.constant 0 : i32
        %dma_start3A_794 = tpu.memref_slice %arg8[%select_n3A_775, %dma_start3A_792, %dma_start3A_793] : memref<12x128x16xbf16, #tpu.memory_space<vmem>> -> memref<1x128x16xbf16, #tpu.memory_space<vmem>>
        %dma_start3A_795 = tpu.memref_squeeze %dma_start3A_794 : memref<1x128x16xbf16, #tpu.memory_space<vmem>> -> memref<128x16xbf16, #tpu.memory_space<vmem>>
        %dma_start3A_796 = arith.constant 0 : i32
        %dma_start3A_797 = tpu.memref_slice %arg6[%add3A_759, %dma_start3A_796] : memref<98x128xi32, #tpu.memory_space<vmem>> -> memref<1x128xi32, #tpu.memory_space<vmem>>
        %dma_start3A_798 = tpu.memref_squeeze %dma_start3A_797 : memref<1x128xi32, #tpu.memory_space<vmem>> -> memref<128xi32, #tpu.memory_space<vmem>>
        %dma_start3A_799 = arith.constant 0 : i32
        %dma_start3A_800 = arith.constant 0 : i32
        %dma_start3A_801 = tpu.memref_slice %arg2[%dma_start3A_799, %dma_start3A_800] : memref<100096x16xbf16, #tpu.memory_space<hbm>> -> memref<100096x16xbf16, #tpu.memory_space<hbm>>
        %dma_start3A_802 = tpu.memref_slice %arg10[%select_n3A_791] : memref<12x!tpu.dma_semaphore, #tpu.memory_space<semaphore_mem>> -> memref<1x!tpu.dma_semaphore, #tpu.memory_space<semaphore_mem>>
        %dma_start3A_803 = tpu.memref_squeeze %dma_start3A_802 : memref<1x!tpu.dma_semaphore, #tpu.memory_space<semaphore_mem>> -> memref<!tpu.dma_semaphore, #tpu.memory_space<semaphore_mem>>
        tpu.enqueue_indirect_dma source(%dma_start3A_801 : memref<100096x16xbf16, #tpu.memory_space<hbm>>) target(%dma_start3A_795 : memref<128x16xbf16, #tpu.memory_space<vmem>>) offsets(%dma_start3A_798 : memref<128xi32, #tpu.memory_space<vmem>>) semaphore(%dma_start3A_803 : memref<!tpu.dma_semaphore, #tpu.memory_space<semaphore_mem>>)
      } else {
      }
    }
    %scan3A_303 = arith.constant 98 : i32
    %dma_wait3A_304 = arith.constant 0 : i32
    %dma_wait3A_305 = arith.constant 0 : i32
    %dma_wait3A_306 = arith.constant 0 : i32
    %dma_wait3A_307 = tpu.memref_slice %arg8[%dma_wait3A_304, %dma_wait3A_305, %dma_wait3A_306] : memref<12x128x16xbf16, #tpu.memory_space<vmem>> -> memref<1x128x16xbf16, #tpu.memory_space<vmem>>
    %dma_wait3A_308 = tpu.memref_squeeze %dma_wait3A_307 : memref<1x128x16xbf16, #tpu.memory_space<vmem>> -> memref<128x16xbf16, #tpu.memory_space<vmem>>
    %dma_wait3A_309 = arith.constant 0 : i32
    %dma_wait3A_310 = arith.constant 0 : i32
    %dma_wait3A_311 = tpu.memref_slice %arg2[%dma_wait3A_309, %dma_wait3A_310] : memref<100096x16xbf16, #tpu.memory_space<hbm>> -> memref<128x16xbf16, #tpu.memory_space<hbm>>
    %dma_wait3A_312 = arith.constant 0 : i32
    %dma_wait3A_313 = arith.constant 0 : i32
    %dma_wait3A_314 = tpu.memref_slice %arg8[%dma_wait3A_304, %dma_wait3A_312, %dma_wait3A_313] : memref<12x128x16xbf16, #tpu.memory_space<vmem>> -> memref<1x128x16xbf16, #tpu.memory_space<vmem>>
    %dma_wait3A_315 = tpu.memref_squeeze %dma_wait3A_314 : memref<1x128x16xbf16, #tpu.memory_space<vmem>> -> memref<128x16xbf16, #tpu.memory_space<vmem>>
    %dma_wait3A_316 = arith.constant 0 : i32
    %dma_wait3A_317 = arith.constant 0 : i32
    %dma_wait3A_318 = tpu.memref_slice %arg2[%dma_wait3A_316, %dma_wait3A_317] : memref<100096x16xbf16, #tpu.memory_space<hbm>> -> memref<128x16xbf16, #tpu.memory_space<hbm>>
    tpu.wait_dma2 semaphore(%arg11 : memref<!tpu.dma_semaphore, #tpu.memory_space<semaphore_mem>>) src(%dma_wait3A_318 : memref<128x16xbf16, #tpu.memory_space<hbm>>) dst(%dma_wait3A_315 : memref<128x16xbf16, #tpu.memory_space<vmem>>)
    %dma_wait3A_319 = arith.constant 0 : i32
    %dma_wait3A_320 = arith.constant 0 : i32
    %dma_wait3A_321 = arith.constant 0 : i32
    %dma_wait3A_322 = tpu.memref_slice %arg8[%dma_wait3A_319, %dma_wait3A_320, %dma_wait3A_321] : memref<12x128x16xbf16, #tpu.memory_space<vmem>> -> memref<1x128x16xbf16, #tpu.memory_space<vmem>>
    %dma_wait3A_323 = tpu.memref_squeeze %dma_wait3A_322 : memref<1x128x16xbf16, #tpu.memory_space<vmem>> -> memref<128x16xbf16, #tpu.memory_space<vmem>>
    %dma_wait3A_324 = arith.constant 0 : i32
    %dma_wait3A_325 = arith.constant 0 : i32
    %dma_wait3A_326 = tpu.memref_slice %arg2[%dma_wait3A_324, %dma_wait3A_325] : memref<100096x16xbf16, #tpu.memory_space<hbm>> -> memref<128x16xbf16, #tpu.memory_space<hbm>>
    %dma_wait3A_327 = arith.constant 0 : i32
    %dma_wait3A_328 = arith.constant 0 : i32
    %dma_wait3A_329 = tpu.memref_slice %arg8[%dma_wait3A_319, %dma_wait3A_327, %dma_wait3A_328] : memref<12x128x16xbf16, #tpu.memory_space<vmem>> -> memref<1x128x16xbf16, #tpu.memory_space<vmem>>
    %dma_wait3A_330 = tpu.memref_squeeze %dma_wait3A_329 : memref<1x128x16xbf16, #tpu.memory_space<vmem>> -> memref<128x16xbf16, #tpu.memory_space<vmem>>
    %dma_wait3A_331 = arith.constant 0 : i32
    %dma_wait3A_332 = arith.constant 0 : i32
    %dma_wait3A_333 = tpu.memref_slice %arg2[%dma_wait3A_331, %dma_wait3A_332] : memref<100096x16xbf16, #tpu.memory_space<hbm>> -> memref<128x16xbf16, #tpu.memory_space<hbm>>
    tpu.wait_dma2 semaphore(%arg11 : memref<!tpu.dma_semaphore, #tpu.memory_space<semaphore_mem>>) src(%dma_wait3A_333 : memref<128x16xbf16, #tpu.memory_space<hbm>>) dst(%dma_wait3A_330 : memref<128x16xbf16, #tpu.memory_space<vmem>>)
    %dma_wait3A_334 = arith.constant 0 : i32
    %dma_wait3A_335 = arith.constant 0 : i32
    %dma_wait3A_336 = arith.constant 0 : i32
    %dma_wait3A_337 = tpu.memref_slice %arg8[%dma_wait3A_334, %dma_wait3A_335, %dma_wait3A_336] : memref<12x128x16xbf16, #tpu.memory_space<vmem>> -> memref<1x128x16xbf16, #tpu.memory_space<vmem>>
    %dma_wait3A_338 = tpu.memref_squeeze %dma_wait3A_337 : memref<1x128x16xbf16, #tpu.memory_space<vmem>> -> memref<128x16xbf16, #tpu.memory_space<vmem>>
    %dma_wait3A_339 = arith.constant 0 : i32
    %dma_wait3A_340 = arith.constant 0 : i32
    %dma_wait3A_341 = tpu.memref_slice %arg2[%dma_wait3A_339, %dma_wait3A_340] : memref<100096x16xbf16, #tpu.memory_space<hbm>> -> memref<128x16xbf16, #tpu.memory_space<hbm>>
    %dma_wait3A_342 = arith.constant 0 : i32
    %dma_wait3A_343 = arith.constant 0 : i32
    %dma_wait3A_344 = tpu.memref_slice %arg8[%dma_wait3A_334, %dma_wait3A_342, %dma_wait3A_343] : memref<12x128x16xbf16, #tpu.memory_space<vmem>> -> memref<1x128x16xbf16, #tpu.memory_space<vmem>>
    %dma_wait3A_345 = tpu.memref_squeeze %dma_wait3A_344 : memref<1x128x16xbf16, #tpu.memory_space<vmem>> -> memref<128x16xbf16, #tpu.memory_space<vmem>>
    %dma_wait3A_346 = arith.constant 0 : i32
    %dma_wait3A_347 = arith.constant 0 : i32
    %dma_wait3A_348 = tpu.memref_slice %arg2[%dma_wait3A_346, %dma_wait3A_347] : memref<100096x16xbf16, #tpu.memory_space<hbm>> -> memref<128x16xbf16, #tpu.memory_space<hbm>>
    tpu.wait_dma2 semaphore(%arg11 : memref<!tpu.dma_semaphore, #tpu.memory_space<semaphore_mem>>) src(%dma_wait3A_348 : memref<128x16xbf16, #tpu.memory_space<hbm>>) dst(%dma_wait3A_345 : memref<128x16xbf16, #tpu.memory_space<vmem>>)
    %dma_wait3A_349 = arith.constant 0 : i32
    %dma_wait3A_350 = arith.constant 0 : i32
    %dma_wait3A_351 = arith.constant 0 : i32
    %dma_wait3A_352 = tpu.memref_slice %arg8[%dma_wait3A_349, %dma_wait3A_350, %dma_wait3A_351] : memref<12x128x16xbf16, #tpu.memory_space<vmem>> -> memref<1x128x16xbf16, #tpu.memory_space<vmem>>
    %dma_wait3A_353 = tpu.memref_squeeze %dma_wait3A_352 : memref<1x128x16xbf16, #tpu.memory_space<vmem>> -> memref<128x16xbf16, #tpu.memory_space<vmem>>
    %dma_wait3A_354 = arith.constant 0 : i32
    %dma_wait3A_355 = arith.constant 0 : i32
    %dma_wait3A_356 = tpu.memref_slice %arg2[%dma_wait3A_354, %dma_wait3A_355] : memref<100096x16xbf16, #tpu.memory_space<hbm>> -> memref<128x16xbf16, #tpu.memory_space<hbm>>
    %dma_wait3A_357 = arith.constant 0 : i32
    %dma_wait3A_358 = arith.constant 0 : i32
    %dma_wait3A_359 = tpu.memref_slice %arg8[%dma_wait3A_349, %dma_wait3A_357, %dma_wait3A_358] : memref<12x128x16xbf16, #tpu.memory_space<vmem>> -> memref<1x128x16xbf16, #tpu.memory_space<vmem>>
    %dma_wait3A_360 = tpu.memref_squeeze %dma_wait3A_359 : memref<1x128x16xbf16, #tpu.memory_space<vmem>> -> memref<128x16xbf16, #tpu.memory_space<vmem>>
    %dma_wait3A_361 = arith.constant 0 : i32
    %dma_wait3A_362 = arith.constant 0 : i32
    %dma_wait3A_363 = tpu.memref_slice %arg2[%dma_wait3A_361, %dma_wait3A_362] : memref<100096x16xbf16, #tpu.memory_space<hbm>> -> memref<128x16xbf16, #tpu.memory_space<hbm>>
    tpu.wait_dma2 semaphore(%arg11 : memref<!tpu.dma_semaphore, #tpu.memory_space<semaphore_mem>>) src(%dma_wait3A_363 : memref<128x16xbf16, #tpu.memory_space<hbm>>) dst(%dma_wait3A_360 : memref<128x16xbf16, #tpu.memory_space<vmem>>)
    %dma_wait3A_364 = arith.constant 0 : i32
    %dma_wait3A_365 = arith.constant 0 : i32
    %dma_wait3A_366 = arith.constant 0 : i32
    %dma_wait3A_367 = tpu.memref_slice %arg8[%dma_wait3A_364, %dma_wait3A_365, %dma_wait3A_366] : memref<12x128x16xbf16, #tpu.memory_space<vmem>> -> memref<1x128x16xbf16, #tpu.memory_space<vmem>>
    %dma_wait3A_368 = tpu.memref_squeeze %dma_wait3A_367 : memref<1x128x16xbf16, #tpu.memory_space<vmem>> -> memref<128x16xbf16, #tpu.memory_space<vmem>>
    %dma_wait3A_369 = arith.constant 0 : i32
    %dma_wait3A_370 = arith.constant 0 : i32
    %dma_wait3A_371 = tpu.memref_slice %arg2[%dma_wait3A_369, %dma_wait3A_370] : memref<100096x16xbf16, #tpu.memory_space<hbm>> -> memref<128x16xbf16, #tpu.memory_space<hbm>>
    %dma_wait3A_372 = arith.constant 0 : i32
    %dma_wait3A_373 = arith.constant 0 : i32
    %dma_wait3A_374 = tpu.memref_slice %arg8[%dma_wait3A_364, %dma_wait3A_372, %dma_wait3A_373] : memref<12x128x16xbf16, #tpu.memory_space<vmem>> -> memref<1x128x16xbf16, #tpu.memory_space<vmem>>
    %dma_wait3A_375 = tpu.memref_squeeze %dma_wait3A_374 : memref<1x128x16xbf16, #tpu.memory_space<vmem>> -> memref<128x16xbf16, #tpu.memory_space<vmem>>
    %dma_wait3A_376 = arith.constant 0 : i32
    %dma_wait3A_377 = arith.constant 0 : i32
    %dma_wait3A_378 = tpu.memref_slice %arg2[%dma_wait3A_376, %dma_wait3A_377] : memref<100096x16xbf16, #tpu.memory_space<hbm>> -> memref<128x16xbf16, #tpu.memory_space<hbm>>
    tpu.wait_dma2 semaphore(%arg11 : memref<!tpu.dma_semaphore, #tpu.memory_space<semaphore_mem>>) src(%dma_wait3A_378 : memref<128x16xbf16, #tpu.memory_space<hbm>>) dst(%dma_wait3A_375 : memref<128x16xbf16, #tpu.memory_space<vmem>>)
    %dma_wait3A_379 = arith.constant 0 : i32
    %dma_wait3A_380 = arith.constant 0 : i32
    %dma_wait3A_381 = arith.constant 0 : i32
    %dma_wait3A_382 = tpu.memref_slice %arg8[%dma_wait3A_379, %dma_wait3A_380, %dma_wait3A_381] : memref<12x128x16xbf16, #tpu.memory_space<vmem>> -> memref<1x128x16xbf16, #tpu.memory_space<vmem>>
    %dma_wait3A_383 = tpu.memref_squeeze %dma_wait3A_382 : memref<1x128x16xbf16, #tpu.memory_space<vmem>> -> memref<128x16xbf16, #tpu.memory_space<vmem>>
    %dma_wait3A_384 = arith.constant 0 : i32
    %dma_wait3A_385 = arith.constant 0 : i32
    %dma_wait3A_386 = tpu.memref_slice %arg2[%dma_wait3A_384, %dma_wait3A_385] : memref<100096x16xbf16, #tpu.memory_space<hbm>> -> memref<128x16xbf16, #tpu.memory_space<hbm>>
    %dma_wait3A_387 = arith.constant 0 : i32
    %dma_wait3A_388 = arith.constant 0 : i32
    %dma_wait3A_389 = tpu.memref_slice %arg8[%dma_wait3A_379, %dma_wait3A_387, %dma_wait3A_388] : memref<12x128x16xbf16, #tpu.memory_space<vmem>> -> memref<1x128x16xbf16, #tpu.memory_space<vmem>>
    %dma_wait3A_390 = tpu.memref_squeeze %dma_wait3A_389 : memref<1x128x16xbf16, #tpu.memory_space<vmem>> -> memref<128x16xbf16, #tpu.memory_space<vmem>>
    %dma_wait3A_391 = arith.constant 0 : i32
    %dma_wait3A_392 = arith.constant 0 : i32
    %dma_wait3A_393 = tpu.memref_slice %arg2[%dma_wait3A_391, %dma_wait3A_392] : memref<100096x16xbf16, #tpu.memory_space<hbm>> -> memref<128x16xbf16, #tpu.memory_space<hbm>>
    tpu.wait_dma2 semaphore(%arg11 : memref<!tpu.dma_semaphore, #tpu.memory_space<semaphore_mem>>) src(%dma_wait3A_393 : memref<128x16xbf16, #tpu.memory_space<hbm>>) dst(%dma_wait3A_390 : memref<128x16xbf16, #tpu.memory_space<vmem>>)
    %mul3A_394 = arith.constant 390 : i32
    %mul3A_395 = arith.muli %add3A, %mul3A_394 : i32
    %add3A_396 = arith.constant 196 : i32
    %add3A_397 = arith.addi %mul3A_395, %add3A_396 : i32
    "tpu.region"() ({
      %run_scoped3A = tpu.sem_alloc : memref<!tpu.dma_semaphore, #tpu.memory_space<semaphore_mem>>
      %dma_start3A_680 = arith.constant 0 : i32
      %dma_start3A_681 = arith.constant 0 : i32
      %dma_start3A_682 = tpu.memref_slice %arg6[%dma_start3A_680, %dma_start3A_681] : memref<98x128xi32, #tpu.memory_space<vmem>> -> memref<98x128xi32, #tpu.memory_space<vmem>>
      %dma_start3A_683 = arith.constant 0 : i32
      %dma_start3A_684 = tpu.memref_slice %arg3[%add3A_397, %dma_start3A_683] : memref<25000x128xi32, #tpu.memory_space<hbm>> -> memref<98x128xi32, #tpu.memory_space<hbm>>
      %dma_start3A_685 = arith.constant 0 : i32
      %dma_start3A_686 = arith.constant 0 : i32
      %dma_start3A_687 = tpu.memref_slice %arg6[%dma_start3A_685, %dma_start3A_686] : memref<98x128xi32, #tpu.memory_space<vmem>> -> memref<98x128xi32, #tpu.memory_space<vmem>>
      %dma_start3A_688 = arith.constant 0 : i32
      %dma_start3A_689 = tpu.memref_slice %arg3[%add3A_397, %dma_start3A_688] : memref<25000x128xi32, #tpu.memory_space<hbm>> -> memref<98x128xi32, #tpu.memory_space<hbm>>
      tpu.enqueue_dma source(%dma_start3A_689 : memref<98x128xi32, #tpu.memory_space<hbm>>) target(%dma_start3A_687 : memref<98x128xi32, #tpu.memory_space<vmem>>) target_semaphore(%run_scoped3A : memref<!tpu.dma_semaphore, #tpu.memory_space<semaphore_mem>>)
      %dma_wait3A_690 = arith.constant 0 : i32
      %dma_wait3A_691 = arith.constant 0 : i32
      %dma_wait3A_692 = tpu.memref_slice %arg6[%dma_wait3A_690, %dma_wait3A_691] : memref<98x128xi32, #tpu.memory_space<vmem>> -> memref<98x128xi32, #tpu.memory_space<vmem>>
      %dma_wait3A_693 = arith.constant 0 : i32
      %dma_wait3A_694 = tpu.memref_slice %arg3[%add3A_397, %dma_wait3A_693] : memref<25000x128xi32, #tpu.memory_space<hbm>> -> memref<98x128xi32, #tpu.memory_space<hbm>>
      %dma_wait3A_695 = arith.constant 0 : i32
      %dma_wait3A_696 = arith.constant 0 : i32
      %dma_wait3A_697 = tpu.memref_slice %arg6[%dma_wait3A_695, %dma_wait3A_696] : memref<98x128xi32, #tpu.memory_space<vmem>> -> memref<98x128xi32, #tpu.memory_space<vmem>>
      %dma_wait3A_698 = arith.constant 0 : i32
      %dma_wait3A_699 = tpu.memref_slice %arg3[%add3A_397, %dma_wait3A_698] : memref<25000x128xi32, #tpu.memory_space<hbm>> -> memref<98x128xi32, #tpu.memory_space<hbm>>
      tpu.wait_dma2 semaphore(%run_scoped3A : memref<!tpu.dma_semaphore, #tpu.memory_space<semaphore_mem>>) src(%dma_wait3A_699 : memref<98x128xi32, #tpu.memory_space<hbm>>) dst(%dma_wait3A_697 : memref<98x128xi32, #tpu.memory_space<vmem>>)
      tpu.yield
    }) : () -> ()
    %mul3A_398 = arith.constant 390 : i32
    %mul3A_399 = arith.muli %add3A, %mul3A_398 : i32
    %add3A_400 = arith.constant 12500 : i32
    %add3A_401 = arith.addi %add3A_400, %mul3A_399 : i32
    %add3A_402 = arith.constant 196 : i32
    %add3A_403 = arith.addi %add3A_401, %add3A_402 : i32
    "tpu.region"() ({
      %run_scoped3A = tpu.sem_alloc : memref<!tpu.dma_semaphore, #tpu.memory_space<semaphore_mem>>
      %dma_start3A_680 = arith.constant 0 : i32
      %dma_start3A_681 = arith.constant 0 : i32
      %dma_start3A_682 = tpu.memref_slice %arg7[%dma_start3A_680, %dma_start3A_681] : memref<98x128xi32, #tpu.memory_space<vmem>> -> memref<98x128xi32, #tpu.memory_space<vmem>>
      %dma_start3A_683 = arith.constant 0 : i32
      %dma_start3A_684 = tpu.memref_slice %arg3[%add3A_403, %dma_start3A_683] : memref<25000x128xi32, #tpu.memory_space<hbm>> -> memref<98x128xi32, #tpu.memory_space<hbm>>
      %dma_start3A_685 = arith.constant 0 : i32
      %dma_start3A_686 = arith.constant 0 : i32
      %dma_start3A_687 = tpu.memref_slice %arg7[%dma_start3A_685, %dma_start3A_686] : memref<98x128xi32, #tpu.memory_space<vmem>> -> memref<98x128xi32, #tpu.memory_space<vmem>>
      %dma_start3A_688 = arith.constant 0 : i32
      %dma_start3A_689 = tpu.memref_slice %arg3[%add3A_403, %dma_start3A_688] : memref<25000x128xi32, #tpu.memory_space<hbm>> -> memref<98x128xi32, #tpu.memory_space<hbm>>
      tpu.enqueue_dma source(%dma_start3A_689 : memref<98x128xi32, #tpu.memory_space<hbm>>) target(%dma_start3A_687 : memref<98x128xi32, #tpu.memory_space<vmem>>) target_semaphore(%run_scoped3A : memref<!tpu.dma_semaphore, #tpu.memory_space<semaphore_mem>>)
      %dma_wait3A_690 = arith.constant 0 : i32
      %dma_wait3A_691 = arith.constant 0 : i32
      %dma_wait3A_692 = tpu.memref_slice %arg7[%dma_wait3A_690, %dma_wait3A_691] : memref<98x128xi32, #tpu.memory_space<vmem>> -> memref<98x128xi32, #tpu.memory_space<vmem>>
      %dma_wait3A_693 = arith.constant 0 : i32
      %dma_wait3A_694 = tpu.memref_slice %arg3[%add3A_403, %dma_wait3A_693] : memref<25000x128xi32, #tpu.memory_space<hbm>> -> memref<98x128xi32, #tpu.memory_space<hbm>>
      %dma_wait3A_695 = arith.constant 0 : i32
      %dma_wait3A_696 = arith.constant 0 : i32
      %dma_wait3A_697 = tpu.memref_slice %arg7[%dma_wait3A_695, %dma_wait3A_696] : memref<98x128xi32, #tpu.memory_space<vmem>> -> memref<98x128xi32, #tpu.memory_space<vmem>>
      %dma_wait3A_698 = arith.constant 0 : i32
      %dma_wait3A_699 = tpu.memref_slice %arg3[%add3A_403, %dma_wait3A_698] : memref<25000x128xi32, #tpu.memory_space<hbm>> -> memref<98x128xi32, #tpu.memory_space<hbm>>
      tpu.wait_dma2 semaphore(%run_scoped3A : memref<!tpu.dma_semaphore, #tpu.memory_space<semaphore_mem>>) src(%dma_wait3A_699 : memref<98x128xi32, #tpu.memory_space<hbm>>) dst(%dma_wait3A_697 : memref<98x128xi32, #tpu.memory_space<vmem>>)
      tpu.yield
    }) : () -> ()
    %dma_start3A_404 = arith.constant 0 : i32
    %dma_start3A_405 = arith.constant 0 : i32
    %dma_start3A_406 = arith.constant 0 : i32
    %dma_start3A_407 = arith.constant 0 : i32
    %dma_start3A_408 = arith.constant 0 : i32
    %dma_start3A_409 = tpu.memref_slice %arg8[%dma_start3A_405, %dma_start3A_407, %dma_start3A_408] : memref<12x128x16xbf16, #tpu.memory_space<vmem>> -> memref<1x128x16xbf16, #tpu.memory_space<vmem>>
    %dma_start3A_410 = tpu.memref_squeeze %dma_start3A_409 : memref<1x128x16xbf16, #tpu.memory_space<vmem>> -> memref<128x16xbf16, #tpu.memory_space<vmem>>
    %dma_start3A_411 = arith.constant 0 : i32
    %dma_start3A_412 = tpu.memref_slice %arg6[%dma_start3A_404, %dma_start3A_411] : memref<98x128xi32, #tpu.memory_space<vmem>> -> memref<1x128xi32, #tpu.memory_space<vmem>>
    %dma_start3A_413 = tpu.memref_squeeze %dma_start3A_412 : memref<1x128xi32, #tpu.memory_space<vmem>> -> memref<128xi32, #tpu.memory_space<vmem>>
    %dma_start3A_414 = arith.constant 0 : i32
    %dma_start3A_415 = arith.constant 0 : i32
    %dma_start3A_416 = tpu.memref_slice %arg2[%dma_start3A_414, %dma_start3A_415] : memref<100096x16xbf16, #tpu.memory_space<hbm>> -> memref<100096x16xbf16, #tpu.memory_space<hbm>>
    %dma_start3A_417 = tpu.memref_slice %arg10[%dma_start3A_406] : memref<12x!tpu.dma_semaphore, #tpu.memory_space<semaphore_mem>> -> memref<1x!tpu.dma_semaphore, #tpu.memory_space<semaphore_mem>>
    %dma_start3A_418 = tpu.memref_squeeze %dma_start3A_417 : memref<1x!tpu.dma_semaphore, #tpu.memory_space<semaphore_mem>> -> memref<!tpu.dma_semaphore, #tpu.memory_space<semaphore_mem>>
    tpu.enqueue_indirect_dma source(%dma_start3A_416 : memref<100096x16xbf16, #tpu.memory_space<hbm>>) target(%dma_start3A_410 : memref<128x16xbf16, #tpu.memory_space<vmem>>) offsets(%dma_start3A_413 : memref<128xi32, #tpu.memory_space<vmem>>) semaphore(%dma_start3A_418 : memref<!tpu.dma_semaphore, #tpu.memory_space<semaphore_mem>>)
    %dma_start3A_419 = arith.constant 1 : i32
    %dma_start3A_420 = arith.constant 1 : i32
    %dma_start3A_421 = arith.constant 1 : i32
    %dma_start3A_422 = arith.constant 0 : i32
    %dma_start3A_423 = arith.constant 0 : i32
    %dma_start3A_424 = tpu.memref_slice %arg8[%dma_start3A_420, %dma_start3A_422, %dma_start3A_423] : memref<12x128x16xbf16, #tpu.memory_space<vmem>> -> memref<1x128x16xbf16, #tpu.memory_space<vmem>>
    %dma_start3A_425 = tpu.memref_squeeze %dma_start3A_424 : memref<1x128x16xbf16, #tpu.memory_space<vmem>> -> memref<128x16xbf16, #tpu.memory_space<vmem>>
    %dma_start3A_426 = arith.constant 0 : i32
    %dma_start3A_427 = tpu.memref_slice %arg6[%dma_start3A_419, %dma_start3A_426] : memref<98x128xi32, #tpu.memory_space<vmem>> -> memref<1x128xi32, #tpu.memory_space<vmem>>
    %dma_start3A_428 = tpu.memref_squeeze %dma_start3A_427 : memref<1x128xi32, #tpu.memory_space<vmem>> -> memref<128xi32, #tpu.memory_space<vmem>>
    %dma_start3A_429 = arith.constant 0 : i32
    %dma_start3A_430 = arith.constant 0 : i32
    %dma_start3A_431 = tpu.memref_slice %arg2[%dma_start3A_429, %dma_start3A_430] : memref<100096x16xbf16, #tpu.memory_space<hbm>> -> memref<100096x16xbf16, #tpu.memory_space<hbm>>
    %dma_start3A_432 = tpu.memref_slice %arg10[%dma_start3A_421] : memref<12x!tpu.dma_semaphore, #tpu.memory_space<semaphore_mem>> -> memref<1x!tpu.dma_semaphore, #tpu.memory_space<semaphore_mem>>
    %dma_start3A_433 = tpu.memref_squeeze %dma_start3A_432 : memref<1x!tpu.dma_semaphore, #tpu.memory_space<semaphore_mem>> -> memref<!tpu.dma_semaphore, #tpu.memory_space<semaphore_mem>>
    tpu.enqueue_indirect_dma source(%dma_start3A_431 : memref<100096x16xbf16, #tpu.memory_space<hbm>>) target(%dma_start3A_425 : memref<128x16xbf16, #tpu.memory_space<vmem>>) offsets(%dma_start3A_428 : memref<128xi32, #tpu.memory_space<vmem>>) semaphore(%dma_start3A_433 : memref<!tpu.dma_semaphore, #tpu.memory_space<semaphore_mem>>)
    %dma_start3A_434 = arith.constant 2 : i32
    %dma_start3A_435 = arith.constant 2 : i32
    %dma_start3A_436 = arith.constant 2 : i32
    %dma_start3A_437 = arith.constant 0 : i32
    %dma_start3A_438 = arith.constant 0 : i32
    %dma_start3A_439 = tpu.memref_slice %arg8[%dma_start3A_435, %dma_start3A_437, %dma_start3A_438] : memref<12x128x16xbf16, #tpu.memory_space<vmem>> -> memref<1x128x16xbf16, #tpu.memory_space<vmem>>
    %dma_start3A_440 = tpu.memref_squeeze %dma_start3A_439 : memref<1x128x16xbf16, #tpu.memory_space<vmem>> -> memref<128x16xbf16, #tpu.memory_space<vmem>>
    %dma_start3A_441 = arith.constant 0 : i32
    %dma_start3A_442 = tpu.memref_slice %arg6[%dma_start3A_434, %dma_start3A_441] : memref<98x128xi32, #tpu.memory_space<vmem>> -> memref<1x128xi32, #tpu.memory_space<vmem>>
    %dma_start3A_443 = tpu.memref_squeeze %dma_start3A_442 : memref<1x128xi32, #tpu.memory_space<vmem>> -> memref<128xi32, #tpu.memory_space<vmem>>
    %dma_start3A_444 = arith.constant 0 : i32
    %dma_start3A_445 = arith.constant 0 : i32
    %dma_start3A_446 = tpu.memref_slice %arg2[%dma_start3A_444, %dma_start3A_445] : memref<100096x16xbf16, #tpu.memory_space<hbm>> -> memref<100096x16xbf16, #tpu.memory_space<hbm>>
    %dma_start3A_447 = tpu.memref_slice %arg10[%dma_start3A_436] : memref<12x!tpu.dma_semaphore, #tpu.memory_space<semaphore_mem>> -> memref<1x!tpu.dma_semaphore, #tpu.memory_space<semaphore_mem>>
    %dma_start3A_448 = tpu.memref_squeeze %dma_start3A_447 : memref<1x!tpu.dma_semaphore, #tpu.memory_space<semaphore_mem>> -> memref<!tpu.dma_semaphore, #tpu.memory_space<semaphore_mem>>
    tpu.enqueue_indirect_dma source(%dma_start3A_446 : memref<100096x16xbf16, #tpu.memory_space<hbm>>) target(%dma_start3A_440 : memref<128x16xbf16, #tpu.memory_space<vmem>>) offsets(%dma_start3A_443 : memref<128xi32, #tpu.memory_space<vmem>>) semaphore(%dma_start3A_448 : memref<!tpu.dma_semaphore, #tpu.memory_space<semaphore_mem>>)
    %dma_start3A_449 = arith.constant 3 : i32
    %dma_start3A_450 = arith.constant 3 : i32
    %dma_start3A_451 = arith.constant 3 : i32
    %dma_start3A_452 = arith.constant 0 : i32
    %dma_start3A_453 = arith.constant 0 : i32
    %dma_start3A_454 = tpu.memref_slice %arg8[%dma_start3A_450, %dma_start3A_452, %dma_start3A_453] : memref<12x128x16xbf16, #tpu.memory_space<vmem>> -> memref<1x128x16xbf16, #tpu.memory_space<vmem>>
    %dma_start3A_455 = tpu.memref_squeeze %dma_start3A_454 : memref<1x128x16xbf16, #tpu.memory_space<vmem>> -> memref<128x16xbf16, #tpu.memory_space<vmem>>
    %dma_start3A_456 = arith.constant 0 : i32
    %dma_start3A_457 = tpu.memref_slice %arg6[%dma_start3A_449, %dma_start3A_456] : memref<98x128xi32, #tpu.memory_space<vmem>> -> memref<1x128xi32, #tpu.memory_space<vmem>>
    %dma_start3A_458 = tpu.memref_squeeze %dma_start3A_457 : memref<1x128xi32, #tpu.memory_space<vmem>> -> memref<128xi32, #tpu.memory_space<vmem>>
    %dma_start3A_459 = arith.constant 0 : i32
    %dma_start3A_460 = arith.constant 0 : i32
    %dma_start3A_461 = tpu.memref_slice %arg2[%dma_start3A_459, %dma_start3A_460] : memref<100096x16xbf16, #tpu.memory_space<hbm>> -> memref<100096x16xbf16, #tpu.memory_space<hbm>>
    %dma_start3A_462 = tpu.memref_slice %arg10[%dma_start3A_451] : memref<12x!tpu.dma_semaphore, #tpu.memory_space<semaphore_mem>> -> memref<1x!tpu.dma_semaphore, #tpu.memory_space<semaphore_mem>>
    %dma_start3A_463 = tpu.memref_squeeze %dma_start3A_462 : memref<1x!tpu.dma_semaphore, #tpu.memory_space<semaphore_mem>> -> memref<!tpu.dma_semaphore, #tpu.memory_space<semaphore_mem>>
    tpu.enqueue_indirect_dma source(%dma_start3A_461 : memref<100096x16xbf16, #tpu.memory_space<hbm>>) target(%dma_start3A_455 : memref<128x16xbf16, #tpu.memory_space<vmem>>) offsets(%dma_start3A_458 : memref<128xi32, #tpu.memory_space<vmem>>) semaphore(%dma_start3A_463 : memref<!tpu.dma_semaphore, #tpu.memory_space<semaphore_mem>>)
    %dma_start3A_464 = arith.constant 4 : i32
    %dma_start3A_465 = arith.constant 4 : i32
    %dma_start3A_466 = arith.constant 4 : i32
    %dma_start3A_467 = arith.constant 0 : i32
    %dma_start3A_468 = arith.constant 0 : i32
    %dma_start3A_469 = tpu.memref_slice %arg8[%dma_start3A_465, %dma_start3A_467, %dma_start3A_468] : memref<12x128x16xbf16, #tpu.memory_space<vmem>> -> memref<1x128x16xbf16, #tpu.memory_space<vmem>>
    %dma_start3A_470 = tpu.memref_squeeze %dma_start3A_469 : memref<1x128x16xbf16, #tpu.memory_space<vmem>> -> memref<128x16xbf16, #tpu.memory_space<vmem>>
    %dma_start3A_471 = arith.constant 0 : i32
    %dma_start3A_472 = tpu.memref_slice %arg6[%dma_start3A_464, %dma_start3A_471] : memref<98x128xi32, #tpu.memory_space<vmem>> -> memref<1x128xi32, #tpu.memory_space<vmem>>
    %dma_start3A_473 = tpu.memref_squeeze %dma_start3A_472 : memref<1x128xi32, #tpu.memory_space<vmem>> -> memref<128xi32, #tpu.memory_space<vmem>>
    %dma_start3A_474 = arith.constant 0 : i32
    %dma_start3A_475 = arith.constant 0 : i32
    %dma_start3A_476 = tpu.memref_slice %arg2[%dma_start3A_474, %dma_start3A_475] : memref<100096x16xbf16, #tpu.memory_space<hbm>> -> memref<100096x16xbf16, #tpu.memory_space<hbm>>
    %dma_start3A_477 = tpu.memref_slice %arg10[%dma_start3A_466] : memref<12x!tpu.dma_semaphore, #tpu.memory_space<semaphore_mem>> -> memref<1x!tpu.dma_semaphore, #tpu.memory_space<semaphore_mem>>
    %dma_start3A_478 = tpu.memref_squeeze %dma_start3A_477 : memref<1x!tpu.dma_semaphore, #tpu.memory_space<semaphore_mem>> -> memref<!tpu.dma_semaphore, #tpu.memory_space<semaphore_mem>>
    tpu.enqueue_indirect_dma source(%dma_start3A_476 : memref<100096x16xbf16, #tpu.memory_space<hbm>>) target(%dma_start3A_470 : memref<128x16xbf16, #tpu.memory_space<vmem>>) offsets(%dma_start3A_473 : memref<128xi32, #tpu.memory_space<vmem>>) semaphore(%dma_start3A_478 : memref<!tpu.dma_semaphore, #tpu.memory_space<semaphore_mem>>)
    %dma_start3A_479 = arith.constant 5 : i32
    %dma_start3A_480 = arith.constant 5 : i32
    %dma_start3A_481 = arith.constant 5 : i32
    %dma_start3A_482 = arith.constant 0 : i32
    %dma_start3A_483 = arith.constant 0 : i32
    %dma_start3A_484 = tpu.memref_slice %arg8[%dma_start3A_480, %dma_start3A_482, %dma_start3A_483] : memref<12x128x16xbf16, #tpu.memory_space<vmem>> -> memref<1x128x16xbf16, #tpu.memory_space<vmem>>
    %dma_start3A_485 = tpu.memref_squeeze %dma_start3A_484 : memref<1x128x16xbf16, #tpu.memory_space<vmem>> -> memref<128x16xbf16, #tpu.memory_space<vmem>>
    %dma_start3A_486 = arith.constant 0 : i32
    %dma_start3A_487 = tpu.memref_slice %arg6[%dma_start3A_479, %dma_start3A_486] : memref<98x128xi32, #tpu.memory_space<vmem>> -> memref<1x128xi32, #tpu.memory_space<vmem>>
    %dma_start3A_488 = tpu.memref_squeeze %dma_start3A_487 : memref<1x128xi32, #tpu.memory_space<vmem>> -> memref<128xi32, #tpu.memory_space<vmem>>
    %dma_start3A_489 = arith.constant 0 : i32
    %dma_start3A_490 = arith.constant 0 : i32
    %dma_start3A_491 = tpu.memref_slice %arg2[%dma_start3A_489, %dma_start3A_490] : memref<100096x16xbf16, #tpu.memory_space<hbm>> -> memref<100096x16xbf16, #tpu.memory_space<hbm>>
    %dma_start3A_492 = tpu.memref_slice %arg10[%dma_start3A_481] : memref<12x!tpu.dma_semaphore, #tpu.memory_space<semaphore_mem>> -> memref<1x!tpu.dma_semaphore, #tpu.memory_space<semaphore_mem>>
    %dma_start3A_493 = tpu.memref_squeeze %dma_start3A_492 : memref<1x!tpu.dma_semaphore, #tpu.memory_space<semaphore_mem>> -> memref<!tpu.dma_semaphore, #tpu.memory_space<semaphore_mem>>
    tpu.enqueue_indirect_dma source(%dma_start3A_491 : memref<100096x16xbf16, #tpu.memory_space<hbm>>) target(%dma_start3A_485 : memref<128x16xbf16, #tpu.memory_space<vmem>>) offsets(%dma_start3A_488 : memref<128xi32, #tpu.memory_space<vmem>>) semaphore(%dma_start3A_493 : memref<!tpu.dma_semaphore, #tpu.memory_space<semaphore_mem>>)
    %scan3A_494 = arith.constant 0 : i32
    %scan3A_495 = arith.constant 0 : i32
    %scan3A_496 = arith.constant 98 : i32
    %scan3A_497 = arith.addi %scan3A_495, %scan3A_496 : i32
    %scan3A_498 = arith.constant 1 : i32
    scf.for %scan3A_680 = %scan3A_495 to %scan3A_497 step %scan3A_498  : i32 {
      %jit3A_681 = arith.constant 12 : i32
      %eq3A = arith.constant 0 : i32
      %eq3A_682 = arith.cmpi eq, %jit3A_681, %eq3A : i32
      %jit3A_683 = arith.constant 1 : i32
      %select_n3A_684 = arith.select %eq3A_682, %jit3A_683, %jit3A_681 : i32
      %rem3A = arith.remsi %scan3A_680, %select_n3A_684 : i32
      %ne3A = arith.constant 0 : i32
      %ne3A_685 = arith.cmpi ne, %rem3A, %ne3A : i32
      %lt3A_686 = arith.constant 0 : i32
      %lt3A_687 = arith.cmpi slt, %rem3A, %lt3A_686 : i32
      %lt3A_688 = arith.constant 0 : i32
      %lt3A_689 = arith.cmpi slt, %select_n3A_684, %lt3A_688 : i32
      %ne3A_690 = arith.xori %lt3A_687, %lt3A_689 : i1
      %and3A = arith.andi %ne3A_690, %ne3A_685 : i1
      %add3A_691 = arith.addi %rem3A, %select_n3A_684 : i32
      %select_n3A_692 = arith.select %and3A, %add3A_691, %rem3A : i32
      %jit3A_693 = arith.constant 12 : i32
      %eq3A_694 = arith.constant 0 : i32
      %eq3A_695 = arith.cmpi eq, %jit3A_693, %eq3A_694 : i32
      %jit3A_696 = arith.constant 1 : i32
      %select_n3A_697 = arith.select %eq3A_695, %jit3A_696, %jit3A_693 : i32
      %rem3A_698 = arith.remsi %scan3A_680, %select_n3A_697 : i32
      %ne3A_699 = arith.constant 0 : i32
      %ne3A_700 = arith.cmpi ne, %rem3A_698, %ne3A_699 : i32
      %lt3A_701 = arith.constant 0 : i32
      %lt3A_702 = arith.cmpi slt, %rem3A_698, %lt3A_701 : i32
      %lt3A_703 = arith.constant 0 : i32
      %lt3A_704 = arith.cmpi slt, %select_n3A_697, %lt3A_703 : i32
      %ne3A_705 = arith.xori %lt3A_702, %lt3A_704 : i1
      %and3A_706 = arith.andi %ne3A_705, %ne3A_700 : i1
      %add3A_707 = arith.addi %rem3A_698, %select_n3A_697 : i32
      %select_n3A_708 = arith.select %and3A_706, %add3A_707, %rem3A_698 : i32
      %dma_wait3A_709 = arith.constant 0 : i32
      %dma_wait3A_710 = arith.constant 0 : i32
      %dma_wait3A_711 = tpu.memref_slice %arg8[%select_n3A_692, %dma_wait3A_709, %dma_wait3A_710] : memref<12x128x16xbf16, #tpu.memory_space<vmem>> -> memref<1x128x16xbf16, #tpu.memory_space<vmem>>
      %dma_wait3A_712 = tpu.memref_squeeze %dma_wait3A_711 : memref<1x128x16xbf16, #tpu.memory_space<vmem>> -> memref<128x16xbf16, #tpu.memory_space<vmem>>
      %dma_wait3A_713 = arith.constant 0 : i32
      %dma_wait3A_714 = tpu.memref_slice %arg6[%scan3A_680, %dma_wait3A_713] : memref<98x128xi32, #tpu.memory_space<vmem>> -> memref<1x128xi32, #tpu.memory_space<vmem>>
      %dma_wait3A_715 = tpu.memref_squeeze %dma_wait3A_714 : memref<1x128xi32, #tpu.memory_space<vmem>> -> memref<128xi32, #tpu.memory_space<vmem>>
      %dma_wait3A_716 = arith.constant 0 : i32
      %dma_wait3A_717 = arith.constant 0 : i32
      %dma_wait3A_718 = tpu.memref_slice %arg2[%dma_wait3A_716, %dma_wait3A_717] : memref<100096x16xbf16, #tpu.memory_space<hbm>> -> memref<100096x16xbf16, #tpu.memory_space<hbm>>
      %dma_wait3A_719 = tpu.memref_slice %arg10[%select_n3A_708] : memref<12x!tpu.dma_semaphore, #tpu.memory_space<semaphore_mem>> -> memref<1x!tpu.dma_semaphore, #tpu.memory_space<semaphore_mem>>
      %dma_wait3A_720 = tpu.memref_squeeze %dma_wait3A_719 : memref<1x!tpu.dma_semaphore, #tpu.memory_space<semaphore_mem>> -> memref<!tpu.dma_semaphore, #tpu.memory_space<semaphore_mem>>
      tpu.wait_indirect_dma semaphore(%dma_wait3A_720 : memref<!tpu.dma_semaphore, #tpu.memory_space<semaphore_mem>>) src(%dma_wait3A_718 : memref<100096x16xbf16, #tpu.memory_space<hbm>>) dst(%dma_wait3A_712 : memref<128x16xbf16, #tpu.memory_space<vmem>>)
      %jit3A_721 = arith.constant 12 : i32
      %eq3A_722 = arith.constant 0 : i32
      %eq3A_723 = arith.cmpi eq, %jit3A_721, %eq3A_722 : i32
      %jit3A_724 = arith.constant 1 : i32
      %select_n3A_725 = arith.select %eq3A_723, %jit3A_724, %jit3A_721 : i32
      %rem3A_726 = arith.remsi %scan3A_680, %select_n3A_725 : i32
      %ne3A_727 = arith.constant 0 : i32
      %ne3A_728 = arith.cmpi ne, %rem3A_726, %ne3A_727 : i32
      %lt3A_729 = arith.constant 0 : i32
      %lt3A_730 = arith.cmpi slt, %rem3A_726, %lt3A_729 : i32
      %lt3A_731 = arith.constant 0 : i32
      %lt3A_732 = arith.cmpi slt, %select_n3A_725, %lt3A_731 : i32
      %ne3A_733 = arith.xori %lt3A_730, %lt3A_732 : i1
      %and3A_734 = arith.andi %ne3A_733, %ne3A_728 : i1
      %add3A_735 = arith.addi %rem3A_726, %select_n3A_725 : i32
      %select_n3A_736 = arith.select %and3A_734, %add3A_735, %rem3A_726 : i32
      %dma_start3A_737 = arith.constant 0 : i32
      %dma_start3A_738 = arith.constant 0 : i32
      %dma_start3A_739 = tpu.memref_slice %arg8[%select_n3A_736, %dma_start3A_737, %dma_start3A_738] : memref<12x128x16xbf16, #tpu.memory_space<vmem>> -> memref<1x128x16xbf16, #tpu.memory_space<vmem>>
      %dma_start3A_740 = tpu.memref_squeeze %dma_start3A_739 : memref<1x128x16xbf16, #tpu.memory_space<vmem>> -> memref<128x16xbf16, #tpu.memory_space<vmem>>
      %dma_start3A_741 = arith.constant 0 : i32
      %dma_start3A_742 = tpu.memref_slice %arg7[%scan3A_680, %dma_start3A_741] : memref<98x128xi32, #tpu.memory_space<vmem>> -> memref<1x128xi32, #tpu.memory_space<vmem>>
      %dma_start3A_743 = tpu.memref_squeeze %dma_start3A_742 : memref<1x128xi32, #tpu.memory_space<vmem>> -> memref<128xi32, #tpu.memory_space<vmem>>
      %dma_start3A_744 = arith.constant 0 : i32
      %dma_start3A_745 = arith.constant 0 : i32
      %dma_start3A_746 = tpu.memref_slice %arg9[%dma_start3A_744, %dma_start3A_745] : memref<100096x16xbf16, #tpu.memory_space<vmem_shared>> -> memref<100096x16xbf16, #tpu.memory_space<vmem_shared>>
      tpu.enqueue_indirect_dma source(%dma_start3A_740 : memref<128x16xbf16, #tpu.memory_space<vmem>>) target(%dma_start3A_746 : memref<100096x16xbf16, #tpu.memory_space<vmem_shared>>) offsets(%dma_start3A_743 : memref<128xi32, #tpu.memory_space<vmem>>) semaphore(%arg11 : memref<!tpu.dma_semaphore, #tpu.memory_space<semaphore_mem>>) {add = true}
      %ge3A = arith.constant 6 : i32
      %ge3A_747 = arith.cmpi sge, %scan3A_680, %ge3A : i32
      %convert_element_type3A_748 = arith.extui %ge3A_747 : i1 to i32
      %cond3A_749 = arith.constant 0 : i32
      %cond3A_750 = arith.cmpi ne, %convert_element_type3A_748, %cond3A_749 : i32
      scf.if %cond3A_750 {
        %dma_wait3A_758 = arith.constant 0 : i32
        %dma_wait3A_759 = arith.constant 0 : i32
        %dma_wait3A_760 = arith.constant 0 : i32
        %dma_wait3A_761 = tpu.memref_slice %arg8[%dma_wait3A_758, %dma_wait3A_759, %dma_wait3A_760] : memref<12x128x16xbf16, #tpu.memory_space<vmem>> -> memref<1x128x16xbf16, #tpu.memory_space<vmem>>
        %dma_wait3A_762 = tpu.memref_squeeze %dma_wait3A_761 : memref<1x128x16xbf16, #tpu.memory_space<vmem>> -> memref<128x16xbf16, #tpu.memory_space<vmem>>
        %dma_wait3A_763 = arith.constant 0 : i32
        %dma_wait3A_764 = arith.constant 0 : i32
        %dma_wait3A_765 = tpu.memref_slice %arg2[%dma_wait3A_763, %dma_wait3A_764] : memref<100096x16xbf16, #tpu.memory_space<hbm>> -> memref<128x16xbf16, #tpu.memory_space<hbm>>
        %dma_wait3A_766 = arith.constant 0 : i32
        %dma_wait3A_767 = arith.constant 0 : i32
        %dma_wait3A_768 = tpu.memref_slice %arg8[%dma_wait3A_758, %dma_wait3A_766, %dma_wait3A_767] : memref<12x128x16xbf16, #tpu.memory_space<vmem>> -> memref<1x128x16xbf16, #tpu.memory_space<vmem>>
        %dma_wait3A_769 = tpu.memref_squeeze %dma_wait3A_768 : memref<1x128x16xbf16, #tpu.memory_space<vmem>> -> memref<128x16xbf16, #tpu.memory_space<vmem>>
        %dma_wait3A_770 = arith.constant 0 : i32
        %dma_wait3A_771 = arith.constant 0 : i32
        %dma_wait3A_772 = tpu.memref_slice %arg2[%dma_wait3A_770, %dma_wait3A_771] : memref<100096x16xbf16, #tpu.memory_space<hbm>> -> memref<128x16xbf16, #tpu.memory_space<hbm>>
        tpu.wait_dma2 semaphore(%arg11 : memref<!tpu.dma_semaphore, #tpu.memory_space<semaphore_mem>>) src(%dma_wait3A_772 : memref<128x16xbf16, #tpu.memory_space<hbm>>) dst(%dma_wait3A_769 : memref<128x16xbf16, #tpu.memory_space<vmem>>)
      } else {
      }
      %add3A_751 = arith.constant 6 : i32
      %add3A_752 = arith.addi %scan3A_680, %add3A_751 : i32
      %lt3A_753 = arith.constant 98 : i32
      %lt3A_754 = arith.cmpi slt, %add3A_752, %lt3A_753 : i32
      %convert_element_type3A_755 = arith.extui %lt3A_754 : i1 to i32
      %cond3A_756 = arith.constant 0 : i32
      %cond3A_757 = arith.cmpi ne, %convert_element_type3A_755, %cond3A_756 : i32
      scf.if %cond3A_757 {
        %add3A_758 = arith.constant 6 : i32
        %add3A_759 = arith.addi %scan3A_680, %add3A_758 : i32
        %jit3A_760 = arith.constant 12 : i32
        %eq3A_761 = arith.constant 0 : i32
        %eq3A_762 = arith.cmpi eq, %jit3A_760, %eq3A_761 : i32
        %jit3A_763 = arith.constant 1 : i32
        %select_n3A_764 = arith.select %eq3A_762, %jit3A_763, %jit3A_760 : i32
        %rem3A_765 = arith.remsi %add3A_759, %select_n3A_764 : i32
        %ne3A_766 = arith.constant 0 : i32
        %ne3A_767 = arith.cmpi ne, %rem3A_765, %ne3A_766 : i32
        %lt3A_768 = arith.constant 0 : i32
        %lt3A_769 = arith.cmpi slt, %rem3A_765, %lt3A_768 : i32
        %lt3A_770 = arith.constant 0 : i32
        %lt3A_771 = arith.cmpi slt, %select_n3A_764, %lt3A_770 : i32
        %ne3A_772 = arith.xori %lt3A_769, %lt3A_771 : i1
        %and3A_773 = arith.andi %ne3A_772, %ne3A_767 : i1
        %add3A_774 = arith.addi %rem3A_765, %select_n3A_764 : i32
        %select_n3A_775 = arith.select %and3A_773, %add3A_774, %rem3A_765 : i32
        %jit3A_776 = arith.constant 12 : i32
        %eq3A_777 = arith.constant 0 : i32
        %eq3A_778 = arith.cmpi eq, %jit3A_776, %eq3A_777 : i32
        %jit3A_779 = arith.constant 1 : i32
        %select_n3A_780 = arith.select %eq3A_778, %jit3A_779, %jit3A_776 : i32
        %rem3A_781 = arith.remsi %add3A_759, %select_n3A_780 : i32
        %ne3A_782 = arith.constant 0 : i32
        %ne3A_783 = arith.cmpi ne, %rem3A_781, %ne3A_782 : i32
        %lt3A_784 = arith.constant 0 : i32
        %lt3A_785 = arith.cmpi slt, %rem3A_781, %lt3A_784 : i32
        %lt3A_786 = arith.constant 0 : i32
        %lt3A_787 = arith.cmpi slt, %select_n3A_780, %lt3A_786 : i32
        %ne3A_788 = arith.xori %lt3A_785, %lt3A_787 : i1
        %and3A_789 = arith.andi %ne3A_788, %ne3A_783 : i1
        %add3A_790 = arith.addi %rem3A_781, %select_n3A_780 : i32
        %select_n3A_791 = arith.select %and3A_789, %add3A_790, %rem3A_781 : i32
        %dma_start3A_792 = arith.constant 0 : i32
        %dma_start3A_793 = arith.constant 0 : i32
        %dma_start3A_794 = tpu.memref_slice %arg8[%select_n3A_775, %dma_start3A_792, %dma_start3A_793] : memref<12x128x16xbf16, #tpu.memory_space<vmem>> -> memref<1x128x16xbf16, #tpu.memory_space<vmem>>
        %dma_start3A_795 = tpu.memref_squeeze %dma_start3A_794 : memref<1x128x16xbf16, #tpu.memory_space<vmem>> -> memref<128x16xbf16, #tpu.memory_space<vmem>>
        %dma_start3A_796 = arith.constant 0 : i32
        %dma_start3A_797 = tpu.memref_slice %arg6[%add3A_759, %dma_start3A_796] : memref<98x128xi32, #tpu.memory_space<vmem>> -> memref<1x128xi32, #tpu.memory_space<vmem>>
        %dma_start3A_798 = tpu.memref_squeeze %dma_start3A_797 : memref<1x128xi32, #tpu.memory_space<vmem>> -> memref<128xi32, #tpu.memory_space<vmem>>
        %dma_start3A_799 = arith.constant 0 : i32
        %dma_start3A_800 = arith.constant 0 : i32
        %dma_start3A_801 = tpu.memref_slice %arg2[%dma_start3A_799, %dma_start3A_800] : memref<100096x16xbf16, #tpu.memory_space<hbm>> -> memref<100096x16xbf16, #tpu.memory_space<hbm>>
        %dma_start3A_802 = tpu.memref_slice %arg10[%select_n3A_791] : memref<12x!tpu.dma_semaphore, #tpu.memory_space<semaphore_mem>> -> memref<1x!tpu.dma_semaphore, #tpu.memory_space<semaphore_mem>>
        %dma_start3A_803 = tpu.memref_squeeze %dma_start3A_802 : memref<1x!tpu.dma_semaphore, #tpu.memory_space<semaphore_mem>> -> memref<!tpu.dma_semaphore, #tpu.memory_space<semaphore_mem>>
        tpu.enqueue_indirect_dma source(%dma_start3A_801 : memref<100096x16xbf16, #tpu.memory_space<hbm>>) target(%dma_start3A_795 : memref<128x16xbf16, #tpu.memory_space<vmem>>) offsets(%dma_start3A_798 : memref<128xi32, #tpu.memory_space<vmem>>) semaphore(%dma_start3A_803 : memref<!tpu.dma_semaphore, #tpu.memory_space<semaphore_mem>>)
      } else {
      }
    }
    %scan3A_499 = arith.constant 98 : i32
    %dma_wait3A_500 = arith.constant 0 : i32
    %dma_wait3A_501 = arith.constant 0 : i32
    %dma_wait3A_502 = arith.constant 0 : i32
    %dma_wait3A_503 = tpu.memref_slice %arg8[%dma_wait3A_500, %dma_wait3A_501, %dma_wait3A_502] : memref<12x128x16xbf16, #tpu.memory_space<vmem>> -> memref<1x128x16xbf16, #tpu.memory_space<vmem>>
    %dma_wait3A_504 = tpu.memref_squeeze %dma_wait3A_503 : memref<1x128x16xbf16, #tpu.memory_space<vmem>> -> memref<128x16xbf16, #tpu.memory_space<vmem>>
    %dma_wait3A_505 = arith.constant 0 : i32
    %dma_wait3A_506 = arith.constant 0 : i32
    %dma_wait3A_507 = tpu.memref_slice %arg2[%dma_wait3A_505, %dma_wait3A_506] : memref<100096x16xbf16, #tpu.memory_space<hbm>> -> memref<128x16xbf16, #tpu.memory_space<hbm>>
    %dma_wait3A_508 = arith.constant 0 : i32
    %dma_wait3A_509 = arith.constant 0 : i32
    %dma_wait3A_510 = tpu.memref_slice %arg8[%dma_wait3A_500, %dma_wait3A_508, %dma_wait3A_509] : memref<12x128x16xbf16, #tpu.memory_space<vmem>> -> memref<1x128x16xbf16, #tpu.memory_space<vmem>>
    %dma_wait3A_511 = tpu.memref_squeeze %dma_wait3A_510 : memref<1x128x16xbf16, #tpu.memory_space<vmem>> -> memref<128x16xbf16, #tpu.memory_space<vmem>>
    %dma_wait3A_512 = arith.constant 0 : i32
    %dma_wait3A_513 = arith.constant 0 : i32
    %dma_wait3A_514 = tpu.memref_slice %arg2[%dma_wait3A_512, %dma_wait3A_513] : memref<100096x16xbf16, #tpu.memory_space<hbm>> -> memref<128x16xbf16, #tpu.memory_space<hbm>>
    tpu.wait_dma2 semaphore(%arg11 : memref<!tpu.dma_semaphore, #tpu.memory_space<semaphore_mem>>) src(%dma_wait3A_514 : memref<128x16xbf16, #tpu.memory_space<hbm>>) dst(%dma_wait3A_511 : memref<128x16xbf16, #tpu.memory_space<vmem>>)
    %dma_wait3A_515 = arith.constant 0 : i32
    %dma_wait3A_516 = arith.constant 0 : i32
    %dma_wait3A_517 = arith.constant 0 : i32
    %dma_wait3A_518 = tpu.memref_slice %arg8[%dma_wait3A_515, %dma_wait3A_516, %dma_wait3A_517] : memref<12x128x16xbf16, #tpu.memory_space<vmem>> -> memref<1x128x16xbf16, #tpu.memory_space<vmem>>
    %dma_wait3A_519 = tpu.memref_squeeze %dma_wait3A_518 : memref<1x128x16xbf16, #tpu.memory_space<vmem>> -> memref<128x16xbf16, #tpu.memory_space<vmem>>
    %dma_wait3A_520 = arith.constant 0 : i32
    %dma_wait3A_521 = arith.constant 0 : i32
    %dma_wait3A_522 = tpu.memref_slice %arg2[%dma_wait3A_520, %dma_wait3A_521] : memref<100096x16xbf16, #tpu.memory_space<hbm>> -> memref<128x16xbf16, #tpu.memory_space<hbm>>
    %dma_wait3A_523 = arith.constant 0 : i32
    %dma_wait3A_524 = arith.constant 0 : i32
    %dma_wait3A_525 = tpu.memref_slice %arg8[%dma_wait3A_515, %dma_wait3A_523, %dma_wait3A_524] : memref<12x128x16xbf16, #tpu.memory_space<vmem>> -> memref<1x128x16xbf16, #tpu.memory_space<vmem>>
    %dma_wait3A_526 = tpu.memref_squeeze %dma_wait3A_525 : memref<1x128x16xbf16, #tpu.memory_space<vmem>> -> memref<128x16xbf16, #tpu.memory_space<vmem>>
    %dma_wait3A_527 = arith.constant 0 : i32
    %dma_wait3A_528 = arith.constant 0 : i32
    %dma_wait3A_529 = tpu.memref_slice %arg2[%dma_wait3A_527, %dma_wait3A_528] : memref<100096x16xbf16, #tpu.memory_space<hbm>> -> memref<128x16xbf16, #tpu.memory_space<hbm>>
    tpu.wait_dma2 semaphore(%arg11 : memref<!tpu.dma_semaphore, #tpu.memory_space<semaphore_mem>>) src(%dma_wait3A_529 : memref<128x16xbf16, #tpu.memory_space<hbm>>) dst(%dma_wait3A_526 : memref<128x16xbf16, #tpu.memory_space<vmem>>)
    %dma_wait3A_530 = arith.constant 0 : i32
    %dma_wait3A_531 = arith.constant 0 : i32
    %dma_wait3A_532 = arith.constant 0 : i32
    %dma_wait3A_533 = tpu.memref_slice %arg8[%dma_wait3A_530, %dma_wait3A_531, %dma_wait3A_532] : memref<12x128x16xbf16, #tpu.memory_space<vmem>> -> memref<1x128x16xbf16, #tpu.memory_space<vmem>>
    %dma_wait3A_534 = tpu.memref_squeeze %dma_wait3A_533 : memref<1x128x16xbf16, #tpu.memory_space<vmem>> -> memref<128x16xbf16, #tpu.memory_space<vmem>>
    %dma_wait3A_535 = arith.constant 0 : i32
    %dma_wait3A_536 = arith.constant 0 : i32
    %dma_wait3A_537 = tpu.memref_slice %arg2[%dma_wait3A_535, %dma_wait3A_536] : memref<100096x16xbf16, #tpu.memory_space<hbm>> -> memref<128x16xbf16, #tpu.memory_space<hbm>>
    %dma_wait3A_538 = arith.constant 0 : i32
    %dma_wait3A_539 = arith.constant 0 : i32
    %dma_wait3A_540 = tpu.memref_slice %arg8[%dma_wait3A_530, %dma_wait3A_538, %dma_wait3A_539] : memref<12x128x16xbf16, #tpu.memory_space<vmem>> -> memref<1x128x16xbf16, #tpu.memory_space<vmem>>
    %dma_wait3A_541 = tpu.memref_squeeze %dma_wait3A_540 : memref<1x128x16xbf16, #tpu.memory_space<vmem>> -> memref<128x16xbf16, #tpu.memory_space<vmem>>
    %dma_wait3A_542 = arith.constant 0 : i32
    %dma_wait3A_543 = arith.constant 0 : i32
    %dma_wait3A_544 = tpu.memref_slice %arg2[%dma_wait3A_542, %dma_wait3A_543] : memref<100096x16xbf16, #tpu.memory_space<hbm>> -> memref<128x16xbf16, #tpu.memory_space<hbm>>
    tpu.wait_dma2 semaphore(%arg11 : memref<!tpu.dma_semaphore, #tpu.memory_space<semaphore_mem>>) src(%dma_wait3A_544 : memref<128x16xbf16, #tpu.memory_space<hbm>>) dst(%dma_wait3A_541 : memref<128x16xbf16, #tpu.memory_space<vmem>>)
    %dma_wait3A_545 = arith.constant 0 : i32
    %dma_wait3A_546 = arith.constant 0 : i32
    %dma_wait3A_547 = arith.constant 0 : i32
    %dma_wait3A_548 = tpu.memref_slice %arg8[%dma_wait3A_545, %dma_wait3A_546, %dma_wait3A_547] : memref<12x128x16xbf16, #tpu.memory_space<vmem>> -> memref<1x128x16xbf16, #tpu.memory_space<vmem>>
    %dma_wait3A_549 = tpu.memref_squeeze %dma_wait3A_548 : memref<1x128x16xbf16, #tpu.memory_space<vmem>> -> memref<128x16xbf16, #tpu.memory_space<vmem>>
    %dma_wait3A_550 = arith.constant 0 : i32
    %dma_wait3A_551 = arith.constant 0 : i32
    %dma_wait3A_552 = tpu.memref_slice %arg2[%dma_wait3A_550, %dma_wait3A_551] : memref<100096x16xbf16, #tpu.memory_space<hbm>> -> memref<128x16xbf16, #tpu.memory_space<hbm>>
    %dma_wait3A_553 = arith.constant 0 : i32
    %dma_wait3A_554 = arith.constant 0 : i32
    %dma_wait3A_555 = tpu.memref_slice %arg8[%dma_wait3A_545, %dma_wait3A_553, %dma_wait3A_554] : memref<12x128x16xbf16, #tpu.memory_space<vmem>> -> memref<1x128x16xbf16, #tpu.memory_space<vmem>>
    %dma_wait3A_556 = tpu.memref_squeeze %dma_wait3A_555 : memref<1x128x16xbf16, #tpu.memory_space<vmem>> -> memref<128x16xbf16, #tpu.memory_space<vmem>>
    %dma_wait3A_557 = arith.constant 0 : i32
    %dma_wait3A_558 = arith.constant 0 : i32
    %dma_wait3A_559 = tpu.memref_slice %arg2[%dma_wait3A_557, %dma_wait3A_558] : memref<100096x16xbf16, #tpu.memory_space<hbm>> -> memref<128x16xbf16, #tpu.memory_space<hbm>>
    tpu.wait_dma2 semaphore(%arg11 : memref<!tpu.dma_semaphore, #tpu.memory_space<semaphore_mem>>) src(%dma_wait3A_559 : memref<128x16xbf16, #tpu.memory_space<hbm>>) dst(%dma_wait3A_556 : memref<128x16xbf16, #tpu.memory_space<vmem>>)
    %dma_wait3A_560 = arith.constant 0 : i32
    %dma_wait3A_561 = arith.constant 0 : i32
    %dma_wait3A_562 = arith.constant 0 : i32
    %dma_wait3A_563 = tpu.memref_slice %arg8[%dma_wait3A_560, %dma_wait3A_561, %dma_wait3A_562] : memref<12x128x16xbf16, #tpu.memory_space<vmem>> -> memref<1x128x16xbf16, #tpu.memory_space<vmem>>
    %dma_wait3A_564 = tpu.memref_squeeze %dma_wait3A_563 : memref<1x128x16xbf16, #tpu.memory_space<vmem>> -> memref<128x16xbf16, #tpu.memory_space<vmem>>
    %dma_wait3A_565 = arith.constant 0 : i32
    %dma_wait3A_566 = arith.constant 0 : i32
    %dma_wait3A_567 = tpu.memref_slice %arg2[%dma_wait3A_565, %dma_wait3A_566] : memref<100096x16xbf16, #tpu.memory_space<hbm>> -> memref<128x16xbf16, #tpu.memory_space<hbm>>
    %dma_wait3A_568 = arith.constant 0 : i32
    %dma_wait3A_569 = arith.constant 0 : i32
    %dma_wait3A_570 = tpu.memref_slice %arg8[%dma_wait3A_560, %dma_wait3A_568, %dma_wait3A_569] : memref<12x128x16xbf16, #tpu.memory_space<vmem>> -> memref<1x128x16xbf16, #tpu.memory_space<vmem>>
    %dma_wait3A_571 = tpu.memref_squeeze %dma_wait3A_570 : memref<1x128x16xbf16, #tpu.memory_space<vmem>> -> memref<128x16xbf16, #tpu.memory_space<vmem>>
    %dma_wait3A_572 = arith.constant 0 : i32
    %dma_wait3A_573 = arith.constant 0 : i32
    %dma_wait3A_574 = tpu.memref_slice %arg2[%dma_wait3A_572, %dma_wait3A_573] : memref<100096x16xbf16, #tpu.memory_space<hbm>> -> memref<128x16xbf16, #tpu.memory_space<hbm>>
    tpu.wait_dma2 semaphore(%arg11 : memref<!tpu.dma_semaphore, #tpu.memory_space<semaphore_mem>>) src(%dma_wait3A_574 : memref<128x16xbf16, #tpu.memory_space<hbm>>) dst(%dma_wait3A_571 : memref<128x16xbf16, #tpu.memory_space<vmem>>)
    %dma_wait3A_575 = arith.constant 0 : i32
    %dma_wait3A_576 = arith.constant 0 : i32
    %dma_wait3A_577 = arith.constant 0 : i32
    %dma_wait3A_578 = tpu.memref_slice %arg8[%dma_wait3A_575, %dma_wait3A_576, %dma_wait3A_577] : memref<12x128x16xbf16, #tpu.memory_space<vmem>> -> memref<1x128x16xbf16, #tpu.memory_space<vmem>>
    %dma_wait3A_579 = tpu.memref_squeeze %dma_wait3A_578 : memref<1x128x16xbf16, #tpu.memory_space<vmem>> -> memref<128x16xbf16, #tpu.memory_space<vmem>>
    %dma_wait3A_580 = arith.constant 0 : i32
    %dma_wait3A_581 = arith.constant 0 : i32
    %dma_wait3A_582 = tpu.memref_slice %arg2[%dma_wait3A_580, %dma_wait3A_581] : memref<100096x16xbf16, #tpu.memory_space<hbm>> -> memref<128x16xbf16, #tpu.memory_space<hbm>>
    %dma_wait3A_583 = arith.constant 0 : i32
    %dma_wait3A_584 = arith.constant 0 : i32
    %dma_wait3A_585 = tpu.memref_slice %arg8[%dma_wait3A_575, %dma_wait3A_583, %dma_wait3A_584] : memref<12x128x16xbf16, #tpu.memory_space<vmem>> -> memref<1x128x16xbf16, #tpu.memory_space<vmem>>
    %dma_wait3A_586 = tpu.memref_squeeze %dma_wait3A_585 : memref<1x128x16xbf16, #tpu.memory_space<vmem>> -> memref<128x16xbf16, #tpu.memory_space<vmem>>
    %dma_wait3A_587 = arith.constant 0 : i32
    %dma_wait3A_588 = arith.constant 0 : i32
    %dma_wait3A_589 = tpu.memref_slice %arg2[%dma_wait3A_587, %dma_wait3A_588] : memref<100096x16xbf16, #tpu.memory_space<hbm>> -> memref<128x16xbf16, #tpu.memory_space<hbm>>
    tpu.wait_dma2 semaphore(%arg11 : memref<!tpu.dma_semaphore, #tpu.memory_space<semaphore_mem>>) src(%dma_wait3A_589 : memref<128x16xbf16, #tpu.memory_space<hbm>>) dst(%dma_wait3A_586 : memref<128x16xbf16, #tpu.memory_space<vmem>>)
    %mul3A_590 = arith.constant 390 : i32
    %mul3A_591 = arith.muli %add3A, %mul3A_590 : i32
    %add3A_592 = arith.constant 294 : i32
    %add3A_593 = arith.addi %mul3A_591, %add3A_592 : i32
    "tpu.region"() ({
      %run_scoped3A = tpu.sem_alloc : memref<!tpu.dma_semaphore, #tpu.memory_space<semaphore_mem>>
      %dma_start3A_680 = arith.constant 0 : i32
      %dma_start3A_681 = arith.constant 0 : i32
      %dma_start3A_682 = tpu.memref_slice %arg6[%dma_start3A_680, %dma_start3A_681] : memref<98x128xi32, #tpu.memory_space<vmem>> -> memref<96x128xi32, #tpu.memory_space<vmem>>
      %dma_start3A_683 = arith.constant 0 : i32
      %dma_start3A_684 = tpu.memref_slice %arg3[%add3A_593, %dma_start3A_683] : memref<25000x128xi32, #tpu.memory_space<hbm>> -> memref<96x128xi32, #tpu.memory_space<hbm>>
      %dma_start3A_685 = arith.constant 0 : i32
      %dma_start3A_686 = arith.constant 0 : i32
      %dma_start3A_687 = tpu.memref_slice %arg6[%dma_start3A_685, %dma_start3A_686] : memref<98x128xi32, #tpu.memory_space<vmem>> -> memref<96x128xi32, #tpu.memory_space<vmem>>
      %dma_start3A_688 = arith.constant 0 : i32
      %dma_start3A_689 = tpu.memref_slice %arg3[%add3A_593, %dma_start3A_688] : memref<25000x128xi32, #tpu.memory_space<hbm>> -> memref<96x128xi32, #tpu.memory_space<hbm>>
      tpu.enqueue_dma source(%dma_start3A_689 : memref<96x128xi32, #tpu.memory_space<hbm>>) target(%dma_start3A_687 : memref<96x128xi32, #tpu.memory_space<vmem>>) target_semaphore(%run_scoped3A : memref<!tpu.dma_semaphore, #tpu.memory_space<semaphore_mem>>)
      %dma_wait3A_690 = arith.constant 0 : i32
      %dma_wait3A_691 = arith.constant 0 : i32
      %dma_wait3A_692 = tpu.memref_slice %arg6[%dma_wait3A_690, %dma_wait3A_691] : memref<98x128xi32, #tpu.memory_space<vmem>> -> memref<96x128xi32, #tpu.memory_space<vmem>>
      %dma_wait3A_693 = arith.constant 0 : i32
      %dma_wait3A_694 = tpu.memref_slice %arg3[%add3A_593, %dma_wait3A_693] : memref<25000x128xi32, #tpu.memory_space<hbm>> -> memref<96x128xi32, #tpu.memory_space<hbm>>
      %dma_wait3A_695 = arith.constant 0 : i32
      %dma_wait3A_696 = arith.constant 0 : i32
      %dma_wait3A_697 = tpu.memref_slice %arg6[%dma_wait3A_695, %dma_wait3A_696] : memref<98x128xi32, #tpu.memory_space<vmem>> -> memref<96x128xi32, #tpu.memory_space<vmem>>
      %dma_wait3A_698 = arith.constant 0 : i32
      %dma_wait3A_699 = tpu.memref_slice %arg3[%add3A_593, %dma_wait3A_698] : memref<25000x128xi32, #tpu.memory_space<hbm>> -> memref<96x128xi32, #tpu.memory_space<hbm>>
      tpu.wait_dma2 semaphore(%run_scoped3A : memref<!tpu.dma_semaphore, #tpu.memory_space<semaphore_mem>>) src(%dma_wait3A_699 : memref<96x128xi32, #tpu.memory_space<hbm>>) dst(%dma_wait3A_697 : memref<96x128xi32, #tpu.memory_space<vmem>>)
      tpu.yield
    }) : () -> ()
    %mul3A_594 = arith.constant 390 : i32
    %mul3A_595 = arith.muli %add3A, %mul3A_594 : i32
    %add3A_596 = arith.constant 12500 : i32
    %add3A_597 = arith.addi %add3A_596, %mul3A_595 : i32
    %add3A_598 = arith.constant 294 : i32
    %add3A_599 = arith.addi %add3A_597, %add3A_598 : i32
    "tpu.region"() ({
      %run_scoped3A = tpu.sem_alloc : memref<!tpu.dma_semaphore, #tpu.memory_space<semaphore_mem>>
      %dma_start3A_680 = arith.constant 0 : i32
      %dma_start3A_681 = arith.constant 0 : i32
      %dma_start3A_682 = tpu.memref_slice %arg7[%dma_start3A_680, %dma_start3A_681] : memref<98x128xi32, #tpu.memory_space<vmem>> -> memref<96x128xi32, #tpu.memory_space<vmem>>
      %dma_start3A_683 = arith.constant 0 : i32
      %dma_start3A_684 = tpu.memref_slice %arg3[%add3A_599, %dma_start3A_683] : memref<25000x128xi32, #tpu.memory_space<hbm>> -> memref<96x128xi32, #tpu.memory_space<hbm>>
      %dma_start3A_685 = arith.constant 0 : i32
      %dma_start3A_686 = arith.constant 0 : i32
      %dma_start3A_687 = tpu.memref_slice %arg7[%dma_start3A_685, %dma_start3A_686] : memref<98x128xi32, #tpu.memory_space<vmem>> -> memref<96x128xi32, #tpu.memory_space<vmem>>
      %dma_start3A_688 = arith.constant 0 : i32
      %dma_start3A_689 = tpu.memref_slice %arg3[%add3A_599, %dma_start3A_688] : memref<25000x128xi32, #tpu.memory_space<hbm>> -> memref<96x128xi32, #tpu.memory_space<hbm>>
      tpu.enqueue_dma source(%dma_start3A_689 : memref<96x128xi32, #tpu.memory_space<hbm>>) target(%dma_start3A_687 : memref<96x128xi32, #tpu.memory_space<vmem>>) target_semaphore(%run_scoped3A : memref<!tpu.dma_semaphore, #tpu.memory_space<semaphore_mem>>)
      %dma_wait3A_690 = arith.constant 0 : i32
      %dma_wait3A_691 = arith.constant 0 : i32
      %dma_wait3A_692 = tpu.memref_slice %arg7[%dma_wait3A_690, %dma_wait3A_691] : memref<98x128xi32, #tpu.memory_space<vmem>> -> memref<96x128xi32, #tpu.memory_space<vmem>>
      %dma_wait3A_693 = arith.constant 0 : i32
      %dma_wait3A_694 = tpu.memref_slice %arg3[%add3A_599, %dma_wait3A_693] : memref<25000x128xi32, #tpu.memory_space<hbm>> -> memref<96x128xi32, #tpu.memory_space<hbm>>
      %dma_wait3A_695 = arith.constant 0 : i32
      %dma_wait3A_696 = arith.constant 0 : i32
      %dma_wait3A_697 = tpu.memref_slice %arg7[%dma_wait3A_695, %dma_wait3A_696] : memref<98x128xi32, #tpu.memory_space<vmem>> -> memref<96x128xi32, #tpu.memory_space<vmem>>
      %dma_wait3A_698 = arith.constant 0 : i32
      %dma_wait3A_699 = tpu.memref_slice %arg3[%add3A_599, %dma_wait3A_698] : memref<25000x128xi32, #tpu.memory_space<hbm>> -> memref<96x128xi32, #tpu.memory_space<hbm>>
      tpu.wait_dma2 semaphore(%run_scoped3A : memref<!tpu.dma_semaphore, #tpu.memory_space<semaphore_mem>>) src(%dma_wait3A_699 : memref<96x128xi32, #tpu.memory_space<hbm>>) dst(%dma_wait3A_697 : memref<96x128xi32, #tpu.memory_space<vmem>>)
      tpu.yield
    }) : () -> ()
    %lt3A = arith.constant 20 : i32
    %lt3A_600 = arith.cmpi slt, %add3A, %lt3A : i32
    %convert_element_type3A = arith.extui %lt3A_600 : i1 to i32
    %cond3A = arith.constant 0 : i32
    %cond3A_601 = arith.cmpi ne, %convert_element_type3A, %cond3A : i32
    scf.if %cond3A_601 {
      %add3A_680 = arith.constant 12480 : i32
      %add3A_681 = arith.addi %add3A_680, %add3A : i32
      "tpu.region"() ({
        %run_scoped3A = tpu.sem_alloc : memref<!tpu.dma_semaphore, #tpu.memory_space<semaphore_mem>>
        %dma_start3A_684 = arith.constant 96 : i32
        %dma_start3A_685 = arith.constant 0 : i32
        %dma_start3A_686 = tpu.memref_slice %arg6[%dma_start3A_684, %dma_start3A_685] : memref<98x128xi32, #tpu.memory_space<vmem>> -> memref<1x128xi32, #tpu.memory_space<vmem>>
        %dma_start3A_687 = arith.constant 0 : i32
        %dma_start3A_688 = tpu.memref_slice %arg3[%add3A_681, %dma_start3A_687] : memref<25000x128xi32, #tpu.memory_space<hbm>> -> memref<1x128xi32, #tpu.memory_space<hbm>>
        %dma_start3A_689 = arith.constant 96 : i32
        %dma_start3A_690 = arith.constant 0 : i32
        %dma_start3A_691 = tpu.memref_slice %arg6[%dma_start3A_689, %dma_start3A_690] : memref<98x128xi32, #tpu.memory_space<vmem>> -> memref<1x128xi32, #tpu.memory_space<vmem>>
        %dma_start3A_692 = arith.constant 0 : i32
        %dma_start3A_693 = tpu.memref_slice %arg3[%add3A_681, %dma_start3A_692] : memref<25000x128xi32, #tpu.memory_space<hbm>> -> memref<1x128xi32, #tpu.memory_space<hbm>>
        tpu.enqueue_dma source(%dma_start3A_693 : memref<1x128xi32, #tpu.memory_space<hbm>>) target(%dma_start3A_691 : memref<1x128xi32, #tpu.memory_space<vmem>>) target_semaphore(%run_scoped3A : memref<!tpu.dma_semaphore, #tpu.memory_space<semaphore_mem>>)
        %dma_wait3A_694 = arith.constant 96 : i32
        %dma_wait3A_695 = arith.constant 0 : i32
        %dma_wait3A_696 = tpu.memref_slice %arg6[%dma_wait3A_694, %dma_wait3A_695] : memref<98x128xi32, #tpu.memory_space<vmem>> -> memref<1x128xi32, #tpu.memory_space<vmem>>
        %dma_wait3A_697 = arith.constant 0 : i32
        %dma_wait3A_698 = tpu.memref_slice %arg3[%add3A_681, %dma_wait3A_697] : memref<25000x128xi32, #tpu.memory_space<hbm>> -> memref<1x128xi32, #tpu.memory_space<hbm>>
        %dma_wait3A_699 = arith.constant 96 : i32
        %dma_wait3A_700 = arith.constant 0 : i32
        %dma_wait3A_701 = tpu.memref_slice %arg6[%dma_wait3A_699, %dma_wait3A_700] : memref<98x128xi32, #tpu.memory_space<vmem>> -> memref<1x128xi32, #tpu.memory_space<vmem>>
        %dma_wait3A_702 = arith.constant 0 : i32
        %dma_wait3A_703 = tpu.memref_slice %arg3[%add3A_681, %dma_wait3A_702] : memref<25000x128xi32, #tpu.memory_space<hbm>> -> memref<1x128xi32, #tpu.memory_space<hbm>>
        tpu.wait_dma2 semaphore(%run_scoped3A : memref<!tpu.dma_semaphore, #tpu.memory_space<semaphore_mem>>) src(%dma_wait3A_703 : memref<1x128xi32, #tpu.memory_space<hbm>>) dst(%dma_wait3A_701 : memref<1x128xi32, #tpu.memory_space<vmem>>)
        tpu.yield
      }) : () -> ()
      %add3A_682 = arith.constant 24980 : i32
      %add3A_683 = arith.addi %add3A_682, %add3A : i32
      "tpu.region"() ({
        %run_scoped3A = tpu.sem_alloc : memref<!tpu.dma_semaphore, #tpu.memory_space<semaphore_mem>>
        %dma_start3A_684 = arith.constant 96 : i32
        %dma_start3A_685 = arith.constant 0 : i32
        %dma_start3A_686 = tpu.memref_slice %arg7[%dma_start3A_684, %dma_start3A_685] : memref<98x128xi32, #tpu.memory_space<vmem>> -> memref<1x128xi32, #tpu.memory_space<vmem>>
        %dma_start3A_687 = arith.constant 0 : i32
        %dma_start3A_688 = tpu.memref_slice %arg3[%add3A_683, %dma_start3A_687] : memref<25000x128xi32, #tpu.memory_space<hbm>> -> memref<1x128xi32, #tpu.memory_space<hbm>>
        %dma_start3A_689 = arith.constant 96 : i32
        %dma_start3A_690 = arith.constant 0 : i32
        %dma_start3A_691 = tpu.memref_slice %arg7[%dma_start3A_689, %dma_start3A_690] : memref<98x128xi32, #tpu.memory_space<vmem>> -> memref<1x128xi32, #tpu.memory_space<vmem>>
        %dma_start3A_692 = arith.constant 0 : i32
        %dma_start3A_693 = tpu.memref_slice %arg3[%add3A_683, %dma_start3A_692] : memref<25000x128xi32, #tpu.memory_space<hbm>> -> memref<1x128xi32, #tpu.memory_space<hbm>>
        tpu.enqueue_dma source(%dma_start3A_693 : memref<1x128xi32, #tpu.memory_space<hbm>>) target(%dma_start3A_691 : memref<1x128xi32, #tpu.memory_space<vmem>>) target_semaphore(%run_scoped3A : memref<!tpu.dma_semaphore, #tpu.memory_space<semaphore_mem>>)
        %dma_wait3A_694 = arith.constant 96 : i32
        %dma_wait3A_695 = arith.constant 0 : i32
        %dma_wait3A_696 = tpu.memref_slice %arg7[%dma_wait3A_694, %dma_wait3A_695] : memref<98x128xi32, #tpu.memory_space<vmem>> -> memref<1x128xi32, #tpu.memory_space<vmem>>
        %dma_wait3A_697 = arith.constant 0 : i32
        %dma_wait3A_698 = tpu.memref_slice %arg3[%add3A_683, %dma_wait3A_697] : memref<25000x128xi32, #tpu.memory_space<hbm>> -> memref<1x128xi32, #tpu.memory_space<hbm>>
        %dma_wait3A_699 = arith.constant 96 : i32
        %dma_wait3A_700 = arith.constant 0 : i32
        %dma_wait3A_701 = tpu.memref_slice %arg7[%dma_wait3A_699, %dma_wait3A_700] : memref<98x128xi32, #tpu.memory_space<vmem>> -> memref<1x128xi32, #tpu.memory_space<vmem>>
        %dma_wait3A_702 = arith.constant 0 : i32
        %dma_wait3A_703 = tpu.memref_slice %arg3[%add3A_683, %dma_wait3A_702] : memref<25000x128xi32, #tpu.memory_space<hbm>> -> memref<1x128xi32, #tpu.memory_space<hbm>>
        tpu.wait_dma2 semaphore(%run_scoped3A : memref<!tpu.dma_semaphore, #tpu.memory_space<semaphore_mem>>) src(%dma_wait3A_703 : memref<1x128xi32, #tpu.memory_space<hbm>>) dst(%dma_wait3A_701 : memref<1x128xi32, #tpu.memory_space<vmem>>)
        tpu.yield
      }) : () -> ()
    } else {
    }
    %lt3A_602 = arith.constant 20 : i32
    %lt3A_603 = arith.cmpi slt, %add3A, %lt3A_602 : i32
    %jit3A = arith.constant 1 : i32
    %jit3A_604 = arith.constant 0 : i32
    %select_n3A = arith.select %lt3A_603, %jit3A, %jit3A_604 : i32
    %add3A_605 = arith.constant 96 : i32
    %add3A_606 = arith.addi %add3A_605, %select_n3A : i32
    %gt3A = arith.constant 0 : i32
    %gt3A_607 = arith.cmpi sgt, %add3A_606, %gt3A : i32
    %convert_element_type3A_608 = arith.extui %gt3A_607 : i1 to i32
    %cond3A_609 = arith.constant 0 : i32
    %cond3A_610 = arith.cmpi ne, %convert_element_type3A_608, %cond3A_609 : i32
    scf.if %cond3A_610 {
      %dma_start3A_680 = arith.constant 0 : i32
      %dma_start3A_681 = arith.constant 0 : i32
      %dma_start3A_682 = arith.constant 0 : i32
      %dma_start3A_683 = arith.constant 0 : i32
      %dma_start3A_684 = arith.constant 0 : i32
      %dma_start3A_685 = tpu.memref_slice %arg8[%dma_start3A_681, %dma_start3A_683, %dma_start3A_684] : memref<12x128x16xbf16, #tpu.memory_space<vmem>> -> memref<1x128x16xbf16, #tpu.memory_space<vmem>>
      %dma_start3A_686 = tpu.memref_squeeze %dma_start3A_685 : memref<1x128x16xbf16, #tpu.memory_space<vmem>> -> memref<128x16xbf16, #tpu.memory_space<vmem>>
      %dma_start3A_687 = arith.constant 0 : i32
      %dma_start3A_688 = tpu.memref_slice %arg6[%dma_start3A_680, %dma_start3A_687] : memref<98x128xi32, #tpu.memory_space<vmem>> -> memref<1x128xi32, #tpu.memory_space<vmem>>
      %dma_start3A_689 = tpu.memref_squeeze %dma_start3A_688 : memref<1x128xi32, #tpu.memory_space<vmem>> -> memref<128xi32, #tpu.memory_space<vmem>>
      %dma_start3A_690 = arith.constant 0 : i32
      %dma_start3A_691 = arith.constant 0 : i32
      %dma_start3A_692 = tpu.memref_slice %arg2[%dma_start3A_690, %dma_start3A_691] : memref<100096x16xbf16, #tpu.memory_space<hbm>> -> memref<100096x16xbf16, #tpu.memory_space<hbm>>
      %dma_start3A_693 = tpu.memref_slice %arg10[%dma_start3A_682] : memref<12x!tpu.dma_semaphore, #tpu.memory_space<semaphore_mem>> -> memref<1x!tpu.dma_semaphore, #tpu.memory_space<semaphore_mem>>
      %dma_start3A_694 = tpu.memref_squeeze %dma_start3A_693 : memref<1x!tpu.dma_semaphore, #tpu.memory_space<semaphore_mem>> -> memref<!tpu.dma_semaphore, #tpu.memory_space<semaphore_mem>>
      tpu.enqueue_indirect_dma source(%dma_start3A_692 : memref<100096x16xbf16, #tpu.memory_space<hbm>>) target(%dma_start3A_686 : memref<128x16xbf16, #tpu.memory_space<vmem>>) offsets(%dma_start3A_689 : memref<128xi32, #tpu.memory_space<vmem>>) semaphore(%dma_start3A_694 : memref<!tpu.dma_semaphore, #tpu.memory_space<semaphore_mem>>)
    } else {
    }
    %gt3A_611 = arith.constant 1 : i32
    %gt3A_612 = arith.cmpi sgt, %add3A_606, %gt3A_611 : i32
    %convert_element_type3A_613 = arith.extui %gt3A_612 : i1 to i32
    %cond3A_614 = arith.constant 0 : i32
    %cond3A_615 = arith.cmpi ne, %convert_element_type3A_613, %cond3A_614 : i32
    scf.if %cond3A_615 {
      %dma_start3A_680 = arith.constant 1 : i32
      %dma_start3A_681 = arith.constant 1 : i32
      %dma_start3A_682 = arith.constant 1 : i32
      %dma_start3A_683 = arith.constant 0 : i32
      %dma_start3A_684 = arith.constant 0 : i32
      %dma_start3A_685 = tpu.memref_slice %arg8[%dma_start3A_681, %dma_start3A_683, %dma_start3A_684] : memref<12x128x16xbf16, #tpu.memory_space<vmem>> -> memref<1x128x16xbf16, #tpu.memory_space<vmem>>
      %dma_start3A_686 = tpu.memref_squeeze %dma_start3A_685 : memref<1x128x16xbf16, #tpu.memory_space<vmem>> -> memref<128x16xbf16, #tpu.memory_space<vmem>>
      %dma_start3A_687 = arith.constant 0 : i32
      %dma_start3A_688 = tpu.memref_slice %arg6[%dma_start3A_680, %dma_start3A_687] : memref<98x128xi32, #tpu.memory_space<vmem>> -> memref<1x128xi32, #tpu.memory_space<vmem>>
      %dma_start3A_689 = tpu.memref_squeeze %dma_start3A_688 : memref<1x128xi32, #tpu.memory_space<vmem>> -> memref<128xi32, #tpu.memory_space<vmem>>
      %dma_start3A_690 = arith.constant 0 : i32
      %dma_start3A_691 = arith.constant 0 : i32
      %dma_start3A_692 = tpu.memref_slice %arg2[%dma_start3A_690, %dma_start3A_691] : memref<100096x16xbf16, #tpu.memory_space<hbm>> -> memref<100096x16xbf16, #tpu.memory_space<hbm>>
      %dma_start3A_693 = tpu.memref_slice %arg10[%dma_start3A_682] : memref<12x!tpu.dma_semaphore, #tpu.memory_space<semaphore_mem>> -> memref<1x!tpu.dma_semaphore, #tpu.memory_space<semaphore_mem>>
      %dma_start3A_694 = tpu.memref_squeeze %dma_start3A_693 : memref<1x!tpu.dma_semaphore, #tpu.memory_space<semaphore_mem>> -> memref<!tpu.dma_semaphore, #tpu.memory_space<semaphore_mem>>
      tpu.enqueue_indirect_dma source(%dma_start3A_692 : memref<100096x16xbf16, #tpu.memory_space<hbm>>) target(%dma_start3A_686 : memref<128x16xbf16, #tpu.memory_space<vmem>>) offsets(%dma_start3A_689 : memref<128xi32, #tpu.memory_space<vmem>>) semaphore(%dma_start3A_694 : memref<!tpu.dma_semaphore, #tpu.memory_space<semaphore_mem>>)
    } else {
    }
    %gt3A_616 = arith.constant 2 : i32
    %gt3A_617 = arith.cmpi sgt, %add3A_606, %gt3A_616 : i32
    %convert_element_type3A_618 = arith.extui %gt3A_617 : i1 to i32
    %cond3A_619 = arith.constant 0 : i32
    %cond3A_620 = arith.cmpi ne, %convert_element_type3A_618, %cond3A_619 : i32
    scf.if %cond3A_620 {
      %dma_start3A_680 = arith.constant 2 : i32
      %dma_start3A_681 = arith.constant 2 : i32
      %dma_start3A_682 = arith.constant 2 : i32
      %dma_start3A_683 = arith.constant 0 : i32
      %dma_start3A_684 = arith.constant 0 : i32
      %dma_start3A_685 = tpu.memref_slice %arg8[%dma_start3A_681, %dma_start3A_683, %dma_start3A_684] : memref<12x128x16xbf16, #tpu.memory_space<vmem>> -> memref<1x128x16xbf16, #tpu.memory_space<vmem>>
      %dma_start3A_686 = tpu.memref_squeeze %dma_start3A_685 : memref<1x128x16xbf16, #tpu.memory_space<vmem>> -> memref<128x16xbf16, #tpu.memory_space<vmem>>
      %dma_start3A_687 = arith.constant 0 : i32
      %dma_start3A_688 = tpu.memref_slice %arg6[%dma_start3A_680, %dma_start3A_687] : memref<98x128xi32, #tpu.memory_space<vmem>> -> memref<1x128xi32, #tpu.memory_space<vmem>>
      %dma_start3A_689 = tpu.memref_squeeze %dma_start3A_688 : memref<1x128xi32, #tpu.memory_space<vmem>> -> memref<128xi32, #tpu.memory_space<vmem>>
      %dma_start3A_690 = arith.constant 0 : i32
      %dma_start3A_691 = arith.constant 0 : i32
      %dma_start3A_692 = tpu.memref_slice %arg2[%dma_start3A_690, %dma_start3A_691] : memref<100096x16xbf16, #tpu.memory_space<hbm>> -> memref<100096x16xbf16, #tpu.memory_space<hbm>>
      %dma_start3A_693 = tpu.memref_slice %arg10[%dma_start3A_682] : memref<12x!tpu.dma_semaphore, #tpu.memory_space<semaphore_mem>> -> memref<1x!tpu.dma_semaphore, #tpu.memory_space<semaphore_mem>>
      %dma_start3A_694 = tpu.memref_squeeze %dma_start3A_693 : memref<1x!tpu.dma_semaphore, #tpu.memory_space<semaphore_mem>> -> memref<!tpu.dma_semaphore, #tpu.memory_space<semaphore_mem>>
      tpu.enqueue_indirect_dma source(%dma_start3A_692 : memref<100096x16xbf16, #tpu.memory_space<hbm>>) target(%dma_start3A_686 : memref<128x16xbf16, #tpu.memory_space<vmem>>) offsets(%dma_start3A_689 : memref<128xi32, #tpu.memory_space<vmem>>) semaphore(%dma_start3A_694 : memref<!tpu.dma_semaphore, #tpu.memory_space<semaphore_mem>>)
    } else {
    }
    %gt3A_621 = arith.constant 3 : i32
    %gt3A_622 = arith.cmpi sgt, %add3A_606, %gt3A_621 : i32
    %convert_element_type3A_623 = arith.extui %gt3A_622 : i1 to i32
    %cond3A_624 = arith.constant 0 : i32
    %cond3A_625 = arith.cmpi ne, %convert_element_type3A_623, %cond3A_624 : i32
    scf.if %cond3A_625 {
      %dma_start3A_680 = arith.constant 3 : i32
      %dma_start3A_681 = arith.constant 3 : i32
      %dma_start3A_682 = arith.constant 3 : i32
      %dma_start3A_683 = arith.constant 0 : i32
      %dma_start3A_684 = arith.constant 0 : i32
      %dma_start3A_685 = tpu.memref_slice %arg8[%dma_start3A_681, %dma_start3A_683, %dma_start3A_684] : memref<12x128x16xbf16, #tpu.memory_space<vmem>> -> memref<1x128x16xbf16, #tpu.memory_space<vmem>>
      %dma_start3A_686 = tpu.memref_squeeze %dma_start3A_685 : memref<1x128x16xbf16, #tpu.memory_space<vmem>> -> memref<128x16xbf16, #tpu.memory_space<vmem>>
      %dma_start3A_687 = arith.constant 0 : i32
      %dma_start3A_688 = tpu.memref_slice %arg6[%dma_start3A_680, %dma_start3A_687] : memref<98x128xi32, #tpu.memory_space<vmem>> -> memref<1x128xi32, #tpu.memory_space<vmem>>
      %dma_start3A_689 = tpu.memref_squeeze %dma_start3A_688 : memref<1x128xi32, #tpu.memory_space<vmem>> -> memref<128xi32, #tpu.memory_space<vmem>>
      %dma_start3A_690 = arith.constant 0 : i32
      %dma_start3A_691 = arith.constant 0 : i32
      %dma_start3A_692 = tpu.memref_slice %arg2[%dma_start3A_690, %dma_start3A_691] : memref<100096x16xbf16, #tpu.memory_space<hbm>> -> memref<100096x16xbf16, #tpu.memory_space<hbm>>
      %dma_start3A_693 = tpu.memref_slice %arg10[%dma_start3A_682] : memref<12x!tpu.dma_semaphore, #tpu.memory_space<semaphore_mem>> -> memref<1x!tpu.dma_semaphore, #tpu.memory_space<semaphore_mem>>
      %dma_start3A_694 = tpu.memref_squeeze %dma_start3A_693 : memref<1x!tpu.dma_semaphore, #tpu.memory_space<semaphore_mem>> -> memref<!tpu.dma_semaphore, #tpu.memory_space<semaphore_mem>>
      tpu.enqueue_indirect_dma source(%dma_start3A_692 : memref<100096x16xbf16, #tpu.memory_space<hbm>>) target(%dma_start3A_686 : memref<128x16xbf16, #tpu.memory_space<vmem>>) offsets(%dma_start3A_689 : memref<128xi32, #tpu.memory_space<vmem>>) semaphore(%dma_start3A_694 : memref<!tpu.dma_semaphore, #tpu.memory_space<semaphore_mem>>)
    } else {
    }
    %gt3A_626 = arith.constant 4 : i32
    %gt3A_627 = arith.cmpi sgt, %add3A_606, %gt3A_626 : i32
    %convert_element_type3A_628 = arith.extui %gt3A_627 : i1 to i32
    %cond3A_629 = arith.constant 0 : i32
    %cond3A_630 = arith.cmpi ne, %convert_element_type3A_628, %cond3A_629 : i32
    scf.if %cond3A_630 {
      %dma_start3A_680 = arith.constant 4 : i32
      %dma_start3A_681 = arith.constant 4 : i32
      %dma_start3A_682 = arith.constant 4 : i32
      %dma_start3A_683 = arith.constant 0 : i32
      %dma_start3A_684 = arith.constant 0 : i32
      %dma_start3A_685 = tpu.memref_slice %arg8[%dma_start3A_681, %dma_start3A_683, %dma_start3A_684] : memref<12x128x16xbf16, #tpu.memory_space<vmem>> -> memref<1x128x16xbf16, #tpu.memory_space<vmem>>
      %dma_start3A_686 = tpu.memref_squeeze %dma_start3A_685 : memref<1x128x16xbf16, #tpu.memory_space<vmem>> -> memref<128x16xbf16, #tpu.memory_space<vmem>>
      %dma_start3A_687 = arith.constant 0 : i32
      %dma_start3A_688 = tpu.memref_slice %arg6[%dma_start3A_680, %dma_start3A_687] : memref<98x128xi32, #tpu.memory_space<vmem>> -> memref<1x128xi32, #tpu.memory_space<vmem>>
      %dma_start3A_689 = tpu.memref_squeeze %dma_start3A_688 : memref<1x128xi32, #tpu.memory_space<vmem>> -> memref<128xi32, #tpu.memory_space<vmem>>
      %dma_start3A_690 = arith.constant 0 : i32
      %dma_start3A_691 = arith.constant 0 : i32
      %dma_start3A_692 = tpu.memref_slice %arg2[%dma_start3A_690, %dma_start3A_691] : memref<100096x16xbf16, #tpu.memory_space<hbm>> -> memref<100096x16xbf16, #tpu.memory_space<hbm>>
      %dma_start3A_693 = tpu.memref_slice %arg10[%dma_start3A_682] : memref<12x!tpu.dma_semaphore, #tpu.memory_space<semaphore_mem>> -> memref<1x!tpu.dma_semaphore, #tpu.memory_space<semaphore_mem>>
      %dma_start3A_694 = tpu.memref_squeeze %dma_start3A_693 : memref<1x!tpu.dma_semaphore, #tpu.memory_space<semaphore_mem>> -> memref<!tpu.dma_semaphore, #tpu.memory_space<semaphore_mem>>
      tpu.enqueue_indirect_dma source(%dma_start3A_692 : memref<100096x16xbf16, #tpu.memory_space<hbm>>) target(%dma_start3A_686 : memref<128x16xbf16, #tpu.memory_space<vmem>>) offsets(%dma_start3A_689 : memref<128xi32, #tpu.memory_space<vmem>>) semaphore(%dma_start3A_694 : memref<!tpu.dma_semaphore, #tpu.memory_space<semaphore_mem>>)
    } else {
    }
    %gt3A_631 = arith.constant 5 : i32
    %gt3A_632 = arith.cmpi sgt, %add3A_606, %gt3A_631 : i32
    %convert_element_type3A_633 = arith.extui %gt3A_632 : i1 to i32
    %cond3A_634 = arith.constant 0 : i32
    %cond3A_635 = arith.cmpi ne, %convert_element_type3A_633, %cond3A_634 : i32
    scf.if %cond3A_635 {
      %dma_start3A_680 = arith.constant 5 : i32
      %dma_start3A_681 = arith.constant 5 : i32
      %dma_start3A_682 = arith.constant 5 : i32
      %dma_start3A_683 = arith.constant 0 : i32
      %dma_start3A_684 = arith.constant 0 : i32
      %dma_start3A_685 = tpu.memref_slice %arg8[%dma_start3A_681, %dma_start3A_683, %dma_start3A_684] : memref<12x128x16xbf16, #tpu.memory_space<vmem>> -> memref<1x128x16xbf16, #tpu.memory_space<vmem>>
      %dma_start3A_686 = tpu.memref_squeeze %dma_start3A_685 : memref<1x128x16xbf16, #tpu.memory_space<vmem>> -> memref<128x16xbf16, #tpu.memory_space<vmem>>
      %dma_start3A_687 = arith.constant 0 : i32
      %dma_start3A_688 = tpu.memref_slice %arg6[%dma_start3A_680, %dma_start3A_687] : memref<98x128xi32, #tpu.memory_space<vmem>> -> memref<1x128xi32, #tpu.memory_space<vmem>>
      %dma_start3A_689 = tpu.memref_squeeze %dma_start3A_688 : memref<1x128xi32, #tpu.memory_space<vmem>> -> memref<128xi32, #tpu.memory_space<vmem>>
      %dma_start3A_690 = arith.constant 0 : i32
      %dma_start3A_691 = arith.constant 0 : i32
      %dma_start3A_692 = tpu.memref_slice %arg2[%dma_start3A_690, %dma_start3A_691] : memref<100096x16xbf16, #tpu.memory_space<hbm>> -> memref<100096x16xbf16, #tpu.memory_space<hbm>>
      %dma_start3A_693 = tpu.memref_slice %arg10[%dma_start3A_682] : memref<12x!tpu.dma_semaphore, #tpu.memory_space<semaphore_mem>> -> memref<1x!tpu.dma_semaphore, #tpu.memory_space<semaphore_mem>>
      %dma_start3A_694 = tpu.memref_squeeze %dma_start3A_693 : memref<1x!tpu.dma_semaphore, #tpu.memory_space<semaphore_mem>> -> memref<!tpu.dma_semaphore, #tpu.memory_space<semaphore_mem>>
      tpu.enqueue_indirect_dma source(%dma_start3A_692 : memref<100096x16xbf16, #tpu.memory_space<hbm>>) target(%dma_start3A_686 : memref<128x16xbf16, #tpu.memory_space<vmem>>) offsets(%dma_start3A_689 : memref<128xi32, #tpu.memory_space<vmem>>) semaphore(%dma_start3A_694 : memref<!tpu.dma_semaphore, #tpu.memory_space<semaphore_mem>>)
    } else {
    }
    %while3A = arith.constant 0 : i32
    %while3A_636 = arith.constant 0 : i32
    %while3A_637 = arith.subi %add3A_606, %while3A_636 : i32
    %while3A_638 = arith.addi %while3A_636, %while3A_637 : i32
    %while3A_639 = arith.constant 1 : i32
    %while3A_640 = arith.divsi %while3A_637, %while3A_639 : i32
    %while3A_641 = arith.muli %while3A_640, %while3A_639 : i32
    %while3A_642 = arith.addi %while3A_636, %while3A_641 : i32
    %while3A_643 = arith.constant 1 : i32
    scf.for %while3A_680 = %while3A_636 to %while3A_642 step %while3A_643  : i32 {
      %jit3A_681 = arith.constant 12 : i32
      %eq3A = arith.constant 0 : i32
      %eq3A_682 = arith.cmpi eq, %jit3A_681, %eq3A : i32
      %jit3A_683 = arith.constant 1 : i32
      %select_n3A_684 = arith.select %eq3A_682, %jit3A_683, %jit3A_681 : i32
      %rem3A = arith.remsi %while3A_680, %select_n3A_684 : i32
      %ne3A = arith.constant 0 : i32
      %ne3A_685 = arith.cmpi ne, %rem3A, %ne3A : i32
      %lt3A_686 = arith.constant 0 : i32
      %lt3A_687 = arith.cmpi slt, %rem3A, %lt3A_686 : i32
      %lt3A_688 = arith.constant 0 : i32
      %lt3A_689 = arith.cmpi slt, %select_n3A_684, %lt3A_688 : i32
      %ne3A_690 = arith.xori %lt3A_687, %lt3A_689 : i1
      %and3A = arith.andi %ne3A_690, %ne3A_685 : i1
      %add3A_691 = arith.addi %rem3A, %select_n3A_684 : i32
      %select_n3A_692 = arith.select %and3A, %add3A_691, %rem3A : i32
      %jit3A_693 = arith.constant 12 : i32
      %eq3A_694 = arith.constant 0 : i32
      %eq3A_695 = arith.cmpi eq, %jit3A_693, %eq3A_694 : i32
      %jit3A_696 = arith.constant 1 : i32
      %select_n3A_697 = arith.select %eq3A_695, %jit3A_696, %jit3A_693 : i32
      %rem3A_698 = arith.remsi %while3A_680, %select_n3A_697 : i32
      %ne3A_699 = arith.constant 0 : i32
      %ne3A_700 = arith.cmpi ne, %rem3A_698, %ne3A_699 : i32
      %lt3A_701 = arith.constant 0 : i32
      %lt3A_702 = arith.cmpi slt, %rem3A_698, %lt3A_701 : i32
      %lt3A_703 = arith.constant 0 : i32
      %lt3A_704 = arith.cmpi slt, %select_n3A_697, %lt3A_703 : i32
      %ne3A_705 = arith.xori %lt3A_702, %lt3A_704 : i1
      %and3A_706 = arith.andi %ne3A_705, %ne3A_700 : i1
      %add3A_707 = arith.addi %rem3A_698, %select_n3A_697 : i32
      %select_n3A_708 = arith.select %and3A_706, %add3A_707, %rem3A_698 : i32
      %dma_wait3A_709 = arith.constant 0 : i32
      %dma_wait3A_710 = arith.constant 0 : i32
      %dma_wait3A_711 = tpu.memref_slice %arg8[%select_n3A_692, %dma_wait3A_709, %dma_wait3A_710] : memref<12x128x16xbf16, #tpu.memory_space<vmem>> -> memref<1x128x16xbf16, #tpu.memory_space<vmem>>
      %dma_wait3A_712 = tpu.memref_squeeze %dma_wait3A_711 : memref<1x128x16xbf16, #tpu.memory_space<vmem>> -> memref<128x16xbf16, #tpu.memory_space<vmem>>
      %dma_wait3A_713 = arith.constant 0 : i32
      %dma_wait3A_714 = tpu.memref_slice %arg6[%while3A_680, %dma_wait3A_713] : memref<98x128xi32, #tpu.memory_space<vmem>> -> memref<1x128xi32, #tpu.memory_space<vmem>>
      %dma_wait3A_715 = tpu.memref_squeeze %dma_wait3A_714 : memref<1x128xi32, #tpu.memory_space<vmem>> -> memref<128xi32, #tpu.memory_space<vmem>>
      %dma_wait3A_716 = arith.constant 0 : i32
      %dma_wait3A_717 = arith.constant 0 : i32
      %dma_wait3A_718 = tpu.memref_slice %arg2[%dma_wait3A_716, %dma_wait3A_717] : memref<100096x16xbf16, #tpu.memory_space<hbm>> -> memref<100096x16xbf16, #tpu.memory_space<hbm>>
      %dma_wait3A_719 = tpu.memref_slice %arg10[%select_n3A_708] : memref<12x!tpu.dma_semaphore, #tpu.memory_space<semaphore_mem>> -> memref<1x!tpu.dma_semaphore, #tpu.memory_space<semaphore_mem>>
      %dma_wait3A_720 = tpu.memref_squeeze %dma_wait3A_719 : memref<1x!tpu.dma_semaphore, #tpu.memory_space<semaphore_mem>> -> memref<!tpu.dma_semaphore, #tpu.memory_space<semaphore_mem>>
      tpu.wait_indirect_dma semaphore(%dma_wait3A_720 : memref<!tpu.dma_semaphore, #tpu.memory_space<semaphore_mem>>) src(%dma_wait3A_718 : memref<100096x16xbf16, #tpu.memory_space<hbm>>) dst(%dma_wait3A_712 : memref<128x16xbf16, #tpu.memory_space<vmem>>)
      %jit3A_721 = arith.constant 12 : i32
      %eq3A_722 = arith.constant 0 : i32
      %eq3A_723 = arith.cmpi eq, %jit3A_721, %eq3A_722 : i32
      %jit3A_724 = arith.constant 1 : i32
      %select_n3A_725 = arith.select %eq3A_723, %jit3A_724, %jit3A_721 : i32
      %rem3A_726 = arith.remsi %while3A_680, %select_n3A_725 : i32
      %ne3A_727 = arith.constant 0 : i32
      %ne3A_728 = arith.cmpi ne, %rem3A_726, %ne3A_727 : i32
      %lt3A_729 = arith.constant 0 : i32
      %lt3A_730 = arith.cmpi slt, %rem3A_726, %lt3A_729 : i32
      %lt3A_731 = arith.constant 0 : i32
      %lt3A_732 = arith.cmpi slt, %select_n3A_725, %lt3A_731 : i32
      %ne3A_733 = arith.xori %lt3A_730, %lt3A_732 : i1
      %and3A_734 = arith.andi %ne3A_733, %ne3A_728 : i1
      %add3A_735 = arith.addi %rem3A_726, %select_n3A_725 : i32
      %select_n3A_736 = arith.select %and3A_734, %add3A_735, %rem3A_726 : i32
      %dma_start3A_737 = arith.constant 0 : i32
      %dma_start3A_738 = arith.constant 0 : i32
      %dma_start3A_739 = tpu.memref_slice %arg8[%select_n3A_736, %dma_start3A_737, %dma_start3A_738] : memref<12x128x16xbf16, #tpu.memory_space<vmem>> -> memref<1x128x16xbf16, #tpu.memory_space<vmem>>
      %dma_start3A_740 = tpu.memref_squeeze %dma_start3A_739 : memref<1x128x16xbf16, #tpu.memory_space<vmem>> -> memref<128x16xbf16, #tpu.memory_space<vmem>>
      %dma_start3A_741 = arith.constant 0 : i32
      %dma_start3A_742 = tpu.memref_slice %arg7[%while3A_680, %dma_start3A_741] : memref<98x128xi32, #tpu.memory_space<vmem>> -> memref<1x128xi32, #tpu.memory_space<vmem>>
      %dma_start3A_743 = tpu.memref_squeeze %dma_start3A_742 : memref<1x128xi32, #tpu.memory_space<vmem>> -> memref<128xi32, #tpu.memory_space<vmem>>
      %dma_start3A_744 = arith.constant 0 : i32
      %dma_start3A_745 = arith.constant 0 : i32
      %dma_start3A_746 = tpu.memref_slice %arg9[%dma_start3A_744, %dma_start3A_745] : memref<100096x16xbf16, #tpu.memory_space<vmem_shared>> -> memref<100096x16xbf16, #tpu.memory_space<vmem_shared>>
      tpu.enqueue_indirect_dma source(%dma_start3A_740 : memref<128x16xbf16, #tpu.memory_space<vmem>>) target(%dma_start3A_746 : memref<100096x16xbf16, #tpu.memory_space<vmem_shared>>) offsets(%dma_start3A_743 : memref<128xi32, #tpu.memory_space<vmem>>) semaphore(%arg11 : memref<!tpu.dma_semaphore, #tpu.memory_space<semaphore_mem>>) {add = true}
      %ge3A = arith.constant 6 : i32
      %ge3A_747 = arith.cmpi sge, %while3A_680, %ge3A : i32
      %convert_element_type3A_748 = arith.extui %ge3A_747 : i1 to i32
      %cond3A_749 = arith.constant 0 : i32
      %cond3A_750 = arith.cmpi ne, %convert_element_type3A_748, %cond3A_749 : i32
      scf.if %cond3A_750 {
        %dma_wait3A_757 = arith.constant 0 : i32
        %dma_wait3A_758 = arith.constant 0 : i32
        %dma_wait3A_759 = arith.constant 0 : i32
        %dma_wait3A_760 = tpu.memref_slice %arg8[%dma_wait3A_757, %dma_wait3A_758, %dma_wait3A_759] : memref<12x128x16xbf16, #tpu.memory_space<vmem>> -> memref<1x128x16xbf16, #tpu.memory_space<vmem>>
        %dma_wait3A_761 = tpu.memref_squeeze %dma_wait3A_760 : memref<1x128x16xbf16, #tpu.memory_space<vmem>> -> memref<128x16xbf16, #tpu.memory_space<vmem>>
        %dma_wait3A_762 = arith.constant 0 : i32
        %dma_wait3A_763 = arith.constant 0 : i32
        %dma_wait3A_764 = tpu.memref_slice %arg2[%dma_wait3A_762, %dma_wait3A_763] : memref<100096x16xbf16, #tpu.memory_space<hbm>> -> memref<128x16xbf16, #tpu.memory_space<hbm>>
        %dma_wait3A_765 = arith.constant 0 : i32
        %dma_wait3A_766 = arith.constant 0 : i32
        %dma_wait3A_767 = tpu.memref_slice %arg8[%dma_wait3A_757, %dma_wait3A_765, %dma_wait3A_766] : memref<12x128x16xbf16, #tpu.memory_space<vmem>> -> memref<1x128x16xbf16, #tpu.memory_space<vmem>>
        %dma_wait3A_768 = tpu.memref_squeeze %dma_wait3A_767 : memref<1x128x16xbf16, #tpu.memory_space<vmem>> -> memref<128x16xbf16, #tpu.memory_space<vmem>>
        %dma_wait3A_769 = arith.constant 0 : i32
        %dma_wait3A_770 = arith.constant 0 : i32
        %dma_wait3A_771 = tpu.memref_slice %arg2[%dma_wait3A_769, %dma_wait3A_770] : memref<100096x16xbf16, #tpu.memory_space<hbm>> -> memref<128x16xbf16, #tpu.memory_space<hbm>>
        tpu.wait_dma2 semaphore(%arg11 : memref<!tpu.dma_semaphore, #tpu.memory_space<semaphore_mem>>) src(%dma_wait3A_771 : memref<128x16xbf16, #tpu.memory_space<hbm>>) dst(%dma_wait3A_768 : memref<128x16xbf16, #tpu.memory_space<vmem>>)
      } else {
      }
      %add3A_751 = arith.constant 6 : i32
      %add3A_752 = arith.addi %while3A_680, %add3A_751 : i32
      %lt3A_753 = arith.cmpi slt, %add3A_752, %add3A_606 : i32
      %convert_element_type3A_754 = arith.extui %lt3A_753 : i1 to i32
      %cond3A_755 = arith.constant 0 : i32
      %cond3A_756 = arith.cmpi ne, %convert_element_type3A_754, %cond3A_755 : i32
      scf.if %cond3A_756 {
        %add3A_757 = arith.constant 6 : i32
        %add3A_758 = arith.addi %while3A_680, %add3A_757 : i32
        %jit3A_759 = arith.constant 12 : i32
        %eq3A_760 = arith.constant 0 : i32
        %eq3A_761 = arith.cmpi eq, %jit3A_759, %eq3A_760 : i32
        %jit3A_762 = arith.constant 1 : i32
        %select_n3A_763 = arith.select %eq3A_761, %jit3A_762, %jit3A_759 : i32
        %rem3A_764 = arith.remsi %add3A_758, %select_n3A_763 : i32
        %ne3A_765 = arith.constant 0 : i32
        %ne3A_766 = arith.cmpi ne, %rem3A_764, %ne3A_765 : i32
        %lt3A_767 = arith.constant 0 : i32
        %lt3A_768 = arith.cmpi slt, %rem3A_764, %lt3A_767 : i32
        %lt3A_769 = arith.constant 0 : i32
        %lt3A_770 = arith.cmpi slt, %select_n3A_763, %lt3A_769 : i32
        %ne3A_771 = arith.xori %lt3A_768, %lt3A_770 : i1
        %and3A_772 = arith.andi %ne3A_771, %ne3A_766 : i1
        %add3A_773 = arith.addi %rem3A_764, %select_n3A_763 : i32
        %select_n3A_774 = arith.select %and3A_772, %add3A_773, %rem3A_764 : i32
        %jit3A_775 = arith.constant 12 : i32
        %eq3A_776 = arith.constant 0 : i32
        %eq3A_777 = arith.cmpi eq, %jit3A_775, %eq3A_776 : i32
        %jit3A_778 = arith.constant 1 : i32
        %select_n3A_779 = arith.select %eq3A_777, %jit3A_778, %jit3A_775 : i32
        %rem3A_780 = arith.remsi %add3A_758, %select_n3A_779 : i32
        %ne3A_781 = arith.constant 0 : i32
        %ne3A_782 = arith.cmpi ne, %rem3A_780, %ne3A_781 : i32
        %lt3A_783 = arith.constant 0 : i32
        %lt3A_784 = arith.cmpi slt, %rem3A_780, %lt3A_783 : i32
        %lt3A_785 = arith.constant 0 : i32
        %lt3A_786 = arith.cmpi slt, %select_n3A_779, %lt3A_785 : i32
        %ne3A_787 = arith.xori %lt3A_784, %lt3A_786 : i1
        %and3A_788 = arith.andi %ne3A_787, %ne3A_782 : i1
        %add3A_789 = arith.addi %rem3A_780, %select_n3A_779 : i32
        %select_n3A_790 = arith.select %and3A_788, %add3A_789, %rem3A_780 : i32
        %dma_start3A_791 = arith.constant 0 : i32
        %dma_start3A_792 = arith.constant 0 : i32
        %dma_start3A_793 = tpu.memref_slice %arg8[%select_n3A_774, %dma_start3A_791, %dma_start3A_792] : memref<12x128x16xbf16, #tpu.memory_space<vmem>> -> memref<1x128x16xbf16, #tpu.memory_space<vmem>>
        %dma_start3A_794 = tpu.memref_squeeze %dma_start3A_793 : memref<1x128x16xbf16, #tpu.memory_space<vmem>> -> memref<128x16xbf16, #tpu.memory_space<vmem>>
        %dma_start3A_795 = arith.constant 0 : i32
        %dma_start3A_796 = tpu.memref_slice %arg6[%add3A_758, %dma_start3A_795] : memref<98x128xi32, #tpu.memory_space<vmem>> -> memref<1x128xi32, #tpu.memory_space<vmem>>
        %dma_start3A_797 = tpu.memref_squeeze %dma_start3A_796 : memref<1x128xi32, #tpu.memory_space<vmem>> -> memref<128xi32, #tpu.memory_space<vmem>>
        %dma_start3A_798 = arith.constant 0 : i32
        %dma_start3A_799 = arith.constant 0 : i32
        %dma_start3A_800 = tpu.memref_slice %arg2[%dma_start3A_798, %dma_start3A_799] : memref<100096x16xbf16, #tpu.memory_space<hbm>> -> memref<100096x16xbf16, #tpu.memory_space<hbm>>
        %dma_start3A_801 = tpu.memref_slice %arg10[%select_n3A_790] : memref<12x!tpu.dma_semaphore, #tpu.memory_space<semaphore_mem>> -> memref<1x!tpu.dma_semaphore, #tpu.memory_space<semaphore_mem>>
        %dma_start3A_802 = tpu.memref_squeeze %dma_start3A_801 : memref<1x!tpu.dma_semaphore, #tpu.memory_space<semaphore_mem>> -> memref<!tpu.dma_semaphore, #tpu.memory_space<semaphore_mem>>
        tpu.enqueue_indirect_dma source(%dma_start3A_800 : memref<100096x16xbf16, #tpu.memory_space<hbm>>) target(%dma_start3A_794 : memref<128x16xbf16, #tpu.memory_space<vmem>>) offsets(%dma_start3A_797 : memref<128xi32, #tpu.memory_space<vmem>>) semaphore(%dma_start3A_802 : memref<!tpu.dma_semaphore, #tpu.memory_space<semaphore_mem>>)
      } else {
      }
    }
    %while3A_644 = arith.constant 1 : i32
    scf.for %while3A_680 = %while3A_642 to %while3A_638 step %while3A_644  : i32 {
      %jit3A_681 = arith.constant 12 : i32
      %eq3A = arith.constant 0 : i32
      %eq3A_682 = arith.cmpi eq, %jit3A_681, %eq3A : i32
      %jit3A_683 = arith.constant 1 : i32
      %select_n3A_684 = arith.select %eq3A_682, %jit3A_683, %jit3A_681 : i32
      %rem3A = arith.remsi %while3A_680, %select_n3A_684 : i32
      %ne3A = arith.constant 0 : i32
      %ne3A_685 = arith.cmpi ne, %rem3A, %ne3A : i32
      %lt3A_686 = arith.constant 0 : i32
      %lt3A_687 = arith.cmpi slt, %rem3A, %lt3A_686 : i32
      %lt3A_688 = arith.constant 0 : i32
      %lt3A_689 = arith.cmpi slt, %select_n3A_684, %lt3A_688 : i32
      %ne3A_690 = arith.xori %lt3A_687, %lt3A_689 : i1
      %and3A = arith.andi %ne3A_690, %ne3A_685 : i1
      %add3A_691 = arith.addi %rem3A, %select_n3A_684 : i32
      %select_n3A_692 = arith.select %and3A, %add3A_691, %rem3A : i32
      %jit3A_693 = arith.constant 12 : i32
      %eq3A_694 = arith.constant 0 : i32
      %eq3A_695 = arith.cmpi eq, %jit3A_693, %eq3A_694 : i32
      %jit3A_696 = arith.constant 1 : i32
      %select_n3A_697 = arith.select %eq3A_695, %jit3A_696, %jit3A_693 : i32
      %rem3A_698 = arith.remsi %while3A_680, %select_n3A_697 : i32
      %ne3A_699 = arith.constant 0 : i32
      %ne3A_700 = arith.cmpi ne, %rem3A_698, %ne3A_699 : i32
      %lt3A_701 = arith.constant 0 : i32
      %lt3A_702 = arith.cmpi slt, %rem3A_698, %lt3A_701 : i32
      %lt3A_703 = arith.constant 0 : i32
      %lt3A_704 = arith.cmpi slt, %select_n3A_697, %lt3A_703 : i32
      %ne3A_705 = arith.xori %lt3A_702, %lt3A_704 : i1
      %and3A_706 = arith.andi %ne3A_705, %ne3A_700 : i1
      %add3A_707 = arith.addi %rem3A_698, %select_n3A_697 : i32
      %select_n3A_708 = arith.select %and3A_706, %add3A_707, %rem3A_698 : i32
      %dma_wait3A_709 = arith.constant 0 : i32
      %dma_wait3A_710 = arith.constant 0 : i32
      %dma_wait3A_711 = tpu.memref_slice %arg8[%select_n3A_692, %dma_wait3A_709, %dma_wait3A_710] : memref<12x128x16xbf16, #tpu.memory_space<vmem>> -> memref<1x128x16xbf16, #tpu.memory_space<vmem>>
      %dma_wait3A_712 = tpu.memref_squeeze %dma_wait3A_711 : memref<1x128x16xbf16, #tpu.memory_space<vmem>> -> memref<128x16xbf16, #tpu.memory_space<vmem>>
      %dma_wait3A_713 = arith.constant 0 : i32
      %dma_wait3A_714 = tpu.memref_slice %arg6[%while3A_680, %dma_wait3A_713] : memref<98x128xi32, #tpu.memory_space<vmem>> -> memref<1x128xi32, #tpu.memory_space<vmem>>
      %dma_wait3A_715 = tpu.memref_squeeze %dma_wait3A_714 : memref<1x128xi32, #tpu.memory_space<vmem>> -> memref<128xi32, #tpu.memory_space<vmem>>
      %dma_wait3A_716 = arith.constant 0 : i32
      %dma_wait3A_717 = arith.constant 0 : i32
      %dma_wait3A_718 = tpu.memref_slice %arg2[%dma_wait3A_716, %dma_wait3A_717] : memref<100096x16xbf16, #tpu.memory_space<hbm>> -> memref<100096x16xbf16, #tpu.memory_space<hbm>>
      %dma_wait3A_719 = tpu.memref_slice %arg10[%select_n3A_708] : memref<12x!tpu.dma_semaphore, #tpu.memory_space<semaphore_mem>> -> memref<1x!tpu.dma_semaphore, #tpu.memory_space<semaphore_mem>>
      %dma_wait3A_720 = tpu.memref_squeeze %dma_wait3A_719 : memref<1x!tpu.dma_semaphore, #tpu.memory_space<semaphore_mem>> -> memref<!tpu.dma_semaphore, #tpu.memory_space<semaphore_mem>>
      tpu.wait_indirect_dma semaphore(%dma_wait3A_720 : memref<!tpu.dma_semaphore, #tpu.memory_space<semaphore_mem>>) src(%dma_wait3A_718 : memref<100096x16xbf16, #tpu.memory_space<hbm>>) dst(%dma_wait3A_712 : memref<128x16xbf16, #tpu.memory_space<vmem>>)
      %jit3A_721 = arith.constant 12 : i32
      %eq3A_722 = arith.constant 0 : i32
      %eq3A_723 = arith.cmpi eq, %jit3A_721, %eq3A_722 : i32
      %jit3A_724 = arith.constant 1 : i32
      %select_n3A_725 = arith.select %eq3A_723, %jit3A_724, %jit3A_721 : i32
      %rem3A_726 = arith.remsi %while3A_680, %select_n3A_725 : i32
      %ne3A_727 = arith.constant 0 : i32
      %ne3A_728 = arith.cmpi ne, %rem3A_726, %ne3A_727 : i32
      %lt3A_729 = arith.constant 0 : i32
      %lt3A_730 = arith.cmpi slt, %rem3A_726, %lt3A_729 : i32
      %lt3A_731 = arith.constant 0 : i32
      %lt3A_732 = arith.cmpi slt, %select_n3A_725, %lt3A_731 : i32
      %ne3A_733 = arith.xori %lt3A_730, %lt3A_732 : i1
      %and3A_734 = arith.andi %ne3A_733, %ne3A_728 : i1
      %add3A_735 = arith.addi %rem3A_726, %select_n3A_725 : i32
      %select_n3A_736 = arith.select %and3A_734, %add3A_735, %rem3A_726 : i32
      %dma_start3A_737 = arith.constant 0 : i32
      %dma_start3A_738 = arith.constant 0 : i32
      %dma_start3A_739 = tpu.memref_slice %arg8[%select_n3A_736, %dma_start3A_737, %dma_start3A_738] : memref<12x128x16xbf16, #tpu.memory_space<vmem>> -> memref<1x128x16xbf16, #tpu.memory_space<vmem>>
      %dma_start3A_740 = tpu.memref_squeeze %dma_start3A_739 : memref<1x128x16xbf16, #tpu.memory_space<vmem>> -> memref<128x16xbf16, #tpu.memory_space<vmem>>
      %dma_start3A_741 = arith.constant 0 : i32
      %dma_start3A_742 = tpu.memref_slice %arg7[%while3A_680, %dma_start3A_741] : memref<98x128xi32, #tpu.memory_space<vmem>> -> memref<1x128xi32, #tpu.memory_space<vmem>>
      %dma_start3A_743 = tpu.memref_squeeze %dma_start3A_742 : memref<1x128xi32, #tpu.memory_space<vmem>> -> memref<128xi32, #tpu.memory_space<vmem>>
      %dma_start3A_744 = arith.constant 0 : i32
      %dma_start3A_745 = arith.constant 0 : i32
      %dma_start3A_746 = tpu.memref_slice %arg9[%dma_start3A_744, %dma_start3A_745] : memref<100096x16xbf16, #tpu.memory_space<vmem_shared>> -> memref<100096x16xbf16, #tpu.memory_space<vmem_shared>>
      tpu.enqueue_indirect_dma source(%dma_start3A_740 : memref<128x16xbf16, #tpu.memory_space<vmem>>) target(%dma_start3A_746 : memref<100096x16xbf16, #tpu.memory_space<vmem_shared>>) offsets(%dma_start3A_743 : memref<128xi32, #tpu.memory_space<vmem>>) semaphore(%arg11 : memref<!tpu.dma_semaphore, #tpu.memory_space<semaphore_mem>>) {add = true}
      %ge3A = arith.constant 6 : i32
      %ge3A_747 = arith.cmpi sge, %while3A_680, %ge3A : i32
      %convert_element_type3A_748 = arith.extui %ge3A_747 : i1 to i32
      %cond3A_749 = arith.constant 0 : i32
      %cond3A_750 = arith.cmpi ne, %convert_element_type3A_748, %cond3A_749 : i32
      scf.if %cond3A_750 {
        %dma_wait3A_757 = arith.constant 0 : i32
        %dma_wait3A_758 = arith.constant 0 : i32
        %dma_wait3A_759 = arith.constant 0 : i32
        %dma_wait3A_760 = tpu.memref_slice %arg8[%dma_wait3A_757, %dma_wait3A_758, %dma_wait3A_759] : memref<12x128x16xbf16, #tpu.memory_space<vmem>> -> memref<1x128x16xbf16, #tpu.memory_space<vmem>>
        %dma_wait3A_761 = tpu.memref_squeeze %dma_wait3A_760 : memref<1x128x16xbf16, #tpu.memory_space<vmem>> -> memref<128x16xbf16, #tpu.memory_space<vmem>>
        %dma_wait3A_762 = arith.constant 0 : i32
        %dma_wait3A_763 = arith.constant 0 : i32
        %dma_wait3A_764 = tpu.memref_slice %arg2[%dma_wait3A_762, %dma_wait3A_763] : memref<100096x16xbf16, #tpu.memory_space<hbm>> -> memref<128x16xbf16, #tpu.memory_space<hbm>>
        %dma_wait3A_765 = arith.constant 0 : i32
        %dma_wait3A_766 = arith.constant 0 : i32
        %dma_wait3A_767 = tpu.memref_slice %arg8[%dma_wait3A_757, %dma_wait3A_765, %dma_wait3A_766] : memref<12x128x16xbf16, #tpu.memory_space<vmem>> -> memref<1x128x16xbf16, #tpu.memory_space<vmem>>
        %dma_wait3A_768 = tpu.memref_squeeze %dma_wait3A_767 : memref<1x128x16xbf16, #tpu.memory_space<vmem>> -> memref<128x16xbf16, #tpu.memory_space<vmem>>
        %dma_wait3A_769 = arith.constant 0 : i32
        %dma_wait3A_770 = arith.constant 0 : i32
        %dma_wait3A_771 = tpu.memref_slice %arg2[%dma_wait3A_769, %dma_wait3A_770] : memref<100096x16xbf16, #tpu.memory_space<hbm>> -> memref<128x16xbf16, #tpu.memory_space<hbm>>
        tpu.wait_dma2 semaphore(%arg11 : memref<!tpu.dma_semaphore, #tpu.memory_space<semaphore_mem>>) src(%dma_wait3A_771 : memref<128x16xbf16, #tpu.memory_space<hbm>>) dst(%dma_wait3A_768 : memref<128x16xbf16, #tpu.memory_space<vmem>>)
      } else {
      }
      %add3A_751 = arith.constant 6 : i32
      %add3A_752 = arith.addi %while3A_680, %add3A_751 : i32
      %lt3A_753 = arith.cmpi slt, %add3A_752, %add3A_606 : i32
      %convert_element_type3A_754 = arith.extui %lt3A_753 : i1 to i32
      %cond3A_755 = arith.constant 0 : i32
      %cond3A_756 = arith.cmpi ne, %convert_element_type3A_754, %cond3A_755 : i32
      scf.if %cond3A_756 {
        %add3A_757 = arith.constant 6 : i32
        %add3A_758 = arith.addi %while3A_680, %add3A_757 : i32
        %jit3A_759 = arith.constant 12 : i32
        %eq3A_760 = arith.constant 0 : i32
        %eq3A_761 = arith.cmpi eq, %jit3A_759, %eq3A_760 : i32
        %jit3A_762 = arith.constant 1 : i32
        %select_n3A_763 = arith.select %eq3A_761, %jit3A_762, %jit3A_759 : i32
        %rem3A_764 = arith.remsi %add3A_758, %select_n3A_763 : i32
        %ne3A_765 = arith.constant 0 : i32
        %ne3A_766 = arith.cmpi ne, %rem3A_764, %ne3A_765 : i32
        %lt3A_767 = arith.constant 0 : i32
        %lt3A_768 = arith.cmpi slt, %rem3A_764, %lt3A_767 : i32
        %lt3A_769 = arith.constant 0 : i32
        %lt3A_770 = arith.cmpi slt, %select_n3A_763, %lt3A_769 : i32
        %ne3A_771 = arith.xori %lt3A_768, %lt3A_770 : i1
        %and3A_772 = arith.andi %ne3A_771, %ne3A_766 : i1
        %add3A_773 = arith.addi %rem3A_764, %select_n3A_763 : i32
        %select_n3A_774 = arith.select %and3A_772, %add3A_773, %rem3A_764 : i32
        %jit3A_775 = arith.constant 12 : i32
        %eq3A_776 = arith.constant 0 : i32
        %eq3A_777 = arith.cmpi eq, %jit3A_775, %eq3A_776 : i32
        %jit3A_778 = arith.constant 1 : i32
        %select_n3A_779 = arith.select %eq3A_777, %jit3A_778, %jit3A_775 : i32
        %rem3A_780 = arith.remsi %add3A_758, %select_n3A_779 : i32
        %ne3A_781 = arith.constant 0 : i32
        %ne3A_782 = arith.cmpi ne, %rem3A_780, %ne3A_781 : i32
        %lt3A_783 = arith.constant 0 : i32
        %lt3A_784 = arith.cmpi slt, %rem3A_780, %lt3A_783 : i32
        %lt3A_785 = arith.constant 0 : i32
        %lt3A_786 = arith.cmpi slt, %select_n3A_779, %lt3A_785 : i32
        %ne3A_787 = arith.xori %lt3A_784, %lt3A_786 : i1
        %and3A_788 = arith.andi %ne3A_787, %ne3A_782 : i1
        %add3A_789 = arith.addi %rem3A_780, %select_n3A_779 : i32
        %select_n3A_790 = arith.select %and3A_788, %add3A_789, %rem3A_780 : i32
        %dma_start3A_791 = arith.constant 0 : i32
        %dma_start3A_792 = arith.constant 0 : i32
        %dma_start3A_793 = tpu.memref_slice %arg8[%select_n3A_774, %dma_start3A_791, %dma_start3A_792] : memref<12x128x16xbf16, #tpu.memory_space<vmem>> -> memref<1x128x16xbf16, #tpu.memory_space<vmem>>
        %dma_start3A_794 = tpu.memref_squeeze %dma_start3A_793 : memref<1x128x16xbf16, #tpu.memory_space<vmem>> -> memref<128x16xbf16, #tpu.memory_space<vmem>>
        %dma_start3A_795 = arith.constant 0 : i32
        %dma_start3A_796 = tpu.memref_slice %arg6[%add3A_758, %dma_start3A_795] : memref<98x128xi32, #tpu.memory_space<vmem>> -> memref<1x128xi32, #tpu.memory_space<vmem>>
        %dma_start3A_797 = tpu.memref_squeeze %dma_start3A_796 : memref<1x128xi32, #tpu.memory_space<vmem>> -> memref<128xi32, #tpu.memory_space<vmem>>
        %dma_start3A_798 = arith.constant 0 : i32
        %dma_start3A_799 = arith.constant 0 : i32
        %dma_start3A_800 = tpu.memref_slice %arg2[%dma_start3A_798, %dma_start3A_799] : memref<100096x16xbf16, #tpu.memory_space<hbm>> -> memref<100096x16xbf16, #tpu.memory_space<hbm>>
        %dma_start3A_801 = tpu.memref_slice %arg10[%select_n3A_790] : memref<12x!tpu.dma_semaphore, #tpu.memory_space<semaphore_mem>> -> memref<1x!tpu.dma_semaphore, #tpu.memory_space<semaphore_mem>>
        %dma_start3A_802 = tpu.memref_squeeze %dma_start3A_801 : memref<1x!tpu.dma_semaphore, #tpu.memory_space<semaphore_mem>> -> memref<!tpu.dma_semaphore, #tpu.memory_space<semaphore_mem>>
        tpu.enqueue_indirect_dma source(%dma_start3A_800 : memref<100096x16xbf16, #tpu.memory_space<hbm>>) target(%dma_start3A_794 : memref<128x16xbf16, #tpu.memory_space<vmem>>) offsets(%dma_start3A_797 : memref<128xi32, #tpu.memory_space<vmem>>) semaphore(%dma_start3A_802 : memref<!tpu.dma_semaphore, #tpu.memory_space<semaphore_mem>>)
      } else {
      }
    }
    %gt3A_645 = arith.constant 0 : i32
    %gt3A_646 = arith.cmpi sgt, %add3A_606, %gt3A_645 : i32
    %convert_element_type3A_647 = arith.extui %gt3A_646 : i1 to i32
    %cond3A_648 = arith.constant 0 : i32
    %cond3A_649 = arith.cmpi ne, %convert_element_type3A_647, %cond3A_648 : i32
    scf.if %cond3A_649 {
      %dma_wait3A_680 = arith.constant 0 : i32
      %dma_wait3A_681 = arith.constant 0 : i32
      %dma_wait3A_682 = arith.constant 0 : i32
      %dma_wait3A_683 = tpu.memref_slice %arg8[%dma_wait3A_680, %dma_wait3A_681, %dma_wait3A_682] : memref<12x128x16xbf16, #tpu.memory_space<vmem>> -> memref<1x128x16xbf16, #tpu.memory_space<vmem>>
      %dma_wait3A_684 = tpu.memref_squeeze %dma_wait3A_683 : memref<1x128x16xbf16, #tpu.memory_space<vmem>> -> memref<128x16xbf16, #tpu.memory_space<vmem>>
      %dma_wait3A_685 = arith.constant 0 : i32
      %dma_wait3A_686 = arith.constant 0 : i32
      %dma_wait3A_687 = tpu.memref_slice %arg2[%dma_wait3A_685, %dma_wait3A_686] : memref<100096x16xbf16, #tpu.memory_space<hbm>> -> memref<128x16xbf16, #tpu.memory_space<hbm>>
      %dma_wait3A_688 = arith.constant 0 : i32
      %dma_wait3A_689 = arith.constant 0 : i32
      %dma_wait3A_690 = tpu.memref_slice %arg8[%dma_wait3A_680, %dma_wait3A_688, %dma_wait3A_689] : memref<12x128x16xbf16, #tpu.memory_space<vmem>> -> memref<1x128x16xbf16, #tpu.memory_space<vmem>>
      %dma_wait3A_691 = tpu.memref_squeeze %dma_wait3A_690 : memref<1x128x16xbf16, #tpu.memory_space<vmem>> -> memref<128x16xbf16, #tpu.memory_space<vmem>>
      %dma_wait3A_692 = arith.constant 0 : i32
      %dma_wait3A_693 = arith.constant 0 : i32
      %dma_wait3A_694 = tpu.memref_slice %arg2[%dma_wait3A_692, %dma_wait3A_693] : memref<100096x16xbf16, #tpu.memory_space<hbm>> -> memref<128x16xbf16, #tpu.memory_space<hbm>>
      tpu.wait_dma2 semaphore(%arg11 : memref<!tpu.dma_semaphore, #tpu.memory_space<semaphore_mem>>) src(%dma_wait3A_694 : memref<128x16xbf16, #tpu.memory_space<hbm>>) dst(%dma_wait3A_691 : memref<128x16xbf16, #tpu.memory_space<vmem>>)
    } else {
    }
    %gt3A_650 = arith.constant 1 : i32
    %gt3A_651 = arith.cmpi sgt, %add3A_606, %gt3A_650 : i32
    %convert_element_type3A_652 = arith.extui %gt3A_651 : i1 to i32
    %cond3A_653 = arith.constant 0 : i32
    %cond3A_654 = arith.cmpi ne, %convert_element_type3A_652, %cond3A_653 : i32
    scf.if %cond3A_654 {
      %dma_wait3A_680 = arith.constant 0 : i32
      %dma_wait3A_681 = arith.constant 0 : i32
      %dma_wait3A_682 = arith.constant 0 : i32
      %dma_wait3A_683 = tpu.memref_slice %arg8[%dma_wait3A_680, %dma_wait3A_681, %dma_wait3A_682] : memref<12x128x16xbf16, #tpu.memory_space<vmem>> -> memref<1x128x16xbf16, #tpu.memory_space<vmem>>
      %dma_wait3A_684 = tpu.memref_squeeze %dma_wait3A_683 : memref<1x128x16xbf16, #tpu.memory_space<vmem>> -> memref<128x16xbf16, #tpu.memory_space<vmem>>
      %dma_wait3A_685 = arith.constant 0 : i32
      %dma_wait3A_686 = arith.constant 0 : i32
      %dma_wait3A_687 = tpu.memref_slice %arg2[%dma_wait3A_685, %dma_wait3A_686] : memref<100096x16xbf16, #tpu.memory_space<hbm>> -> memref<128x16xbf16, #tpu.memory_space<hbm>>
      %dma_wait3A_688 = arith.constant 0 : i32
      %dma_wait3A_689 = arith.constant 0 : i32
      %dma_wait3A_690 = tpu.memref_slice %arg8[%dma_wait3A_680, %dma_wait3A_688, %dma_wait3A_689] : memref<12x128x16xbf16, #tpu.memory_space<vmem>> -> memref<1x128x16xbf16, #tpu.memory_space<vmem>>
      %dma_wait3A_691 = tpu.memref_squeeze %dma_wait3A_690 : memref<1x128x16xbf16, #tpu.memory_space<vmem>> -> memref<128x16xbf16, #tpu.memory_space<vmem>>
      %dma_wait3A_692 = arith.constant 0 : i32
      %dma_wait3A_693 = arith.constant 0 : i32
      %dma_wait3A_694 = tpu.memref_slice %arg2[%dma_wait3A_692, %dma_wait3A_693] : memref<100096x16xbf16, #tpu.memory_space<hbm>> -> memref<128x16xbf16, #tpu.memory_space<hbm>>
      tpu.wait_dma2 semaphore(%arg11 : memref<!tpu.dma_semaphore, #tpu.memory_space<semaphore_mem>>) src(%dma_wait3A_694 : memref<128x16xbf16, #tpu.memory_space<hbm>>) dst(%dma_wait3A_691 : memref<128x16xbf16, #tpu.memory_space<vmem>>)
    } else {
    }
    %gt3A_655 = arith.constant 2 : i32
    %gt3A_656 = arith.cmpi sgt, %add3A_606, %gt3A_655 : i32
    %convert_element_type3A_657 = arith.extui %gt3A_656 : i1 to i32
    %cond3A_658 = arith.constant 0 : i32
    %cond3A_659 = arith.cmpi ne, %convert_element_type3A_657, %cond3A_658 : i32
    scf.if %cond3A_659 {
      %dma_wait3A_680 = arith.constant 0 : i32
      %dma_wait3A_681 = arith.constant 0 : i32
      %dma_wait3A_682 = arith.constant 0 : i32
      %dma_wait3A_683 = tpu.memref_slice %arg8[%dma_wait3A_680, %dma_wait3A_681, %dma_wait3A_682] : memref<12x128x16xbf16, #tpu.memory_space<vmem>> -> memref<1x128x16xbf16, #tpu.memory_space<vmem>>
      %dma_wait3A_684 = tpu.memref_squeeze %dma_wait3A_683 : memref<1x128x16xbf16, #tpu.memory_space<vmem>> -> memref<128x16xbf16, #tpu.memory_space<vmem>>
      %dma_wait3A_685 = arith.constant 0 : i32
      %dma_wait3A_686 = arith.constant 0 : i32
      %dma_wait3A_687 = tpu.memref_slice %arg2[%dma_wait3A_685, %dma_wait3A_686] : memref<100096x16xbf16, #tpu.memory_space<hbm>> -> memref<128x16xbf16, #tpu.memory_space<hbm>>
      %dma_wait3A_688 = arith.constant 0 : i32
      %dma_wait3A_689 = arith.constant 0 : i32
      %dma_wait3A_690 = tpu.memref_slice %arg8[%dma_wait3A_680, %dma_wait3A_688, %dma_wait3A_689] : memref<12x128x16xbf16, #tpu.memory_space<vmem>> -> memref<1x128x16xbf16, #tpu.memory_space<vmem>>
      %dma_wait3A_691 = tpu.memref_squeeze %dma_wait3A_690 : memref<1x128x16xbf16, #tpu.memory_space<vmem>> -> memref<128x16xbf16, #tpu.memory_space<vmem>>
      %dma_wait3A_692 = arith.constant 0 : i32
      %dma_wait3A_693 = arith.constant 0 : i32
      %dma_wait3A_694 = tpu.memref_slice %arg2[%dma_wait3A_692, %dma_wait3A_693] : memref<100096x16xbf16, #tpu.memory_space<hbm>> -> memref<128x16xbf16, #tpu.memory_space<hbm>>
      tpu.wait_dma2 semaphore(%arg11 : memref<!tpu.dma_semaphore, #tpu.memory_space<semaphore_mem>>) src(%dma_wait3A_694 : memref<128x16xbf16, #tpu.memory_space<hbm>>) dst(%dma_wait3A_691 : memref<128x16xbf16, #tpu.memory_space<vmem>>)
    } else {
    }
    %gt3A_660 = arith.constant 3 : i32
    %gt3A_661 = arith.cmpi sgt, %add3A_606, %gt3A_660 : i32
    %convert_element_type3A_662 = arith.extui %gt3A_661 : i1 to i32
    %cond3A_663 = arith.constant 0 : i32
    %cond3A_664 = arith.cmpi ne, %convert_element_type3A_662, %cond3A_663 : i32
    scf.if %cond3A_664 {
      %dma_wait3A_680 = arith.constant 0 : i32
      %dma_wait3A_681 = arith.constant 0 : i32
      %dma_wait3A_682 = arith.constant 0 : i32
      %dma_wait3A_683 = tpu.memref_slice %arg8[%dma_wait3A_680, %dma_wait3A_681, %dma_wait3A_682] : memref<12x128x16xbf16, #tpu.memory_space<vmem>> -> memref<1x128x16xbf16, #tpu.memory_space<vmem>>
      %dma_wait3A_684 = tpu.memref_squeeze %dma_wait3A_683 : memref<1x128x16xbf16, #tpu.memory_space<vmem>> -> memref<128x16xbf16, #tpu.memory_space<vmem>>
      %dma_wait3A_685 = arith.constant 0 : i32
      %dma_wait3A_686 = arith.constant 0 : i32
      %dma_wait3A_687 = tpu.memref_slice %arg2[%dma_wait3A_685, %dma_wait3A_686] : memref<100096x16xbf16, #tpu.memory_space<hbm>> -> memref<128x16xbf16, #tpu.memory_space<hbm>>
      %dma_wait3A_688 = arith.constant 0 : i32
      %dma_wait3A_689 = arith.constant 0 : i32
      %dma_wait3A_690 = tpu.memref_slice %arg8[%dma_wait3A_680, %dma_wait3A_688, %dma_wait3A_689] : memref<12x128x16xbf16, #tpu.memory_space<vmem>> -> memref<1x128x16xbf16, #tpu.memory_space<vmem>>
      %dma_wait3A_691 = tpu.memref_squeeze %dma_wait3A_690 : memref<1x128x16xbf16, #tpu.memory_space<vmem>> -> memref<128x16xbf16, #tpu.memory_space<vmem>>
      %dma_wait3A_692 = arith.constant 0 : i32
      %dma_wait3A_693 = arith.constant 0 : i32
      %dma_wait3A_694 = tpu.memref_slice %arg2[%dma_wait3A_692, %dma_wait3A_693] : memref<100096x16xbf16, #tpu.memory_space<hbm>> -> memref<128x16xbf16, #tpu.memory_space<hbm>>
      tpu.wait_dma2 semaphore(%arg11 : memref<!tpu.dma_semaphore, #tpu.memory_space<semaphore_mem>>) src(%dma_wait3A_694 : memref<128x16xbf16, #tpu.memory_space<hbm>>) dst(%dma_wait3A_691 : memref<128x16xbf16, #tpu.memory_space<vmem>>)
    } else {
    }
    %gt3A_665 = arith.constant 4 : i32
    %gt3A_666 = arith.cmpi sgt, %add3A_606, %gt3A_665 : i32
    %convert_element_type3A_667 = arith.extui %gt3A_666 : i1 to i32
    %cond3A_668 = arith.constant 0 : i32
    %cond3A_669 = arith.cmpi ne, %convert_element_type3A_667, %cond3A_668 : i32
    scf.if %cond3A_669 {
      %dma_wait3A_680 = arith.constant 0 : i32
      %dma_wait3A_681 = arith.constant 0 : i32
      %dma_wait3A_682 = arith.constant 0 : i32
      %dma_wait3A_683 = tpu.memref_slice %arg8[%dma_wait3A_680, %dma_wait3A_681, %dma_wait3A_682] : memref<12x128x16xbf16, #tpu.memory_space<vmem>> -> memref<1x128x16xbf16, #tpu.memory_space<vmem>>
      %dma_wait3A_684 = tpu.memref_squeeze %dma_wait3A_683 : memref<1x128x16xbf16, #tpu.memory_space<vmem>> -> memref<128x16xbf16, #tpu.memory_space<vmem>>
      %dma_wait3A_685 = arith.constant 0 : i32
      %dma_wait3A_686 = arith.constant 0 : i32
      %dma_wait3A_687 = tpu.memref_slice %arg2[%dma_wait3A_685, %dma_wait3A_686] : memref<100096x16xbf16, #tpu.memory_space<hbm>> -> memref<128x16xbf16, #tpu.memory_space<hbm>>
      %dma_wait3A_688 = arith.constant 0 : i32
      %dma_wait3A_689 = arith.constant 0 : i32
      %dma_wait3A_690 = tpu.memref_slice %arg8[%dma_wait3A_680, %dma_wait3A_688, %dma_wait3A_689] : memref<12x128x16xbf16, #tpu.memory_space<vmem>> -> memref<1x128x16xbf16, #tpu.memory_space<vmem>>
      %dma_wait3A_691 = tpu.memref_squeeze %dma_wait3A_690 : memref<1x128x16xbf16, #tpu.memory_space<vmem>> -> memref<128x16xbf16, #tpu.memory_space<vmem>>
      %dma_wait3A_692 = arith.constant 0 : i32
      %dma_wait3A_693 = arith.constant 0 : i32
      %dma_wait3A_694 = tpu.memref_slice %arg2[%dma_wait3A_692, %dma_wait3A_693] : memref<100096x16xbf16, #tpu.memory_space<hbm>> -> memref<128x16xbf16, #tpu.memory_space<hbm>>
      tpu.wait_dma2 semaphore(%arg11 : memref<!tpu.dma_semaphore, #tpu.memory_space<semaphore_mem>>) src(%dma_wait3A_694 : memref<128x16xbf16, #tpu.memory_space<hbm>>) dst(%dma_wait3A_691 : memref<128x16xbf16, #tpu.memory_space<vmem>>)
    } else {
    }
    %gt3A_670 = arith.constant 5 : i32
    %gt3A_671 = arith.cmpi sgt, %add3A_606, %gt3A_670 : i32
    %convert_element_type3A_672 = arith.extui %gt3A_671 : i1 to i32
    %cond3A_673 = arith.constant 0 : i32
    %cond3A_674 = arith.cmpi ne, %convert_element_type3A_672, %cond3A_673 : i32
    scf.if %cond3A_674 {
      %dma_wait3A_680 = arith.constant 0 : i32
      %dma_wait3A_681 = arith.constant 0 : i32
      %dma_wait3A_682 = arith.constant 0 : i32
      %dma_wait3A_683 = tpu.memref_slice %arg8[%dma_wait3A_680, %dma_wait3A_681, %dma_wait3A_682] : memref<12x128x16xbf16, #tpu.memory_space<vmem>> -> memref<1x128x16xbf16, #tpu.memory_space<vmem>>
      %dma_wait3A_684 = tpu.memref_squeeze %dma_wait3A_683 : memref<1x128x16xbf16, #tpu.memory_space<vmem>> -> memref<128x16xbf16, #tpu.memory_space<vmem>>
      %dma_wait3A_685 = arith.constant 0 : i32
      %dma_wait3A_686 = arith.constant 0 : i32
      %dma_wait3A_687 = tpu.memref_slice %arg2[%dma_wait3A_685, %dma_wait3A_686] : memref<100096x16xbf16, #tpu.memory_space<hbm>> -> memref<128x16xbf16, #tpu.memory_space<hbm>>
      %dma_wait3A_688 = arith.constant 0 : i32
      %dma_wait3A_689 = arith.constant 0 : i32
      %dma_wait3A_690 = tpu.memref_slice %arg8[%dma_wait3A_680, %dma_wait3A_688, %dma_wait3A_689] : memref<12x128x16xbf16, #tpu.memory_space<vmem>> -> memref<1x128x16xbf16, #tpu.memory_space<vmem>>
      %dma_wait3A_691 = tpu.memref_squeeze %dma_wait3A_690 : memref<1x128x16xbf16, #tpu.memory_space<vmem>> -> memref<128x16xbf16, #tpu.memory_space<vmem>>
      %dma_wait3A_692 = arith.constant 0 : i32
      %dma_wait3A_693 = arith.constant 0 : i32
      %dma_wait3A_694 = tpu.memref_slice %arg2[%dma_wait3A_692, %dma_wait3A_693] : memref<100096x16xbf16, #tpu.memory_space<hbm>> -> memref<128x16xbf16, #tpu.memory_space<hbm>>
      tpu.wait_dma2 semaphore(%arg11 : memref<!tpu.dma_semaphore, #tpu.memory_space<semaphore_mem>>) src(%dma_wait3A_694 : memref<128x16xbf16, #tpu.memory_space<hbm>>) dst(%dma_wait3A_691 : memref<128x16xbf16, #tpu.memory_space<vmem>>)
    } else {
    }
    %barrier3A_675 = arith.constant 0 : index
    tpu.barrier barrier_id(%barrier3A_675)
    %mul3A_676 = arith.constant 6256 : i32
    %mul3A_677 = arith.muli %arg1, %mul3A_676 : i32
    %mul3A_678 = arith.constant 6256 : i32
    %mul3A_679 = arith.muli %arg1, %mul3A_678 : i32
    "tpu.region"() ({
      %run_scoped3A = tpu.sem_alloc : memref<!tpu.dma_semaphore, #tpu.memory_space<semaphore_mem>>
      %dma_start3A_680 = arith.constant 0 : i32
      %dma_start3A_681 = arith.constant 0 : i32
      %dma_start3A_682 = tpu.memref_slice %arg5[%arg0, %dma_start3A_680, %dma_start3A_681] : memref<2x100096x16xbf16, #tpu.memory_space<hbm>> -> memref<1x100096x16xbf16, #tpu.memory_space<hbm>>
      %dma_start3A_683 = tpu.memref_squeeze %dma_start3A_682 : memref<1x100096x16xbf16, #tpu.memory_space<hbm>> -> memref<100096x16xbf16, #tpu.memory_space<hbm>>
      %dma_start3A_684 = arith.constant 0 : i32
      %dma_start3A_685 = tpu.memref_slice %dma_start3A_683[%mul3A_679, %dma_start3A_684] : memref<100096x16xbf16, #tpu.memory_space<hbm>> -> memref<6256x16xbf16, #tpu.memory_space<hbm>>
      %dma_start3A_686 = arith.constant 0 : i32
      %dma_start3A_687 = tpu.memref_slice %arg9[%mul3A_677, %dma_start3A_686] : memref<100096x16xbf16, #tpu.memory_space<vmem_shared>> -> memref<6256x16xbf16, #tpu.memory_space<vmem_shared>>
      tpu.enqueue_dma source(%dma_start3A_687 : memref<6256x16xbf16, #tpu.memory_space<vmem_shared>>) target(%dma_start3A_685 : memref<6256x16xbf16, #tpu.memory_space<hbm>>) target_semaphore(%run_scoped3A : memref<!tpu.dma_semaphore, #tpu.memory_space<semaphore_mem>>)
      %dma_wait3A_688 = arith.constant 0 : i32
      %dma_wait3A_689 = arith.constant 0 : i32
      %dma_wait3A_690 = tpu.memref_slice %arg5[%arg0, %dma_wait3A_688, %dma_wait3A_689] : memref<2x100096x16xbf16, #tpu.memory_space<hbm>> -> memref<1x100096x16xbf16, #tpu.memory_space<hbm>>
      %dma_wait3A_691 = tpu.memref_squeeze %dma_wait3A_690 : memref<1x100096x16xbf16, #tpu.memory_space<hbm>> -> memref<100096x16xbf16, #tpu.memory_space<hbm>>
      %dma_wait3A_692 = arith.constant 0 : i32
      %dma_wait3A_693 = tpu.memref_slice %dma_wait3A_691[%mul3A_679, %dma_wait3A_692] : memref<100096x16xbf16, #tpu.memory_space<hbm>> -> memref<6256x16xbf16, #tpu.memory_space<hbm>>
      %dma_wait3A_694 = arith.constant 0 : i32
      %dma_wait3A_695 = tpu.memref_slice %arg9[%mul3A_677, %dma_wait3A_694] : memref<100096x16xbf16, #tpu.memory_space<vmem_shared>> -> memref<6256x16xbf16, #tpu.memory_space<vmem_shared>>
      tpu.wait_dma2 semaphore(%run_scoped3A : memref<!tpu.dma_semaphore, #tpu.memory_space<semaphore_mem>>) src(%dma_wait3A_695 : memref<6256x16xbf16, #tpu.memory_space<vmem_shared>>) dst(%dma_wait3A_693 : memref<6256x16xbf16, #tpu.memory_space<hbm>>)
      tpu.yield
    }) : () -> ()
    return
  }
}

module attributes {stable_mosaic.version = 14 : i64} {
  func.func @_pre_body(%arg0: i32, %arg1: memref<15x1280xf32, #tpu.memory_space<vmem>>, %arg2: memref<4x1280xf32, #tpu.memory_space<vmem>>, %arg3: memref<16x128xf32, #tpu.memory_space<vmem>>, %arg4: memref<1280x1280xf32, #tpu.memory_space<vmem>>, %arg5: memref<160x128xbf16, #tpu.memory_space<vmem>>, %arg6: memref<160x128xbf16, #tpu.memory_space<vmem>>, %arg7: memref<16x128xf32, #tpu.memory_space<vmem>>) attributes {dimension_semantics = [#tpu.dimension_semantics<arbitrary>], iteration_bounds = array<i64: 79>, scalar_prefetch = 0 : i64, scratch_operands = 0 : i64, tpu.core_type = #tpu.core_type<tc>, window_params = [{transform_indices = @transform_0, window_bounds = array<i64: 15, 1280>}, {transform_indices = @transform_1, window_bounds = array<i64: 4, 1280>}, {pipeline_mode = #tpu.pipeline_mode<synchronous>, transform_indices = @transform_2, window_bounds = array<i64: 16, 128>}, {pipeline_mode = #tpu.pipeline_mode<synchronous>, transform_indices = @transform_3, window_bounds = array<i64: 1280, 1280>}, {transform_indices = @transform_4, window_bounds = array<i64: 160, 128>}, {transform_indices = @transform_5, window_bounds = array<i64: 160, 128>}, {pipeline_mode = #tpu.pipeline_mode<synchronous>, transform_indices = @transform_6, window_bounds = array<i64: 16, 128>}]} {
    %get3A = arith.constant 0 : index
    %get3A_0 = arith.constant 0 : index
    %get3A_1 = vector.load %arg1[%get3A, %get3A_0] : memref<15x1280xf32, #tpu.memory_space<vmem>>, vector<15x1280xf32>
    %get3A_2 = arith.constant 0 : index
    %get3A_3 = arith.constant 0 : index
    %get3A_4 = vector.load %arg2[%get3A_2, %get3A_3] : memref<4x1280xf32, #tpu.memory_space<vmem>>, vector<4x1280xf32>
    %get3A_5 = arith.constant 0 : index
    %get3A_6 = arith.constant 0 : index
    %get3A_7 = vector.load %arg3[%get3A_5, %get3A_6] : memref<16x128xf32, #tpu.memory_space<vmem>>, vector<16x128xf32>
    %slice3A = vector.extract_strided_slice %get3A_7 {offsets = [0, 0], sizes = [16, 15], strides = [1, 1]} : vector<16x128xf32> to vector<16x15xf32>
    %slice3A_8 = vector.extract_strided_slice %get3A_7 {offsets = [0, 16], sizes = [16, 15], strides = [1, 1]} : vector<16x128xf32> to vector<16x15xf32>
    %slice3A_9 = vector.extract_strided_slice %get3A_7 {offsets = [0, 32], sizes = [16, 4], strides = [1, 1]} : vector<16x128xf32> to vector<16x4xf32>
    %slice3A_10 = vector.extract_strided_slice %get3A_7 {offsets = [0, 48], sizes = [16, 1], strides = [1, 1]} : vector<16x128xf32> to vector<16x1xf32>
    %slice3A_11 = vector.extract_strided_slice %get3A_7 {offsets = [0, 49], sizes = [16, 1], strides = [1, 1]} : vector<16x128xf32> to vector<16x1xf32>
    %dot_general3A = arith.constant dense<0.000000e+00> : vector<16x1280xf32>
    %dot_general3A_12 = tpu.matmul %slice3A, %get3A_1, %dot_general3A {dimension_numbers = #tpu.dot_dimension_numbers<[1], [0], [0], [1], [0, 0, 1, 1], [], []>, transpose_lhs_hint = false} : vector<16x15xf32>, vector<15x1280xf32>, vector<16x1280xf32> -> vector<16x1280xf32>
    %add3A = vector.broadcast %slice3A_10 : vector<16x1xf32> to vector<16x1280xf32>
    %add3A_13 = arith.addf %dot_general3A_12, %add3A : vector<16x1280xf32>
    %max3A = arith.constant 0.000000e+00 : f32
    %max3A_14 = vector.broadcast %max3A : f32 to vector<16x1280xf32>
    %max3A_15 = arith.maximumf %add3A_13, %max3A_14 : vector<16x1280xf32>
    %dot_general3A_16 = arith.constant dense<0.000000e+00> : vector<16x1280xf32>
    %dot_general3A_17 = tpu.matmul %slice3A_8, %get3A_1, %dot_general3A_16 {dimension_numbers = #tpu.dot_dimension_numbers<[1], [0], [0], [1], [0, 0, 1, 1], [], []>, transpose_lhs_hint = false} : vector<16x15xf32>, vector<15x1280xf32>, vector<16x1280xf32> -> vector<16x1280xf32>
    %dot_general3A_18 = arith.constant dense<0.000000e+00> : vector<16x1280xf32>
    %dot_general3A_19 = tpu.matmul %slice3A_9, %get3A_4, %dot_general3A_18 {dimension_numbers = #tpu.dot_dimension_numbers<[1], [0], [0], [1], [0, 0, 1, 1], [], []>, transpose_lhs_hint = false} : vector<16x4xf32>, vector<4x1280xf32>, vector<16x1280xf32> -> vector<16x1280xf32>
    %add3A_20 = arith.addf %dot_general3A_17, %dot_general3A_19 : vector<16x1280xf32>
    %add3A_21 = vector.broadcast %slice3A_11 : vector<16x1xf32> to vector<16x1280xf32>
    %add3A_22 = arith.addf %add3A_20, %add3A_21 : vector<16x1280xf32>
    %get3A_23 = arith.constant 0 : index
    %get3A_24 = arith.constant 0 : index
    %get3A_25 = vector.load %arg4[%get3A_23, %get3A_24] : memref<1280x1280xf32, #tpu.memory_space<vmem>>, vector<1280x1280xf32>
    %transpose3A = tpu.transpose %max3A_15, [1, 0] : vector<16x1280xf32> -> vector<1280x16xf32>
    %transpose3A_26 = tpu.transpose %add3A_22, [1, 0] : vector<16x1280xf32> -> vector<1280x16xf32>
    %slice3A_27 = vector.extract_strided_slice %get3A_25 {offsets = [0, 0], sizes = [160, 1280], strides = [1, 1]} : vector<1280x1280xf32> to vector<160x1280xf32>
    %dot_general3A_28 = arith.constant dense<0.000000e+00> : vector<160x16xf32>
    %dot_general3A_29 = tpu.matmul %slice3A_27, %transpose3A, %dot_general3A_28 {dimension_numbers = #tpu.dot_dimension_numbers<[1], [0], [0], [1], [0, 0, 1, 1], [], []>, transpose_lhs_hint = false} : vector<160x1280xf32>, vector<1280x16xf32>, vector<160x16xf32> -> vector<160x16xf32>
    %slice3A_30 = vector.extract_strided_slice %get3A_25 {offsets = [160, 0], sizes = [160, 1280], strides = [1, 1]} : vector<1280x1280xf32> to vector<160x1280xf32>
    %dot_general3A_31 = arith.constant dense<0.000000e+00> : vector<160x16xf32>
    %dot_general3A_32 = tpu.matmul %slice3A_30, %transpose3A, %dot_general3A_31 {dimension_numbers = #tpu.dot_dimension_numbers<[1], [0], [0], [1], [0, 0, 1, 1], [], []>, transpose_lhs_hint = false} : vector<160x1280xf32>, vector<1280x16xf32>, vector<160x16xf32> -> vector<160x16xf32>
    %slice3A_33 = vector.extract_strided_slice %get3A_25 {offsets = [320, 0], sizes = [160, 1280], strides = [1, 1]} : vector<1280x1280xf32> to vector<160x1280xf32>
    %dot_general3A_34 = arith.constant dense<0.000000e+00> : vector<160x16xf32>
    %dot_general3A_35 = tpu.matmul %slice3A_33, %transpose3A, %dot_general3A_34 {dimension_numbers = #tpu.dot_dimension_numbers<[1], [0], [0], [1], [0, 0, 1, 1], [], []>, transpose_lhs_hint = false} : vector<160x1280xf32>, vector<1280x16xf32>, vector<160x16xf32> -> vector<160x16xf32>
    %slice3A_36 = vector.extract_strided_slice %get3A_25 {offsets = [480, 0], sizes = [160, 1280], strides = [1, 1]} : vector<1280x1280xf32> to vector<160x1280xf32>
    %dot_general3A_37 = arith.constant dense<0.000000e+00> : vector<160x16xf32>
    %dot_general3A_38 = tpu.matmul %slice3A_36, %transpose3A, %dot_general3A_37 {dimension_numbers = #tpu.dot_dimension_numbers<[1], [0], [0], [1], [0, 0, 1, 1], [], []>, transpose_lhs_hint = false} : vector<160x1280xf32>, vector<1280x16xf32>, vector<160x16xf32> -> vector<160x16xf32>
    %slice3A_39 = vector.extract_strided_slice %get3A_25 {offsets = [640, 0], sizes = [160, 1280], strides = [1, 1]} : vector<1280x1280xf32> to vector<160x1280xf32>
    %dot_general3A_40 = arith.constant dense<0.000000e+00> : vector<160x16xf32>
    %dot_general3A_41 = tpu.matmul %slice3A_39, %transpose3A, %dot_general3A_40 {dimension_numbers = #tpu.dot_dimension_numbers<[1], [0], [0], [1], [0, 0, 1, 1], [], []>, transpose_lhs_hint = false} : vector<160x1280xf32>, vector<1280x16xf32>, vector<160x16xf32> -> vector<160x16xf32>
    %slice3A_42 = vector.extract_strided_slice %get3A_25 {offsets = [800, 0], sizes = [160, 1280], strides = [1, 1]} : vector<1280x1280xf32> to vector<160x1280xf32>
    %dot_general3A_43 = arith.constant dense<0.000000e+00> : vector<160x16xf32>
    %dot_general3A_44 = tpu.matmul %slice3A_42, %transpose3A, %dot_general3A_43 {dimension_numbers = #tpu.dot_dimension_numbers<[1], [0], [0], [1], [0, 0, 1, 1], [], []>, transpose_lhs_hint = false} : vector<160x1280xf32>, vector<1280x16xf32>, vector<160x16xf32> -> vector<160x16xf32>
    %slice3A_45 = vector.extract_strided_slice %get3A_25 {offsets = [960, 0], sizes = [160, 1280], strides = [1, 1]} : vector<1280x1280xf32> to vector<160x1280xf32>
    %dot_general3A_46 = arith.constant dense<0.000000e+00> : vector<160x16xf32>
    %dot_general3A_47 = tpu.matmul %slice3A_45, %transpose3A, %dot_general3A_46 {dimension_numbers = #tpu.dot_dimension_numbers<[1], [0], [0], [1], [0, 0, 1, 1], [], []>, transpose_lhs_hint = false} : vector<160x1280xf32>, vector<1280x16xf32>, vector<160x16xf32> -> vector<160x16xf32>
    %slice3A_48 = vector.extract_strided_slice %get3A_25 {offsets = [1120, 0], sizes = [160, 1280], strides = [1, 1]} : vector<1280x1280xf32> to vector<160x1280xf32>
    %dot_general3A_49 = arith.constant dense<0.000000e+00> : vector<160x16xf32>
    %dot_general3A_50 = tpu.matmul %slice3A_48, %transpose3A, %dot_general3A_49 {dimension_numbers = #tpu.dot_dimension_numbers<[1], [0], [0], [1], [0, 0, 1, 1], [], []>, transpose_lhs_hint = false} : vector<160x1280xf32>, vector<1280x16xf32>, vector<160x16xf32> -> vector<160x16xf32>
    %concatenate3A = tpu.concatenate %dot_general3A_29, %dot_general3A_32, %dot_general3A_35, %dot_general3A_38, %dot_general3A_41, %dot_general3A_44, %dot_general3A_47, %dot_general3A_50 in 1 : vector<160x16xf32>, vector<160x16xf32>, vector<160x16xf32>, vector<160x16xf32>, vector<160x16xf32>, vector<160x16xf32>, vector<160x16xf32>, vector<160x16xf32> -> vector<160x128xf32>
    %convert_element_type3A = arith.truncf %concatenate3A : vector<160x128xf32> to vector<160x128xbf16>
    %swap3A = arith.constant 0 : index
    %swap3A_51 = arith.constant 0 : index
    %swap3A_52 = vector.load %arg5[%swap3A, %swap3A_51] : memref<160x128xbf16, #tpu.memory_space<vmem>>, vector<160x128xbf16>
    tpu.vector_store %arg5[%swap3A, %swap3A_51], %convert_element_type3A {strides = array<i32>} : memref<160x128xbf16, #tpu.memory_space<vmem>>, vector<160x128xbf16>,
    %slice3A_53 = vector.extract_strided_slice %get3A_25 {offsets = [0, 0], sizes = [160, 1280], strides = [1, 1]} : vector<1280x1280xf32> to vector<160x1280xf32>
    %dot_general3A_54 = arith.constant dense<0.000000e+00> : vector<160x16xf32>
    %dot_general3A_55 = tpu.matmul %slice3A_53, %transpose3A_26, %dot_general3A_54 {dimension_numbers = #tpu.dot_dimension_numbers<[1], [0], [0], [1], [0, 0, 1, 1], [], []>, transpose_lhs_hint = false} : vector<160x1280xf32>, vector<1280x16xf32>, vector<160x16xf32> -> vector<160x16xf32>
    %slice3A_56 = vector.extract_strided_slice %get3A_25 {offsets = [160, 0], sizes = [160, 1280], strides = [1, 1]} : vector<1280x1280xf32> to vector<160x1280xf32>
    %dot_general3A_57 = arith.constant dense<0.000000e+00> : vector<160x16xf32>
    %dot_general3A_58 = tpu.matmul %slice3A_56, %transpose3A_26, %dot_general3A_57 {dimension_numbers = #tpu.dot_dimension_numbers<[1], [0], [0], [1], [0, 0, 1, 1], [], []>, transpose_lhs_hint = false} : vector<160x1280xf32>, vector<1280x16xf32>, vector<160x16xf32> -> vector<160x16xf32>
    %slice3A_59 = vector.extract_strided_slice %get3A_25 {offsets = [320, 0], sizes = [160, 1280], strides = [1, 1]} : vector<1280x1280xf32> to vector<160x1280xf32>
    %dot_general3A_60 = arith.constant dense<0.000000e+00> : vector<160x16xf32>
    %dot_general3A_61 = tpu.matmul %slice3A_59, %transpose3A_26, %dot_general3A_60 {dimension_numbers = #tpu.dot_dimension_numbers<[1], [0], [0], [1], [0, 0, 1, 1], [], []>, transpose_lhs_hint = false} : vector<160x1280xf32>, vector<1280x16xf32>, vector<160x16xf32> -> vector<160x16xf32>
    %slice3A_62 = vector.extract_strided_slice %get3A_25 {offsets = [480, 0], sizes = [160, 1280], strides = [1, 1]} : vector<1280x1280xf32> to vector<160x1280xf32>
    %dot_general3A_63 = arith.constant dense<0.000000e+00> : vector<160x16xf32>
    %dot_general3A_64 = tpu.matmul %slice3A_62, %transpose3A_26, %dot_general3A_63 {dimension_numbers = #tpu.dot_dimension_numbers<[1], [0], [0], [1], [0, 0, 1, 1], [], []>, transpose_lhs_hint = false} : vector<160x1280xf32>, vector<1280x16xf32>, vector<160x16xf32> -> vector<160x16xf32>
    %slice3A_65 = vector.extract_strided_slice %get3A_25 {offsets = [640, 0], sizes = [160, 1280], strides = [1, 1]} : vector<1280x1280xf32> to vector<160x1280xf32>
    %dot_general3A_66 = arith.constant dense<0.000000e+00> : vector<160x16xf32>
    %dot_general3A_67 = tpu.matmul %slice3A_65, %transpose3A_26, %dot_general3A_66 {dimension_numbers = #tpu.dot_dimension_numbers<[1], [0], [0], [1], [0, 0, 1, 1], [], []>, transpose_lhs_hint = false} : vector<160x1280xf32>, vector<1280x16xf32>, vector<160x16xf32> -> vector<160x16xf32>
    %slice3A_68 = vector.extract_strided_slice %get3A_25 {offsets = [800, 0], sizes = [160, 1280], strides = [1, 1]} : vector<1280x1280xf32> to vector<160x1280xf32>
    %dot_general3A_69 = arith.constant dense<0.000000e+00> : vector<160x16xf32>
    %dot_general3A_70 = tpu.matmul %slice3A_68, %transpose3A_26, %dot_general3A_69 {dimension_numbers = #tpu.dot_dimension_numbers<[1], [0], [0], [1], [0, 0, 1, 1], [], []>, transpose_lhs_hint = false} : vector<160x1280xf32>, vector<1280x16xf32>, vector<160x16xf32> -> vector<160x16xf32>
    %slice3A_71 = vector.extract_strided_slice %get3A_25 {offsets = [960, 0], sizes = [160, 1280], strides = [1, 1]} : vector<1280x1280xf32> to vector<160x1280xf32>
    %dot_general3A_72 = arith.constant dense<0.000000e+00> : vector<160x16xf32>
    %dot_general3A_73 = tpu.matmul %slice3A_71, %transpose3A_26, %dot_general3A_72 {dimension_numbers = #tpu.dot_dimension_numbers<[1], [0], [0], [1], [0, 0, 1, 1], [], []>, transpose_lhs_hint = false} : vector<160x1280xf32>, vector<1280x16xf32>, vector<160x16xf32> -> vector<160x16xf32>
    %slice3A_74 = vector.extract_strided_slice %get3A_25 {offsets = [1120, 0], sizes = [160, 1280], strides = [1, 1]} : vector<1280x1280xf32> to vector<160x1280xf32>
    %dot_general3A_75 = arith.constant dense<0.000000e+00> : vector<160x16xf32>
    %dot_general3A_76 = tpu.matmul %slice3A_74, %transpose3A_26, %dot_general3A_75 {dimension_numbers = #tpu.dot_dimension_numbers<[1], [0], [0], [1], [0, 0, 1, 1], [], []>, transpose_lhs_hint = false} : vector<160x1280xf32>, vector<1280x16xf32>, vector<160x16xf32> -> vector<160x16xf32>
    %concatenate3A_77 = tpu.concatenate %dot_general3A_55, %dot_general3A_58, %dot_general3A_61, %dot_general3A_64, %dot_general3A_67, %dot_general3A_70, %dot_general3A_73, %dot_general3A_76 in 1 : vector<160x16xf32>, vector<160x16xf32>, vector<160x16xf32>, vector<160x16xf32>, vector<160x16xf32>, vector<160x16xf32>, vector<160x16xf32>, vector<160x16xf32> -> vector<160x128xf32>
    %convert_element_type3A_78 = arith.truncf %concatenate3A_77 : vector<160x128xf32> to vector<160x128xbf16>
    %swap3A_79 = arith.constant 0 : index
    %swap3A_80 = arith.constant 0 : index
    %swap3A_81 = vector.load %arg6[%swap3A_79, %swap3A_80] : memref<160x128xbf16, #tpu.memory_space<vmem>>, vector<160x128xbf16>
    tpu.vector_store %arg6[%swap3A_79, %swap3A_80], %convert_element_type3A_78 {strides = array<i32>} : memref<160x128xbf16, #tpu.memory_space<vmem>>, vector<160x128xbf16>,
    %mul3A = arith.constant 1280 : i32
    %mul3A_82 = arith.muli %arg0, %mul3A : i32
    %iota3A = tpu.iota {dimensions = array<i32: 1>} : vector<16x1280xi32>
    %add3A_83 = vector.broadcast %mul3A_82 : i32 to vector<16x1280xi32>
    %add3A_84 = arith.addi %add3A_83, %iota3A : vector<16x1280xi32>
    %lt3A = arith.constant 100000 : i32
    %lt3A_85 = vector.broadcast %lt3A : i32 to vector<16x1280xi32>
    %lt3A_86 = arith.cmpi slt, %add3A_84, %lt3A_85 : vector<16x1280xi32>
    %slice3A_87 = vector.extract_strided_slice %lt3A_86 {offsets = [0, 0], sizes = [15, 1280], strides = [1, 1]} : vector<16x1280xi1> to vector<15x1280xi1>
    %jit3A = arith.constant 0.000000e+00 : f32
    %broadcast_in_dim3A = vector.broadcast %jit3A : f32 to vector<15x1280xf32>
    %select_n3A = arith.select %slice3A_87, %get3A_1, %broadcast_in_dim3A : vector<15x1280xi1>, vector<15x1280xf32>
    %reduce_sum3A = arith.constant dense<0.000000e+00> : vector<15xf32>
    %reduce_sum3A_88 = vector.multi_reduction <add>, %select_n3A, %reduce_sum3A [1] : vector<15x1280xf32> to vector<15xf32>
    %broadcast_in_dim3A_89 = vector.shape_cast %reduce_sum3A_88 : vector<15xf32> to vector<15x1xf32>
    %slice3A_90 = vector.extract_strided_slice %lt3A_86 {offsets = [0, 0], sizes = [4, 1280], strides = [1, 1]} : vector<16x1280xi1> to vector<4x1280xi1>
    %jit3A_91 = arith.constant 0.000000e+00 : f32
    %broadcast_in_dim3A_92 = vector.broadcast %jit3A_91 : f32 to vector<4x1280xf32>
    %select_n3A_93 = arith.select %slice3A_90, %get3A_4, %broadcast_in_dim3A_92 : vector<4x1280xi1>, vector<4x1280xf32>
    %reduce_sum3A_94 = arith.constant dense<0.000000e+00> : vector<4xf32>
    %reduce_sum3A_95 = vector.multi_reduction <add>, %select_n3A_93, %reduce_sum3A_94 [1] : vector<4x1280xf32> to vector<4xf32>
    %broadcast_in_dim3A_96 = vector.shape_cast %reduce_sum3A_95 : vector<4xf32> to vector<4x1xf32>
    %broadcast_in_dim3A_97 = arith.constant 0.000000e+00 : f32
    %broadcast_in_dim3A_98 = vector.broadcast %broadcast_in_dim3A_97 : f32 to vector<1x1xf32>
    %concatenate3A_99 = tpu.concatenate %broadcast_in_dim3A_89, %broadcast_in_dim3A_98 in 0 : vector<15x1xf32>, vector<1x1xf32> -> vector<16x1xf32>
    %broadcast_in_dim3A_100 = arith.constant 0.000000e+00 : f32
    %broadcast_in_dim3A_101 = vector.broadcast %broadcast_in_dim3A_100 : f32 to vector<12x1xf32>
    %concatenate3A_102 = tpu.concatenate %broadcast_in_dim3A_96, %broadcast_in_dim3A_101 in 0 : vector<4x1xf32>, vector<12x1xf32> -> vector<16x1xf32>
    %broadcast_in_dim3A_103 = arith.constant 0.000000e+00 : f32
    %broadcast_in_dim3A_104 = vector.broadcast %broadcast_in_dim3A_103 : f32 to vector<16x1xf32>
    %broadcast_in_dim3A_105 = arith.constant 0.000000e+00 : f32
    %broadcast_in_dim3A_106 = vector.broadcast %broadcast_in_dim3A_105 : f32 to vector<16x125xf32>
    %concatenate3A_107 = tpu.concatenate %concatenate3A_99, %broadcast_in_dim3A_104, %concatenate3A_102, %broadcast_in_dim3A_106 in 1 : vector<16x1xf32>, vector<16x1xf32>, vector<16x1xf32>, vector<16x125xf32> -> vector<16x128xf32>
    %eq3A = arith.constant 0 : i32
    %eq3A_108 = arith.cmpi eq, %arg0, %eq3A : i32
    %convert_element_type3A_109 = arith.extui %eq3A_108 : i1 to i32
    %cond3A = arith.constant 0 : i32
    %cond3A_110 = arith.cmpi ne, %convert_element_type3A_109, %cond3A : i32
    scf.if %cond3A_110 {
      %swap3A_115 = arith.constant 0 : index
      %swap3A_116 = arith.constant 0 : index
      %swap3A_117 = vector.load %arg7[%swap3A_115, %swap3A_116] : memref<16x128xf32, #tpu.memory_space<vmem>>, vector<16x128xf32>
      tpu.vector_store %arg7[%swap3A_115, %swap3A_116], %concatenate3A_107 {strides = array<i32>} : memref<16x128xf32, #tpu.memory_space<vmem>>, vector<16x128xf32>,
    } else {
    }
    %gt3A = arith.constant 0 : i32
    %gt3A_111 = arith.cmpi sgt, %arg0, %gt3A : i32
    %convert_element_type3A_112 = arith.extui %gt3A_111 : i1 to i32
    %cond3A_113 = arith.constant 0 : i32
    %cond3A_114 = arith.cmpi ne, %convert_element_type3A_112, %cond3A_113 : i32
    scf.if %cond3A_114 {
      %get3A_115 = arith.constant 0 : index
      %get3A_116 = arith.constant 0 : index
      %get3A_117 = vector.load %arg7[%get3A_115, %get3A_116] : memref<16x128xf32, #tpu.memory_space<vmem>>, vector<16x128xf32>
      %add3A_118 = arith.addf %get3A_117, %concatenate3A_107 : vector<16x128xf32>
      %swap3A_119 = arith.constant 0 : index
      %swap3A_120 = arith.constant 0 : index
      %swap3A_121 = vector.load %arg7[%swap3A_119, %swap3A_120] : memref<16x128xf32, #tpu.memory_space<vmem>>, vector<16x128xf32>
      tpu.vector_store %arg7[%swap3A_119, %swap3A_120], %add3A_118 {strides = array<i32>} : memref<16x128xf32, #tpu.memory_space<vmem>>, vector<16x128xf32>,
    } else {
    }
    return
  }
  func.func @transform_0(%arg0: i32) -> (i32, i32) {
    %c0_i32 = arith.constant 0 : i32
    %c0_i32_0 = arith.constant 0 : i32
    return %c0_i32, %arg0 : i32, i32
  }
  func.func @transform_1(%arg0: i32) -> (i32, i32) {
    %c0_i32 = arith.constant 0 : i32
    %c0_i32_0 = arith.constant 0 : i32
    return %c0_i32, %arg0 : i32, i32
  }
  func.func @transform_2(%arg0: i32) -> (i32, i32) {
    %c0_i32 = arith.constant 0 : i32
    %c0_i32_0 = arith.constant 0 : i32
    %c0_i32_1 = arith.constant 0 : i32
    return %c0_i32, %c0_i32_0 : i32, i32
  }
  func.func @transform_3(%arg0: i32) -> (i32, i32) {
    %c0_i32 = arith.constant 0 : i32
    %c0_i32_0 = arith.constant 0 : i32
    %c0_i32_1 = arith.constant 0 : i32
    return %c0_i32, %c0_i32_0 : i32, i32
  }
  func.func @transform_4(%arg0: i32) -> (i32, i32) {
    %c0_i32 = arith.constant 0 : i32
    %c0_i32_0 = arith.constant 0 : i32
    return %arg0, %c0_i32 : i32, i32
  }
  func.func @transform_5(%arg0: i32) -> (i32, i32) {
    %c0_i32 = arith.constant 0 : i32
    %c0_i32_0 = arith.constant 0 : i32
    return %arg0, %c0_i32 : i32, i32
  }
  func.func @transform_6(%arg0: i32) -> (i32, i32) {
    %c0_i32 = arith.constant 0 : i32
    %c0_i32_0 = arith.constant 0 : i32
    %c0_i32_1 = arith.constant 0 : i32
    return %c0_i32, %c0_i32_0 : i32, i32
  }
}

module attributes {stable_mosaic.version = 14 : i64} {
  func.func @_layer_body(%arg0: i32, %arg1: memref<2x368x128xbf16, #tpu.memory_space<vmem>>, %arg2: memref<368x128xbf16, #tpu.memory_space<vmem>>, %arg3: memref<368x128xf32, #tpu.memory_space<vmem>>, %arg4: memref<368x128xbf16, #tpu.memory_space<vmem>>, %arg5: memref<128x128xf32, #tpu.memory_space<vmem>>, %arg6: memref<1x128xf32, #tpu.memory_space<vmem>>, %arg7: memref<368x128xbf16, #tpu.memory_space<vmem>>) attributes {dimension_semantics = [#tpu.dimension_semantics<arbitrary>], iteration_bounds = array<i64: 34>, scalar_prefetch = 0 : i64, scratch_operands = 0 : i64, tpu.core_type = #tpu.core_type<tc>, window_params = [{transform_indices = @transform_0, window_bounds = array<i64: 2, 368, 128>}, {transform_indices = @transform_1, window_bounds = array<i64: 368, 128>}, {transform_indices = @transform_2, window_bounds = array<i64: 368, 128>}, {transform_indices = @transform_3, window_bounds = array<i64: 368, 128>}, {pipeline_mode = #tpu.pipeline_mode<synchronous>, transform_indices = @transform_4, window_bounds = array<i64: 128, 128>}, {pipeline_mode = #tpu.pipeline_mode<synchronous>, transform_indices = @transform_5, window_bounds = array<i64: 1, 128>}, {transform_indices = @transform_6, window_bounds = array<i64: 368, 128>}]} {
    %get3A = arith.constant 0 : index
    %get3A_0 = arith.constant 0 : index
    %get3A_1 = vector.load %arg3[%get3A, %get3A_0] : memref<368x128xf32, #tpu.memory_space<vmem>>, vector<368x128xf32>
    %get3A_2 = arith.constant 0 : index
    %get3A_3 = arith.constant 0 : index
    %get3A_4 = arith.constant 0 : index
    %get3A_5 = vector.load %arg1[%get3A_2, %get3A_3, %get3A_4] : memref<2x368x128xbf16, #tpu.memory_space<vmem>>, vector<1x368x128xbf16>
    %get3A_6 = vector.shape_cast %get3A_5 : vector<1x368x128xbf16> to vector<368x128xbf16>
    %get3A_7 = arith.constant 1 : index
    %get3A_8 = arith.constant 0 : index
    %get3A_9 = arith.constant 0 : index
    %get3A_10 = vector.load %arg1[%get3A_7, %get3A_8, %get3A_9] : memref<2x368x128xbf16, #tpu.memory_space<vmem>>, vector<1x368x128xbf16>
    %get3A_11 = vector.shape_cast %get3A_10 : vector<1x368x128xbf16> to vector<368x128xbf16>
    %add3A = arith.addf %get3A_6, %get3A_11 : vector<368x128xbf16>
    %get3A_12 = arith.constant 0 : index
    %get3A_13 = arith.constant 0 : index
    %get3A_14 = vector.load %arg2[%get3A_12, %get3A_13] : memref<368x128xbf16, #tpu.memory_space<vmem>>, vector<368x128xbf16>
    %add3A_15 = arith.addf %add3A, %get3A_14 : vector<368x128xbf16>
    %convert_element_type3A = arith.extf %add3A_15 : vector<368x128xbf16> to vector<368x128xf32>
    %mul3A = arith.mulf %get3A_1, %convert_element_type3A : vector<368x128xf32>
    %get3A_16 = arith.constant 0 : index
    %get3A_17 = arith.constant 0 : index
    %get3A_18 = vector.load %arg6[%get3A_16, %get3A_17] : memref<1x128xf32, #tpu.memory_space<vmem>>, vector<1x128xf32>
    %add3A_19 = vector.broadcast %get3A_18 : vector<1x128xf32> to vector<368x128xf32>
    %add3A_20 = arith.addf %mul3A, %add3A_19 : vector<368x128xf32>
    %max3A = arith.constant 0.000000e+00 : f32
    %max3A_21 = vector.broadcast %max3A : f32 to vector<368x128xf32>
    %max3A_22 = arith.maximumf %add3A_20, %max3A_21 : vector<368x128xf32>
    %get3A_23 = arith.constant 0 : index
    %get3A_24 = arith.constant 0 : index
    %get3A_25 = vector.load %arg5[%get3A_23, %get3A_24] : memref<128x128xf32, #tpu.memory_space<vmem>>, vector<128x128xf32>
    %dot_general3A = arith.constant dense<0.000000e+00> : vector<368x128xf32>
    %dot_general3A_26 = tpu.matmul %max3A_22, %get3A_25, %dot_general3A {dimension_numbers = #tpu.dot_dimension_numbers<[1], [0], [0], [1], [0, 0, 1, 1], [], []>, transpose_lhs_hint = false} : vector<368x128xf32>, vector<128x128xf32>, vector<368x128xf32> -> vector<368x128xf32>
    %get3A_27 = arith.constant 0 : index
    %get3A_28 = arith.constant 0 : index
    %get3A_29 = vector.load %arg4[%get3A_27, %get3A_28] : memref<368x128xbf16, #tpu.memory_space<vmem>>, vector<368x128xbf16>
    %convert_element_type3A_30 = arith.extf %get3A_29 : vector<368x128xbf16> to vector<368x128xf32>
    %add3A_31 = arith.addf %dot_general3A_26, %convert_element_type3A_30 : vector<368x128xf32>
    %mul3A_32 = arith.mulf %add3A_31, %get3A_1 : vector<368x128xf32>
    %convert_element_type3A_33 = arith.truncf %mul3A_32 : vector<368x128xf32> to vector<368x128xbf16>
    %swap3A = arith.constant 0 : index
    %swap3A_34 = arith.constant 0 : index
    %swap3A_35 = vector.load %arg7[%swap3A, %swap3A_34] : memref<368x128xbf16, #tpu.memory_space<vmem>>, vector<368x128xbf16>
    tpu.vector_store %arg7[%swap3A, %swap3A_34], %convert_element_type3A_33 {strides = array<i32>} : memref<368x128xbf16, #tpu.memory_space<vmem>>, vector<368x128xbf16>,
    return
  }
  func.func @transform_0(%arg0: i32) -> (i32, i32, i32) {
    %c0_i32 = arith.constant 0 : i32
    %c0_i32_0 = arith.constant 0 : i32
    %c0_i32_1 = arith.constant 0 : i32
    return %c0_i32, %arg0, %c0_i32_0 : i32, i32, i32
  }
  func.func @transform_1(%arg0: i32) -> (i32, i32) {
    %c0_i32 = arith.constant 0 : i32
    %c0_i32_0 = arith.constant 0 : i32
    return %arg0, %c0_i32 : i32, i32
  }
  func.func @transform_2(%arg0: i32) -> (i32, i32) {
    %c0_i32 = arith.constant 0 : i32
    %c0_i32_0 = arith.constant 0 : i32
    return %arg0, %c0_i32 : i32, i32
  }
  func.func @transform_3(%arg0: i32) -> (i32, i32) {
    %c0_i32 = arith.constant 0 : i32
    %c0_i32_0 = arith.constant 0 : i32
    return %arg0, %c0_i32 : i32, i32
  }
  func.func @transform_4(%arg0: i32) -> (i32, i32) {
    %c0_i32 = arith.constant 0 : i32
    %c0_i32_0 = arith.constant 0 : i32
    %c0_i32_1 = arith.constant 0 : i32
    return %c0_i32, %c0_i32_0 : i32, i32
  }
  func.func @transform_5(%arg0: i32) -> (i32, i32) {
    %c0_i32 = arith.constant 0 : i32
    %c0_i32_0 = arith.constant 0 : i32
    %c0_i32_1 = arith.constant 0 : i32
    return %c0_i32, %c0_i32_0 : i32, i32
  }
  func.func @transform_6(%arg0: i32) -> (i32, i32) {
    %c0_i32 = arith.constant 0 : i32
    %c0_i32_0 = arith.constant 0 : i32
    return %arg0, %c0_i32 : i32, i32
  }
}

module attributes {stable_mosaic.version = 14 : i64} {
  func.func @_y0_body(%arg0: i32, %arg1: memref<2x368x128xbf16, #tpu.memory_space<vmem>>, %arg2: memref<368x128xbf16, #tpu.memory_space<vmem>>, %arg3: memref<368x128xbf16, #tpu.memory_space<vmem>>, %arg4: memref<128x128xf32, #tpu.memory_space<vmem>>, %arg5: memref<128x128xf32, #tpu.memory_space<vmem>>, %arg6: memref<368x128xf32, #tpu.memory_space<vmem>>, %arg7: memref<368x128xbf16, #tpu.memory_space<vmem>>) attributes {dimension_semantics = [#tpu.dimension_semantics<arbitrary>], iteration_bounds = array<i64: 34>, scalar_prefetch = 0 : i64, scratch_operands = 0 : i64, tpu.core_type = #tpu.core_type<tc>, window_params = [{transform_indices = @transform_0, window_bounds = array<i64: 2, 368, 128>}, {transform_indices = @transform_1, window_bounds = array<i64: 368, 128>}, {transform_indices = @transform_2, window_bounds = array<i64: 368, 128>}, {pipeline_mode = #tpu.pipeline_mode<synchronous>, transform_indices = @transform_3, window_bounds = array<i64: 128, 128>}, {pipeline_mode = #tpu.pipeline_mode<synchronous>, transform_indices = @transform_4, window_bounds = array<i64: 128, 128>}, {transform_indices = @transform_5, window_bounds = array<i64: 368, 128>}, {transform_indices = @transform_6, window_bounds = array<i64: 368, 128>}]} {
    %get3A = arith.constant 0 : index
    %get3A_0 = arith.constant 0 : index
    %get3A_1 = arith.constant 0 : index
    %get3A_2 = vector.load %arg1[%get3A, %get3A_0, %get3A_1] : memref<2x368x128xbf16, #tpu.memory_space<vmem>>, vector<1x368x128xbf16>
    %get3A_3 = vector.shape_cast %get3A_2 : vector<1x368x128xbf16> to vector<368x128xbf16>
    %get3A_4 = arith.constant 1 : index
    %get3A_5 = arith.constant 0 : index
    %get3A_6 = arith.constant 0 : index
    %get3A_7 = vector.load %arg1[%get3A_4, %get3A_5, %get3A_6] : memref<2x368x128xbf16, #tpu.memory_space<vmem>>, vector<1x368x128xbf16>
    %get3A_8 = vector.shape_cast %get3A_7 : vector<1x368x128xbf16> to vector<368x128xbf16>
    %add3A = arith.addf %get3A_3, %get3A_8 : vector<368x128xbf16>
    %convert_element_type3A = arith.extf %add3A : vector<368x128xbf16> to vector<368x128xf32>
    %get3A_9 = arith.constant 0 : index
    %get3A_10 = arith.constant 0 : index
    %get3A_11 = vector.load %arg4[%get3A_9, %get3A_10] : memref<128x128xf32, #tpu.memory_space<vmem>>, vector<128x128xf32>
    %dot_general3A = arith.constant dense<0.000000e+00> : vector<368x128xf32>
    %dot_general3A_12 = tpu.matmul %convert_element_type3A, %get3A_11, %dot_general3A {dimension_numbers = #tpu.dot_dimension_numbers<[1], [0], [0], [1], [0, 0, 1, 1], [], []>, transpose_lhs_hint = false} : vector<368x128xf32>, vector<128x128xf32>, vector<368x128xf32> -> vector<368x128xf32>
    %add3A_13 = arith.constant 1.000000e+00 : f32
    %add3A_14 = vector.broadcast %add3A_13 : f32 to vector<368x128xf32>
    %add3A_15 = arith.addf %dot_general3A_12, %add3A_14 : vector<368x128xf32>
    %rsqrt3A = math.rsqrt %add3A_15 : vector<368x128xf32>
    %swap3A = arith.constant 0 : index
    %swap3A_16 = arith.constant 0 : index
    %swap3A_17 = vector.load %arg6[%swap3A, %swap3A_16] : memref<368x128xf32, #tpu.memory_space<vmem>>, vector<368x128xf32>
    tpu.vector_store %arg6[%swap3A, %swap3A_16], %rsqrt3A {strides = array<i32>} : memref<368x128xf32, #tpu.memory_space<vmem>>, vector<368x128xf32>,
    %get3A_18 = arith.constant 0 : index
    %get3A_19 = arith.constant 0 : index
    %get3A_20 = vector.load %arg2[%get3A_18, %get3A_19] : memref<368x128xbf16, #tpu.memory_space<vmem>>, vector<368x128xbf16>
    %convert_element_type3A_21 = arith.extf %get3A_20 : vector<368x128xbf16> to vector<368x128xf32>
    %get3A_22 = arith.constant 0 : index
    %get3A_23 = arith.constant 0 : index
    %get3A_24 = vector.load %arg5[%get3A_22, %get3A_23] : memref<128x128xf32, #tpu.memory_space<vmem>>, vector<128x128xf32>
    %dot_general3A_25 = arith.constant dense<0.000000e+00> : vector<368x128xf32>
    %dot_general3A_26 = tpu.matmul %convert_element_type3A_21, %get3A_24, %dot_general3A_25 {dimension_numbers = #tpu.dot_dimension_numbers<[1], [0], [0], [1], [0, 0, 1, 1], [], []>, transpose_lhs_hint = false} : vector<368x128xf32>, vector<128x128xf32>, vector<368x128xf32> -> vector<368x128xf32>
    %get3A_27 = arith.constant 0 : index
    %get3A_28 = arith.constant 0 : index
    %get3A_29 = vector.load %arg3[%get3A_27, %get3A_28] : memref<368x128xbf16, #tpu.memory_space<vmem>>, vector<368x128xbf16>
    %convert_element_type3A_30 = arith.extf %get3A_29 : vector<368x128xbf16> to vector<368x128xf32>
    %add3A_31 = arith.addf %dot_general3A_26, %convert_element_type3A_30 : vector<368x128xf32>
    %mul3A = arith.mulf %add3A_31, %rsqrt3A : vector<368x128xf32>
    %convert_element_type3A_32 = arith.truncf %mul3A : vector<368x128xf32> to vector<368x128xbf16>
    %swap3A_33 = arith.constant 0 : index
    %swap3A_34 = arith.constant 0 : index
    %swap3A_35 = vector.load %arg7[%swap3A_33, %swap3A_34] : memref<368x128xbf16, #tpu.memory_space<vmem>>, vector<368x128xbf16>
    tpu.vector_store %arg7[%swap3A_33, %swap3A_34], %convert_element_type3A_32 {strides = array<i32>} : memref<368x128xbf16, #tpu.memory_space<vmem>>, vector<368x128xbf16>,
    return
  }
  func.func @transform_0(%arg0: i32) -> (i32, i32, i32) {
    %c0_i32 = arith.constant 0 : i32
    %c0_i32_0 = arith.constant 0 : i32
    %c0_i32_1 = arith.constant 0 : i32
    return %c0_i32, %arg0, %c0_i32_0 : i32, i32, i32
  }
  func.func @transform_1(%arg0: i32) -> (i32, i32) {
    %c0_i32 = arith.constant 0 : i32
    %c0_i32_0 = arith.constant 0 : i32
    return %arg0, %c0_i32 : i32, i32
  }
  func.func @transform_2(%arg0: i32) -> (i32, i32) {
    %c0_i32 = arith.constant 0 : i32
    %c0_i32_0 = arith.constant 0 : i32
    return %arg0, %c0_i32 : i32, i32
  }
  func.func @transform_3(%arg0: i32) -> (i32, i32) {
    %c0_i32 = arith.constant 0 : i32
    %c0_i32_0 = arith.constant 0 : i32
    %c0_i32_1 = arith.constant 0 : i32
    return %c0_i32, %c0_i32_0 : i32, i32
  }
  func.func @transform_4(%arg0: i32) -> (i32, i32) {
    %c0_i32 = arith.constant 0 : i32
    %c0_i32_0 = arith.constant 0 : i32
    %c0_i32_1 = arith.constant 0 : i32
    return %c0_i32, %c0_i32_0 : i32, i32
  }
  func.func @transform_5(%arg0: i32) -> (i32, i32) {
    %c0_i32 = arith.constant 0 : i32
    %c0_i32_0 = arith.constant 0 : i32
    return %arg0, %c0_i32 : i32, i32
  }
  func.func @transform_6(%arg0: i32) -> (i32, i32) {
    %c0_i32 = arith.constant 0 : i32
    %c0_i32_0 = arith.constant 0 : i32
    return %arg0, %c0_i32 : i32, i32
  }
}

module attributes {stable_mosaic.version = 14 : i64} {
  func.func @_final_body(%arg0: i32, %arg1: memref<2x368x128xbf16, #tpu.memory_space<vmem>>, %arg2: memref<368x128xbf16, #tpu.memory_space<vmem>>, %arg3: memref<368x128xf32, #tpu.memory_space<vmem>>, %arg4: memref<1x128xf32, #tpu.memory_space<vmem>>, %arg5: memref<1x128xf32, #tpu.memory_space<vmem>>) attributes {dimension_semantics = [#tpu.dimension_semantics<arbitrary>], iteration_bounds = array<i64: 34>, scalar_prefetch = 0 : i64, scratch_operands = 0 : i64, tpu.core_type = #tpu.core_type<tc>, window_params = [{transform_indices = @transform_0, window_bounds = array<i64: 2, 368, 128>}, {transform_indices = @transform_1, window_bounds = array<i64: 368, 128>}, {transform_indices = @transform_2, window_bounds = array<i64: 368, 128>}, {pipeline_mode = #tpu.pipeline_mode<synchronous>, transform_indices = @transform_3, window_bounds = array<i64: 1, 128>}, {pipeline_mode = #tpu.pipeline_mode<synchronous>, transform_indices = @transform_4, window_bounds = array<i64: 1, 128>}]} {
    %get3A = arith.constant 0 : index
    %get3A_0 = arith.constant 0 : index
    %get3A_1 = arith.constant 0 : index
    %get3A_2 = vector.load %arg1[%get3A, %get3A_0, %get3A_1] : memref<2x368x128xbf16, #tpu.memory_space<vmem>>, vector<1x368x128xbf16>
    %get3A_3 = vector.shape_cast %get3A_2 : vector<1x368x128xbf16> to vector<368x128xbf16>
    %get3A_4 = arith.constant 1 : index
    %get3A_5 = arith.constant 0 : index
    %get3A_6 = arith.constant 0 : index
    %get3A_7 = vector.load %arg1[%get3A_4, %get3A_5, %get3A_6] : memref<2x368x128xbf16, #tpu.memory_space<vmem>>, vector<1x368x128xbf16>
    %get3A_8 = vector.shape_cast %get3A_7 : vector<1x368x128xbf16> to vector<368x128xbf16>
    %add3A = arith.addf %get3A_3, %get3A_8 : vector<368x128xbf16>
    %get3A_9 = arith.constant 0 : index
    %get3A_10 = arith.constant 0 : index
    %get3A_11 = vector.load %arg2[%get3A_9, %get3A_10] : memref<368x128xbf16, #tpu.memory_space<vmem>>, vector<368x128xbf16>
    %add3A_12 = arith.addf %add3A, %get3A_11 : vector<368x128xbf16>
    %convert_element_type3A = arith.extf %add3A_12 : vector<368x128xbf16> to vector<368x128xf32>
    %get3A_13 = arith.constant 0 : index
    %get3A_14 = arith.constant 0 : index
    %get3A_15 = vector.load %arg3[%get3A_13, %get3A_14] : memref<368x128xf32, #tpu.memory_space<vmem>>, vector<368x128xf32>
    %mul3A = arith.mulf %get3A_15, %convert_element_type3A : vector<368x128xf32>
    %get3A_16 = arith.constant 0 : index
    %get3A_17 = arith.constant 0 : index
    %get3A_18 = vector.load %arg4[%get3A_16, %get3A_17] : memref<1x128xf32, #tpu.memory_space<vmem>>, vector<1x128xf32>
    %add3A_19 = vector.broadcast %get3A_18 : vector<1x128xf32> to vector<368x128xf32>
    %add3A_20 = arith.addf %mul3A, %add3A_19 : vector<368x128xf32>
    %max3A = arith.constant 0.000000e+00 : f32
    %max3A_21 = vector.broadcast %max3A : f32 to vector<368x128xf32>
    %max3A_22 = arith.maximumf %add3A_20, %max3A_21 : vector<368x128xf32>
    %mul3A_23 = arith.constant 368 : i32
    %mul3A_24 = arith.muli %arg0, %mul3A_23 : i32
    %iota3A = tpu.iota {dimensions = array<i32: 0>} : vector<368x128xi32>
    %add3A_25 = vector.broadcast %mul3A_24 : i32 to vector<368x128xi32>
    %add3A_26 = arith.addi %add3A_25, %iota3A : vector<368x128xi32>
    %lt3A = arith.constant 12500 : i32
    %lt3A_27 = vector.broadcast %lt3A : i32 to vector<368x128xi32>
    %lt3A_28 = arith.cmpi slt, %add3A_26, %lt3A_27 : vector<368x128xi32>
    %jit3A = arith.constant 0.000000e+00 : f32
    %broadcast_in_dim3A = vector.broadcast %jit3A : f32 to vector<368x128xf32>
    %select_n3A = arith.select %lt3A_28, %max3A_22, %broadcast_in_dim3A : vector<368x128xi1>, vector<368x128xf32>
    %reduce_sum3A = arith.constant dense<0.000000e+00> : vector<128xf32>
    %reduce_sum3A_29 = vector.multi_reduction <add>, %select_n3A, %reduce_sum3A [0] : vector<368x128xf32> to vector<128xf32>
    %broadcast_in_dim3A_30 = vector.shape_cast %reduce_sum3A_29 : vector<128xf32> to vector<1x128xf32>
    %eq3A = arith.constant 0 : i32
    %eq3A_31 = arith.cmpi eq, %arg0, %eq3A : i32
    %convert_element_type3A_32 = arith.extui %eq3A_31 : i1 to i32
    %cond3A = arith.constant 0 : i32
    %cond3A_33 = arith.cmpi ne, %convert_element_type3A_32, %cond3A : i32
    scf.if %cond3A_33 {
      %swap3A = arith.constant 0 : index
      %swap3A_38 = arith.constant 0 : index
      %swap3A_39 = vector.load %arg5[%swap3A, %swap3A_38] : memref<1x128xf32, #tpu.memory_space<vmem>>, vector<1x128xf32>
      tpu.vector_store %arg5[%swap3A, %swap3A_38], %broadcast_in_dim3A_30 {strides = array<i32>} : memref<1x128xf32, #tpu.memory_space<vmem>>, vector<1x128xf32>,
    } else {
    }
    %gt3A = arith.constant 0 : i32
    %gt3A_34 = arith.cmpi sgt, %arg0, %gt3A : i32
    %convert_element_type3A_35 = arith.extui %gt3A_34 : i1 to i32
    %cond3A_36 = arith.constant 0 : i32
    %cond3A_37 = arith.cmpi ne, %convert_element_type3A_35, %cond3A_36 : i32
    scf.if %cond3A_37 {
      %get3A_38 = arith.constant 0 : index
      %get3A_39 = arith.constant 0 : index
      %get3A_40 = vector.load %arg5[%get3A_38, %get3A_39] : memref<1x128xf32, #tpu.memory_space<vmem>>, vector<1x128xf32>
      %add3A_41 = arith.addf %get3A_40, %broadcast_in_dim3A_30 : vector<1x128xf32>
      %swap3A = arith.constant 0 : index
      %swap3A_42 = arith.constant 0 : index
      %swap3A_43 = vector.load %arg5[%swap3A, %swap3A_42] : memref<1x128xf32, #tpu.memory_space<vmem>>, vector<1x128xf32>
      tpu.vector_store %arg5[%swap3A, %swap3A_42], %add3A_41 {strides = array<i32>} : memref<1x128xf32, #tpu.memory_space<vmem>>, vector<1x128xf32>,
    } else {
    }
    return
  }
  func.func @transform_0(%arg0: i32) -> (i32, i32, i32) {
    %c0_i32 = arith.constant 0 : i32
    %c0_i32_0 = arith.constant 0 : i32
    %c0_i32_1 = arith.constant 0 : i32
    return %c0_i32, %arg0, %c0_i32_0 : i32, i32, i32
  }
  func.func @transform_1(%arg0: i32) -> (i32, i32) {
    %c0_i32 = arith.constant 0 : i32
    %c0_i32_0 = arith.constant 0 : i32
    return %arg0, %c0_i32 : i32, i32
  }
  func.func @transform_2(%arg0: i32) -> (i32, i32) {
    %c0_i32 = arith.constant 0 : i32
    %c0_i32_0 = arith.constant 0 : i32
    return %arg0, %c0_i32 : i32, i32
  }
  func.func @transform_3(%arg0: i32) -> (i32, i32) {
    %c0_i32 = arith.constant 0 : i32
    %c0_i32_0 = arith.constant 0 : i32
    %c0_i32_1 = arith.constant 0 : i32
    return %c0_i32, %c0_i32_0 : i32, i32
  }
  func.func @transform_4(%arg0: i32) -> (i32, i32) {
    %c0_i32 = arith.constant 0 : i32
    %c0_i32_0 = arith.constant 0 : i32
    %c0_i32_1 = arith.constant 0 : i32
    return %c0_i32, %c0_i32_0 : i32, i32
  }
}

</mosaic_0001>

<sc_bundles>
// kernel: closed_call.18.cloned.1.call-start
scs
__scs_entry_jumppad:
0x0: {  	(pc) =	sbr.rel $0x88, $3  }
0x1: {  	(tag) =	ssettag $0x0;
	lr =	simm.s32 $0x1  }
0x2: {  	[smem:$0x3F96] =	sst lr;
	_ =	strace $0xD0000000  }
0x3: {  	_ = 	snop  }
0x4: {  	_ = 	snop  }
0x5: {  	_ = 	snop  }
0x6: {  	_ = 	snop  }
0x7: {  	_ = 	snop  }
__scs_overlays_trampoline_lowered:
0x8: {  	[smem:$0x3FA5] =	sst s0  }
0x9: {  	[smem:$0x3FA6] =	sst s1  }
0xa: {  	[smem:$0x3FA7] =	sst s2  }
0xb: {  	[smem:$0x3FA8] =	sst s3  }
0xc: {  	[smem:$0x3FA9] =	sst s4  }
0xd: {  	[smem:$0x3FAA] =	sst s5  }
0xe: {  	[smem:$0x3FAB] =	sst s6  }
0xf: {  	[smem:$0x3FAC] =	sst s7  }
0x10: {  	[smem:$0x3FAD] =	sst s8  }
0x11: {  	[smem:$0x3FAE] =	sst s9;
	s0 =	simm.s32 @!p0 $0x0  }
0x12: {  	s1 =	sld [smem:$0x3F94];
	s0 =	simm.s32 @p0 $0x1  }
0x13: {  	[smem:$0x3FAF] =	sst s0;
	s0 =	simm.s32 @!p1 $0x0  }
0x14: {  	s2 =	sld [smem:$0x3F93];
	s0 =	simm.s32 @p1 $0x1  }
0x15: {  	[smem:$0x3FB0] =	sst s0;
	s0 =	simm.s32 @!p2 $0x0  }
0x16: {  	s3 =	sld [smem:$0x3FDB];
	s0 =	simm.s32 @p2 $0x1  }
0x17: {  	s4 =	simm.s32 $0x1BF5;
	[smem:$0x3FB2] =	sst s0  }
0x18: {  	s0 =	sld [smem:$0x3F95];
	_ =	swait.ge [sflag:s4], $0x0  }
0x19: {  	s7 =	sld [smem:$0x3F96]  }
0x1a: {  	s8 =	sadd.s32 $0xFFFFE003, lr  }
0x1b: {  	s9 =	sadd.s32 $0xFFFFFEF7, lr;
	s5 =	simm.s32 $0xFFFFFFFF;
	p2 =	slt.u32 s8, $0xFFFFF086  }
0x1c: {  	p1 =	slt.u32 s9, $0xF7A;
	s5 =	simm.s32 @!p2 $0x0  }
0x1d: {  	s5 =	simm.s32 @p1 $0x1;
	p0 =	seq.s32 s7, s2  }
0x1e: {  	s7 =	smul.u32 @!p0 $0xF7A, s2;
	p2 =	seq.s32 @!p0 s5, $0x0  }
0x1f: {  	s9 =	smul.u32 $0xF7A, s1;
	s8 =	simm.s32 @!p0 $0x1BF5;
	p2 =	por !p2, p0  }
0x20: {  	[sflag:s8] =	ssyncset.s32 @!p0 $0xFFFFF086;
	s6 =	sadd.s32 @!p0 s3, s7;
	s7 =	simm.s32 @!p0 $0x108  }
0x21: {  	s3 =	sadd.s32 s3, s9;
	s6 =	sadd.s32 @!p0 $0x88, s6;
	s7 =	simm.s32 @p2 $0x1082  }
0x22: {  	[simem:s7], [sflag:s8] =	dma.local @!p0 [hbm:s6], $0xF7A  }
0x23: {  	s9 =	sor.u32 $0xD0000000, s2;
	s6 =	simm.s32 $0x108;
	_ =	swait.ge @!p0 [sflag:s8], $0x0  }
0x24: {  	s3 =	sadd.s32 $0x88, s3;
	s6 =	simm.s32 @!p1 $0x1082;
	[sflag:s4] =	ssyncset.s32 $0xFFFFF086  }
0x25: {  	[simem:s6], [sflag:s4] =	dma.local [hbm:s3], $0xF7A  }
0x26: {  	[smem:$0x3F96] =	sst s1;
	(tag) =	ssettag s2;
	_ =	strace s9  }
0x27: {  	s1 =	sld [smem:$0x3FA6]  }
0x28: {  	s2 =	sld [smem:$0x3FA7]  }
0x29: {  	s4 =	sld [smem:$0x3FA9]  }
0x2a: {  	p0 =	seq.s32 s5, $0x0;
	s5 =	sld [smem:$0x3FAA]  }
0x2b: {  	s6 =	sld [smem:$0x3FAB]  }
0x2c: {  	s7 =	sld [smem:$0x3FAC]  }
0x2d: {  	s3 =	simm.s32 $0x108;
	s8 =	sld [smem:$0x3FAD]  }
0x2e: {  	s3 =	simm.s32 @!p0 $0x1082;
	s9 =	sld [smem:$0x3FAE]  }
0x2f: {  	lr =	sadd.s32 s0, s3;
	s0 =	sld [smem:$0x3FA5]  }
0x30: {  	s3 =	sld [smem:$0x3FA8]  }
0x31: {  	[smem:$0x3FB1] =	sst s10  }
0x32: {  	s10 =	sld [smem:$0x3FAF];
	_ =	sdelay $0x3  }
0x33: {  	p0 =	seq.s32 s10, $0x1;
	s10 =	sld [smem:$0x3FB1];
	_ =	sdelay $0x3  }
0x34: {  	[smem:$0x3FB1] =	sst s10  }
0x35: {  	s10 =	sld [smem:$0x3FB0];
	_ =	sdelay $0x3  }
0x36: {  	p1 =	seq.s32 s10, $0x1;
	s10 =	sld [smem:$0x3FB1];
	_ =	sdelay $0x3  }
0x37: {  	[smem:$0x3FB1] =	sst s10  }
0x38: {  	s10 =	sld [smem:$0x3FB2]  }
0x39: {  	_ = 	snop;
	(pc) =	sbr.ind lr, $3  }
0x3a: {  	_ = 	snop  }
0x3b: {  	_ = 	snop  }
0x3c: {  	p2 =	seq.s32 s10, $0x1;
	s10 =	sld [smem:$0x3FB1]  }
0x3d: {  	_ =	shalt  }
0x3e: {  	_ =	shalt  }
0x3f: {  	_ =	shalt  }
0x40: {  	_ =	shalt  }
0x41: {  	_ =	shalt  }
0x42: {  	_ =	shalt  }
0x43: {  	_ =	shalt  }
0x44: {  	_ =	shalt  }
0x45: {  	_ =	shalt  }
0x46: {  	_ =	shalt  }
0x47: {  	_ =	shalt  }
0x48: {  	_ =	shalt  }
0x49: {  	_ =	shalt  }
0x4a: {  	_ =	shalt  }
0x4b: {  	_ =	shalt  }
0x4c: {  	_ =	shalt  }
0x4d: {  	_ =	shalt  }
0x4e: {  	_ =	shalt  }
0x4f: {  	_ =	shalt  }
0x50: {  	_ =	shalt  }
0x51: {  	_ =	shalt  }
0x52: {  	_ =	shalt  }
0x53: {  	_ =	shalt  }
0x54: {  	_ =	shalt  }
0x55: {  	_ =	shalt  }
0x56: {  	_ =	shalt  }
0x57: {  	_ =	shalt  }
0x58: {  	_ =	shalt  }
0x59: {  	_ =	shalt  }
0x5a: {  	_ =	shalt  }
0x5b: {  	_ =	shalt  }
0x5c: {  	_ =	shalt  }
0x5d: {  	_ =	shalt  }
0x5e: {  	_ =	shalt  }
0x5f: {  	_ =	shalt  }
0x60: {  	_ =	shalt  }
0x61: {  	_ =	shalt  }
0x62: {  	_ =	shalt  }
0x63: {  	_ =	shalt  }
0x64: {  	_ =	shalt  }
0x65: {  	_ =	shalt  }
0x66: {  	_ =	shalt  }
0x67: {  	_ =	shalt  }
0x68: {  	_ =	shalt  }
0x69: {  	_ =	shalt  }
0x6a: {  	_ =	shalt  }
0x6b: {  	_ =	shalt  }
0x6c: {  	_ =	shalt  }
0x6d: {  	_ =	shalt  }
0x6e: {  	_ =	shalt  }
0x6f: {  	_ =	shalt  }
0x70: {  	_ =	shalt  }
0x71: {  	_ =	shalt  }
0x72: {  	_ =	shalt  }
0x73: {  	_ =	shalt  }
0x74: {  	_ =	shalt  }
0x75: {  	_ =	shalt  }
0x76: {  	_ =	shalt  }
0x77: {  	_ =	shalt  }
0x78: {  	_ =	shalt  }
0x79: {  	_ =	shalt  }
0x7a: {  	_ =	shalt  }
0x7b: {  	_ =	shalt  }
0x7c: {  	_ =	shalt  }
0x7d: {  	_ =	shalt  }
0x7e: {  	_ =	shalt  }
0x7f: {  	_ =	shalt  }
0x80: {  	_ =	shalt  }
0x81: {  	_ =	shalt  }
0x82: {  	_ =	shalt  }
0x83: {  	_ =	shalt  }
0x84: {  	_ =	shalt  }
0x85: {  	_ =	shalt  }
0x86: {  	_ =	shalt  }
0x87: {  	_ =	shalt  }
.Lfunc_end0:
.L_simem_size_0:
called_computation_lowered:
.L_overlay_start_0:
0x88: {  	s2 =	sld [smem:$0x3FD9]  }
0x89: {  	s3 =	sld [smem:$0x3FFE];
	_ =	sdelay $0x1  }
0x8a: {  	s1 =	srdreg.scid  }
0x8b: {  	s0 =	sand.u32 $0x1, s1  }
0x8c: {  	s16 =	sshll.u32 s0, $0xA;
	s2 =	sadd.s32 s3, s2  }
0x8d: {  	s2 =	sadd.s32 s2, s16  }
0x8e: {  	[smem:$0x3FBD] =	sst s2  }
0x8f: {  	_ = 	snop  }
0x90: {  	(tm) =	ssettm $0x1  }
0x91: {  	s17 =	sld [smem:$0x3FFB];
	_ =	sdelay $0x3  }
0x92: {  	_ =	strace s17  }
0x93: {  	s2 =	sld [smem:$0x3FFC];
	_ =	sdelay $0x3  }
0x94: {  	_ =	strace s2  }
0x95: {  	s2 =	sld [smem:$0x3FFD];
	_ =	sdelay $0x3  }
0x96: {  	_ =	strace s2  }
0x97: {  	_ =	strace $0x8FFFFFFF  }
0x98: {  	s18 =	sld [smem:$0x3FDB];
	_ =	sdelay $0x1  }
0x99: {  	s19 =	simm.s32 $_scs_section_size  }
0x9a: {  	s4 =	simm.s32 $_size__tile_overlayer_lowered;
	s5 =	simm.s32 $_tile_overlayer_lowered  }
0x9b: {  	s22 =	simm.s32 $0x1BFF;
	s21 =	sshll.u32 s5, $0x1;
	s2 =	sadd.s32 s19, s18  }
0x9c: {  	s6 =	simm.s32 $0x0;
	s20 =	sshll.u32 s4, $0x1;
	s4 =	sadd.s32 s21, s2  }
0x9d: {  	[timem:s6], [sflag:s22] =	dma.local [hbm:s4], s20  }
0x9e: {  	_ =	swait.ge [sflag:s22], s20  }
0x9f: {  	s3 =	ssub.s32 $0x0, s20;
	[sflag:s22] =	ssyncset.done $0x0  }
0xa0: {  	[sflag:s22] =	ssyncadd.s32 s3;
	_ =	sdelay $0x1  }
0xa1: {  	s23 =	simm.s32 $0x1B8B  }
0xa2: {  	_ =	swait.ge [sflag:s23], $0x1  }
0xa3: {  	[sflag:s23] =	ssyncset.done $0x0  }
0xa4: {  	s25 =	simm.s32 $0x1B8E;
	s24 =	sld [smem:$0x3FFE];
	[sflag:s23] =	ssyncadd.s32 $0xFFFFFFFF  }
0xa5: {  	s26 =	simm.s32 $execute0_lowered;
	[smem:$0x3FD2] =	sst s25  }
0xa6: {  	s4 =	sshll.u32 s26, $0x1;
	_ =	strace $0x80000046;
	[dreg:$0x1] =	wrdreg $0xFFFFFFFF  }
0xa7: {  	s28 =	simm.s32 $_size_execute0_lowered;
	s2 =	sadd.s32 s2, s4;
	[dreg:$0x0] =	wrdreg $0x0  }
0xa8: {  	s4 =	sshll.u32 s28, $0x1;
	[dreg:$0x2] =	wrdreg s2  }
0xa9: {  	[dreg:$0x3] =	wrdreg s4  }
0xaa: {  	[dreg:$0x4] =	wrdreg $0xC0  }
0xab: {  	_ =	task [dreg:s6], $0x5FFFF  }
0xac: {  	[dreg:$0x1] =	wrdreg $0xFFFFFFFF  }
0xad: {  	[dreg:$0x0] =	wrdreg $0x60  }
0xae: {  	[dreg:$0x2] =	wrdreg s24  }
0xaf: {  	[dreg:$0x3] =	wrdreg $0x92000  }
0xb0: {  	[dreg:$0x4] =	wrdreg $0x9  }
0xb1: {  	_ =	task.clear_ibuf [dreg:s6], $0x5FFFF;
	_ =	strace $0x90000046  }
0xb2: {  	s29 =	simm.s32 $0x9;
	_ =	strace $0x80000048  }
0xb3: {  	_ =	swait.ge [sflag:s29], $0x1  }
0xb4: {  	[sflag:s29] =	ssyncadd.s32 $0xFFFFFFFF  }
0xb5: {  	_ =	strace $0x90000048  }
0xb6: {  	_ =	sfence  }
0xb7: {  	s30 =	sld [smem:$0x0];
	_ =	sdelay $0x2  }
0xb8: {  	s31 =	sshll.u32 s1, $0xD;
	s1 =	sshrl.u32 s1, $0x2  }
0xb9: {  	s3 =	sand.u32 $0x4000, s31;
	s1 =	sadd.s32 s1, s30  }
0xba: {  	s0 =	sor.u32 s3, s0;
	s1 =	sshll.u32 s1, $0x11  }
0xbb: {  	s0 =	sor.u32 s1, s0  }
0xbc: {  	s0 =	sadd.s32 $0x8F2B, s0  }
0xbd: {  	[sflag:s0] =	ssyncadd.remote.s32 $0x1  }
0xbe: {  	_ =	sfence.sel $0xFFFF  }
0xbf: {  	[dreg:$0x0] =	wrdreg $0xFFFFFFFF;
	(pc) =	sbr.abs _section_cstart, $3  }
0xc0: {  	[dreg:$0x1] =	wrdreg $0xFFFFFFFF  }
0xc1: {  	_ =	task.clear_ibuf [dreg:s6], $0x2FFFF;
	_ =	strace $0x9FFFFFFF  }
0xc2: {  	(tm) =	ssettm $0x7FFFFFFF  }
0xc3: {  	_ =	shalt  }
tec
execute0_lowered:
.L_overlay_start_1:
0x0: {  	(tag) =	ssettag $0x1  }
0x1: {  	s0 =	rddreg [dreg:$0x0]  }
0x2: {  	s2 =	rddreg [dreg:$0x1]  }
0x3: {  	s3 =	simm.s32 $0x0;
	s13 =	stileid.u32;
	s5 =	srdreg.scid  }
0x4: {  	s14 =	simm.s32 $0x6A00;
	s15 =	simm.s32 $0x180;
	s16 =	simm.s32 $0x6E00  }
0x5: {  	s30 =	simm.s32 $0x7200;
	s31 =	simm.s32 $0x280;
	[smem:$0x7FF] =	sst s3  }
0x6: {  	s1 =	smul.u32 $0x18700, s13;
	s4 =	sadd.s32 $0x127C00, s0;
	s5 =	sand.u32 $0x1, s5  }
0x7: {  	s6 =	sadd.s32 $0x7C800, s0;
	s19 =	sshll.u32 s13, $0x6;
	_ =	strace $0x80000047  }
0x8: {  	s8 =	sshll.u32 s5, $0x4;
	s9 =	smul.u32 $0x18700, s5;
	s5 =	ssub.s32 $0x2, s5  }
0x9: {  	s7 =	sshrl.u32 s1, $0x4;
	s8 =	sor.u32 s13, s8;
	s11 =	sshrl.u32 s5, $0x1  }
0xa: {  	s1 =	sshrl.u32 s1, $0x1;
	s13 =	simm.s32 $0x100;
	s10 =	sadd.s32 s7, s0  }
0xb: {  	s12 =	smul.u32 $0xC300, s8;
	s0 =	sadd.s32 s9, s0;
	s5 =	ssub.s32 s5, s11  }
0xc: {  	s1 =	sadd.s32 s1, s2;
	s17 =	smul.u32 $0x1860, s8;
	s10 =	sadd.s32 $0x10F400, s10  }
0xd: {  	s0 =	sadd.s32 $0x140400, s0;
	s5 =	smax.u32 s5, $0x1;
	[dreg:$0x3] =	wrdreg s10  }
0xe: {  	s18 =	sshrl.u32 s12, $0x3;
	s9 =	sadd.s32 s6, s17;
	[dreg:$0xe] =	wrdreg s5  }
0xf: {  	s0 =	sadd.s32 s7, s0;
	s11 =	sadd.s32 s6, s18;
	[dreg:$0x4] =	wrdreg s9  }
0x10: {  	s23 =	sshll.u32 s8, $0x4;
	[dreg:$0xf] =	wrdreg s0;
	s20 =	sadd.s32 $0x30D40, s11  }
0x11: {  	p0 =	sgt.u32 s8, $0x13;
	s21 =	sadd.s32 $0x620, s11;
	[dreg:$0x5] =	wrdreg s20  }
0x12: {  	s10 =	sor.u32 $0x1C0E, s19;
	s22 =	sadd.s32 $0x31360, s11;
	[dreg:$0x6] =	wrdreg s21  }
0x13: {  	s19 =	simm.s32 $0xE;
	s24 =	sadd.s32 $0xC40, s11;
	[dreg:$0x7] =	wrdreg s22  }
0x14: {  	s12 =	simm.s32 $0x6600;
	s25 =	sadd.s32 $0x31980, s11;
	[dreg:$0x8] =	wrdreg s24  }
0x15: {  	s17 =	simm.s32 $0x200;
	s26 =	sadd.s32 $0x1260, s11;
	[dreg:$0x9] =	wrdreg s25  }
0x16: {  	s6 =	sadd.s32 s23, s6;
	s28 =	sadd.s32 $0x31FA0, s11;
	[dreg:$0xa] =	wrdreg s26  }
0x17: {  	s7 =	simm.s32 $0x0;
	s29 =	sadd.s32 $0x30C00, s6;
	[dreg:$0xb] =	wrdreg s28  }
0x18: {  	s0 =	simm.s32 $0x7600;
	s6 =	sadd.s32 $0x61940, s6;
	[dreg:$0xc] =	wrdreg s29  }
0x19: {  	s18 =	simm.s32 $0x3100;
	s11 =	simm.s32 $0x6200;
	[dreg:$0xd] =	wrdreg s6  }
0x1a: {  	s6 =	sshrl.u32 s1, $0x3;
	s20 =	simm.s32 $0x80;
	s1 =	simm.s32 $0xD  }
.LBB2_1:
0x1b: {  	s5 =	rddreg [dreg:$0x3]  }
0x1c: {  	[spmem:s6], [sflag:s10] =	dma.local [hbm:s5], $0x1870  }
0x1d: {  	_ =	swait.ge [sflag:s19], $0x1870  }
0x1e: {  	[sflag:s19] =	ssyncset.done $0x0  }
0x1f: {  	[sflag:s19] =	ssyncadd.s32 $0xFFFFE790  }
0x20: {  	[bflag:$0x0] =	sbarrier.arrive $0xFFFF  }
0x21: {  	s25 =	rddreg [dreg:$0x4]  }
0x22: {  	[tilespmem:s3], [sflag:$0xE] =	stream.linear.gather [hbm4b:s25+s3], $0x3100, $0x38;
	[tilespmem:$0x15580] =	vst v63  }
0x23: {  	_ =	swait.ge [sflag:s19], $0x3100  }
0x24: {  	[sflag:s19] =	ssyncset.done $0x0  }
0x25: {  	s26 =	rddreg [dreg:$0x5];
	[sflag:s19] =	ssyncadd.s32 $0xFFFFCF00  }
0x26: {  	[tilespmem:s18], [sflag:$0xE] =	stream.linear.gather [hbm4b:s26+s3], $0x3100, $0x38;
	[tilespmem:$0x15580] =	vst v63  }
0x27: {  	_ =	swait.ge [sflag:s19], $0x3100  }
0x28: {  	[sflag:s19] =	ssyncset.done $0x0  }
0x29: {  	[sflag:s19] =	ssyncadd.s32 $0xFFFFCF00  }
0x2a: {  	[tilespmem:s11], [sflag:$0x1] =	stream.indirect.gather [hbm4b:s4+s20], $0x8, s3, s20, $0xb8;
	[tilespmem:$0x15580] =	vst v63  }
0x2b: {  	_ = 	snop  }
0x2c: {  	[tilespmem:s12], [sflag:$0x2] =	stream.indirect.gather [hbm4b:s4+s20], $0x8, s20, s20, $0xb8;
	[tilespmem:$0x15580] =	vst v63  }
0x2d: {  	_ = 	snop  }
0x2e: {  	[tilespmem:s14], [sflag:$0x3] =	stream.indirect.gather [hbm4b:s4+s20], $0x8, s13, s20, $0xb8;
	[tilespmem:$0x15580] =	vst v63  }
0x2f: {  	_ = 	snop  }
0x30: {  	[tilespmem:s16], [sflag:$0x4] =	stream.indirect.gather [hbm4b:s4+s20], $0x8, s15, s20, $0xb8;
	[tilespmem:$0x15580] =	vst v63  }
0x31: {  	s28 =	smov.u32 s10;
	s29 =	smov.u32 s6  }
0x32: {  	[tilespmem:s30], [sflag:$0x5] =	stream.indirect.gather [hbm4b:s4+s20], $0x8, s17, s20, $0xb8;
	[tilespmem:$0x15580] =	vst v63  }
0x33: {  	s8 =	simm.s32 $0x3100;
	s9 =	simm.s32 $0x0;
	s5 =	simm.s32 $0x300  }
0x34: {  	[tilespmem:s0], [sflag:$0x6] =	stream.indirect.gather [hbm4b:s4+s20], $0x8, s31, s20, $0xb8;
	[tilespmem:$0x15580] =	vst v63  }
.LBB2_2:
0x35: {  	s6 =	smul.u32 $0xAB, s9;
	_ =	sdelay $0x1  }
0x36: {  	s6 =	sshrl.u32 s6, $0xB  }
0x37: {  	s6 =	sand.u32 $0x1F, s6  }
0x38: {  	s6 =	smul.u32 $0xC, s6;
	_ =	sdelay $0x1  }
0x39: {  	s6 =	ssub.s32 s9, s6  }
0x3a: {  	s6 =	sand.u32 $0xFF, s6  }
0x3b: {  	s10 =	sadd.s32 $0x1, s6  }
0x3c: {  	_ =	swait.ge [sflag:s10], $0x400  }
0x3d: {  	s6 =	sshll.u32 s6, $0xA;
	[sflag:s10] =	ssyncset.done $0x0  }
0x3e: {  	p1 =	slt.u32 s9, $0x6;
	s6 =	sadd.s32 $0x6200, s6;
	[sflag:s10] =	ssyncadd.s32 $0xFFFFFC00  }
0x3f: {  	[spmem:s2] =	stream.indirect.scatter.add.bf16 [tilespmem:s6], [sflag:$0xD], $0x8, s8, s20, $0xb8;
	[tilespmem:$0x15580] =	vst v63  }
0x40: {  	s6 =	simm.s32 @!p1 $0xD  }
0x41: {  	p2 =	sgt.u32 @!p1 s9, $0x5B;
	_ =	swait.ge @!p1 [sflag:s6], $0x400  }
0x42: {  	p2 =	por p1, !p2;
	[sflag:s6] =	ssyncset.done @!p1 $0x0  }
0x43: {  	[sflag:s6] =	ssyncadd.s32 @!p1 $0xFFFFFC00;
	s6 =	sadd.s32 @p2 $0x6, s9  }
0x44: {  	s10 =	smul.u32 @p2 $0xAB, s6;
	_ =	sdelay $0x1  }
0x45: {  	s10 =	sshrl.u32 @p2 s10, $0xB  }
0x46: {  	s10 =	sand.u32 @p2 $0x1F, s10  }
0x47: {  	s10 =	smul.u32 @p2 $0xC, s10  }
0x48: {  	s9 =	sadd.s32 $0x1, s9  }
0x49: {  	p1 =	sne.s32 s9, $0x62;
	s6 =	ssub.s32 @p2 s6, s10  }
.Ltmp0:
0x4a: {  	s6 =	sand.u32 @p2 $0xFF, s6;
	(pc) =	sbr.rel @p1 .LBB2_2-.Ltmp0, $4  }
0x4b: {  	s10 =	sshll.u32 @p2 s6, $0xA  }
0x4c: {  	s6 =	sadd.s32 @p2 $0x1, s6;
	s10 =	sadd.s32 @p2 $0x6200, s10  }
0x4d: {  	[tilespmem:s10], [sflag:s6] =	stream.indirect.gather @p2 [hbm4b:s4+s20], $0x8, s5, s20, $0xb8;
	[tilespmem:$0x15580] =	vst v63  }
0x4e: {  	s8 =	sadd.s32 $0x80, s8;
	s5 =	sadd.s32 $0x80, s5  }
0x4f: {  	_ =	swait.ge [sflag:s1], $0x400  }
0x50: {  	[sflag:s1] =	ssyncset.done $0x0  }
0x51: {  	[sflag:s1] =	ssyncadd.s32 $0xFFFFFC00  }
0x52: {  	_ =	swait.ge [sflag:s1], $0x400  }
0x53: {  	[sflag:s1] =	ssyncset.done $0x0  }
0x54: {  	[sflag:s1] =	ssyncadd.s32 $0xFFFFFC00  }
0x55: {  	_ =	swait.ge [sflag:s1], $0x400  }
0x56: {  	[sflag:s1] =	ssyncset.done $0x0  }
0x57: {  	[sflag:s1] =	ssyncadd.s32 $0xFFFFFC00  }
0x58: {  	_ =	swait.ge [sflag:s1], $0x400  }
0x59: {  	[sflag:s1] =	ssyncset.done $0x0  }
0x5a: {  	[sflag:s1] =	ssyncadd.s32 $0xFFFFFC00  }
0x5b: {  	_ =	swait.ge [sflag:s1], $0x400  }
0x5c: {  	[sflag:s1] =	ssyncset.done $0x0  }
0x5d: {  	[sflag:s1] =	ssyncadd.s32 $0xFFFFFC00  }
0x5e: {  	_ =	swait.ge [sflag:s1], $0x400  }
0x5f: {  	[sflag:s1] =	ssyncset.done $0x0  }
0x60: {  	s5 =	simm.s32 $0x0;
	s6 =	rddreg [dreg:$0x6];
	[sflag:s1] =	ssyncadd.s32 $0xFFFFFC00  }
0x61: {  	[tilespmem:s5], [sflag:$0xE] =	stream.linear.gather [hbm4b:s6+s5], $0x3100, $0x38;
	[tilespmem:$0x15580] =	vst v63  }
0x62: {  	_ =	swait.ge [sflag:s19], $0x3100  }
0x63: {  	[sflag:s19] =	ssyncset.done $0x0  }
0x64: {  	s8 =	simm.s32 $0x3100;
	s26 =	rddreg [dreg:$0x7];
	[sflag:s19] =	ssyncadd.s32 $0xFFFFCF00  }
0x65: {  	[tilespmem:s8], [sflag:$0xE] =	stream.linear.gather [hbm4b:s26+s5], $0x3100, $0x38;
	[tilespmem:$0x15580] =	vst v63  }
0x66: {  	_ =	swait.ge [sflag:s19], $0x3100  }
0x67: {  	[sflag:s19] =	ssyncset.done $0x0  }
0x68: {  	[sflag:s19] =	ssyncadd.s32 $0xFFFFCF00  }
0x69: {  	[tilespmem:s11], [sflag:$0x1] =	stream.indirect.gather [hbm4b:s4+s20], $0x8, s5, s20, $0xb8;
	[tilespmem:$0x15580] =	vst v63  }
0x6a: {  	_ = 	snop  }
0x6b: {  	[tilespmem:s12], [sflag:$0x2] =	stream.indirect.gather [hbm4b:s4+s20], $0x8, s20, s20, $0xb8;
	[tilespmem:$0x15580] =	vst v63  }
0x6c: {  	_ = 	snop  }
0x6d: {  	[tilespmem:s14], [sflag:$0x3] =	stream.indirect.gather [hbm4b:s4+s20], $0x8, s13, s20, $0xb8;
	[tilespmem:$0x15580] =	vst v63  }
0x6e: {  	_ = 	snop  }
0x6f: {  	[tilespmem:s16], [sflag:$0x4] =	stream.indirect.gather [hbm4b:s4+s20], $0x8, s15, s20, $0xb8;
	[tilespmem:$0x15580] =	vst v63  }
0x70: {  	_ = 	snop  }
0x71: {  	[tilespmem:s30], [sflag:$0x5] =	stream.indirect.gather [hbm4b:s4+s20], $0x8, s17, s20, $0xb8;
	[tilespmem:$0x15580] =	vst v63  }
0x72: {  	s9 =	simm.s32 $0x300  }
0x73: {  	[tilespmem:s0], [sflag:$0x6] =	stream.indirect.gather [hbm4b:s4+s20], $0x8, s31, s20, $0xb8;
	[tilespmem:$0x15580] =	vst v63  }
.LBB2_4:
0x74: {  	s6 =	smul.u32 $0xAB, s5;
	_ =	sdelay $0x1  }
0x75: {  	s6 =	sshrl.u32 s6, $0xB  }
0x76: {  	s6 =	sand.u32 $0x1F, s6  }
0x77: {  	s6 =	smul.u32 $0xC, s6;
	_ =	sdelay $0x1  }
0x78: {  	s6 =	ssub.s32 s5, s6  }
0x79: {  	s6 =	sand.u32 $0xFF, s6  }
0x7a: {  	s10 =	sadd.s32 $0x1, s6  }
0x7b: {  	_ =	swait.ge [sflag:s10], $0x400  }
0x7c: {  	s6 =	sshll.u32 s6, $0xA;
	[sflag:s10] =	ssyncset.done $0x0  }
0x7d: {  	p1 =	slt.u32 s5, $0x6;
	s6 =	sadd.s32 $0x6200, s6;
	[sflag:s10] =	ssyncadd.s32 $0xFFFFFC00  }
0x7e: {  	[spmem:s2] =	stream.indirect.scatter.add.bf16 [tilespmem:s6], [sflag:$0xD], $0x8, s8, s20, $0xb8;
	[tilespmem:$0x15580] =	vst v63  }
0x7f: {  	s6 =	simm.s32 @!p1 $0xD  }
0x80: {  	p2 =	sgt.u32 @!p1 s5, $0x5B;
	_ =	swait.ge @!p1 [sflag:s6], $0x400  }
0x81: {  	p2 =	por p1, !p2;
	[sflag:s6] =	ssyncset.done @!p1 $0x0  }
0x82: {  	[sflag:s6] =	ssyncadd.s32 @!p1 $0xFFFFFC00;
	s6 =	sadd.s32 @p2 $0x6, s5  }
0x83: {  	s10 =	smul.u32 @p2 $0xAB, s6;
	_ =	sdelay $0x1  }
0x84: {  	s10 =	sshrl.u32 @p2 s10, $0xB  }
0x85: {  	s10 =	sand.u32 @p2 $0x1F, s10  }
0x86: {  	s10 =	smul.u32 @p2 $0xC, s10  }
0x87: {  	s5 =	sadd.s32 $0x1, s5  }
0x88: {  	p1 =	sne.s32 s5, $0x62;
	s6 =	ssub.s32 @p2 s6, s10  }
.Ltmp1:
0x89: {  	s6 =	sand.u32 @p2 $0xFF, s6;
	(pc) =	sbr.rel @p1 .LBB2_4-.Ltmp1, $4  }
0x8a: {  	s10 =	sshll.u32 @p2 s6, $0xA  }
0x8b: {  	s6 =	sadd.s32 @p2 $0x1, s6;
	s10 =	sadd.s32 @p2 $0x6200, s10  }
0x8c: {  	[tilespmem:s10], [sflag:s6] =	stream.indirect.gather @p2 [hbm4b:s4+s20], $0x8, s9, s20, $0xb8;
	[tilespmem:$0x15580] =	vst v63  }
0x8d: {  	s8 =	sadd.s32 $0x80, s8;
	s9 =	sadd.s32 $0x80, s9  }
0x8e: {  	_ =	swait.ge [sflag:s1], $0x400  }
0x8f: {  	[sflag:s1] =	ssyncset.done $0x0  }
0x90: {  	[sflag:s1] =	ssyncadd.s32 $0xFFFFFC00  }
0x91: {  	_ =	swait.ge [sflag:s1], $0x400  }
0x92: {  	[sflag:s1] =	ssyncset.done $0x0  }
0x93: {  	[sflag:s1] =	ssyncadd.s32 $0xFFFFFC00  }
0x94: {  	_ =	swait.ge [sflag:s1], $0x400  }
0x95: {  	[sflag:s1] =	ssyncset.done $0x0  }
0x96: {  	[sflag:s1] =	ssyncadd.s32 $0xFFFFFC00  }
0x97: {  	_ =	swait.ge [sflag:s1], $0x400  }
0x98: {  	[sflag:s1] =	ssyncset.done $0x0  }
0x99: {  	[sflag:s1] =	ssyncadd.s32 $0xFFFFFC00  }
0x9a: {  	_ =	swait.ge [sflag:s1], $0x400  }
0x9b: {  	[sflag:s1] =	ssyncset.done $0x0  }
0x9c: {  	[sflag:s1] =	ssyncadd.s32 $0xFFFFFC00  }
0x9d: {  	_ =	swait.ge [sflag:s1], $0x400  }
0x9e: {  	[sflag:s1] =	ssyncset.done $0x0  }
0x9f: {  	s5 =	simm.s32 $0x0;
	s6 =	rddreg [dreg:$0x8];
	[sflag:s1] =	ssyncadd.s32 $0xFFFFFC00  }
0xa0: {  	[tilespmem:s5], [sflag:$0xE] =	stream.linear.gather [hbm4b:s6+s5], $0x3100, $0x38;
	[tilespmem:$0x15580] =	vst v63  }
0xa1: {  	_ =	swait.ge [sflag:s19], $0x3100  }
0xa2: {  	[sflag:s19] =	ssyncset.done $0x0  }
0xa3: {  	s8 =	simm.s32 $0x3100;
	s26 =	rddreg [dreg:$0x9];
	[sflag:s19] =	ssyncadd.s32 $0xFFFFCF00  }
0xa4: {  	[tilespmem:s8], [sflag:$0xE] =	stream.linear.gather [hbm4b:s26+s5], $0x3100, $0x38;
	[tilespmem:$0x15580] =	vst v63  }
0xa5: {  	_ =	swait.ge [sflag:s19], $0x3100  }
0xa6: {  	[sflag:s19] =	ssyncset.done $0x0  }
0xa7: {  	[sflag:s19] =	ssyncadd.s32 $0xFFFFCF00  }
0xa8: {  	[tilespmem:s11], [sflag:$0x1] =	stream.indirect.gather [hbm4b:s4+s20], $0x8, s5, s20, $0xb8;
	[tilespmem:$0x15580] =	vst v63  }
0xa9: {  	_ = 	snop  }
0xaa: {  	[tilespmem:s12], [sflag:$0x2] =	stream.indirect.gather [hbm4b:s4+s20], $0x8, s20, s20, $0xb8;
	[tilespmem:$0x15580] =	vst v63  }
0xab: {  	_ = 	snop  }
0xac: {  	[tilespmem:s14], [sflag:$0x3] =	stream.indirect.gather [hbm4b:s4+s20], $0x8, s13, s20, $0xb8;
	[tilespmem:$0x15580] =	vst v63  }
0xad: {  	_ = 	snop  }
0xae: {  	[tilespmem:s16], [sflag:$0x4] =	stream.indirect.gather [hbm4b:s4+s20], $0x8, s15, s20, $0xb8;
	[tilespmem:$0x15580] =	vst v63  }
0xaf: {  	_ = 	snop  }
0xb0: {  	[tilespmem:s30], [sflag:$0x5] =	stream.indirect.gather [hbm4b:s4+s20], $0x8, s17, s20, $0xb8;
	[tilespmem:$0x15580] =	vst v63  }
0xb1: {  	s9 =	simm.s32 $0x300  }
0xb2: {  	[tilespmem:s0], [sflag:$0x6] =	stream.indirect.gather [hbm4b:s4+s20], $0x8, s31, s20, $0xb8;
	[tilespmem:$0x15580] =	vst v63  }
.LBB2_6:
0xb3: {  	s6 =	smul.u32 $0xAB, s5;
	_ =	sdelay $0x1  }
0xb4: {  	s6 =	sshrl.u32 s6, $0xB  }
0xb5: {  	s6 =	sand.u32 $0x1F, s6  }
0xb6: {  	s6 =	smul.u32 $0xC, s6;
	_ =	sdelay $0x1  }
0xb7: {  	s6 =	ssub.s32 s5, s6  }
0xb8: {  	s6 =	sand.u32 $0xFF, s6  }
0xb9: {  	s10 =	sadd.s32 $0x1, s6  }
0xba: {  	_ =	swait.ge [sflag:s10], $0x400  }
0xbb: {  	s6 =	sshll.u32 s6, $0xA;
	[sflag:s10] =	ssyncset.done $0x0  }
0xbc: {  	p1 =	slt.u32 s5, $0x6;
	s6 =	sadd.s32 $0x6200, s6;
	[sflag:s10] =	ssyncadd.s32 $0xFFFFFC00  }
0xbd: {  	[spmem:s2] =	stream.indirect.scatter.add.bf16 [tilespmem:s6], [sflag:$0xD], $0x8, s8, s20, $0xb8;
	[tilespmem:$0x15580] =	vst v63  }
0xbe: {  	s6 =	simm.s32 @!p1 $0xD  }
0xbf: {  	p2 =	sgt.u32 @!p1 s5, $0x5B;
	_ =	swait.ge @!p1 [sflag:s6], $0x400  }
0xc0: {  	p2 =	por p1, !p2;
	[sflag:s6] =	ssyncset.done @!p1 $0x0  }
0xc1: {  	[sflag:s6] =	ssyncadd.s32 @!p1 $0xFFFFFC00;
	s6 =	sadd.s32 @p2 $0x6, s5  }
0xc2: {  	s10 =	smul.u32 @p2 $0xAB, s6;
	_ =	sdelay $0x1  }
0xc3: {  	s10 =	sshrl.u32 @p2 s10, $0xB  }
0xc4: {  	s10 =	sand.u32 @p2 $0x1F, s10  }
0xc5: {  	s10 =	smul.u32 @p2 $0xC, s10  }
0xc6: {  	s5 =	sadd.s32 $0x1, s5  }
0xc7: {  	p1 =	sne.s32 s5, $0x62;
	s6 =	ssub.s32 @p2 s6, s10  }
.Ltmp2:
0xc8: {  	s6 =	sand.u32 @p2 $0xFF, s6;
	(pc) =	sbr.rel @p1 .LBB2_6-.Ltmp2, $4  }
0xc9: {  	s10 =	sshll.u32 @p2 s6, $0xA  }
0xca: {  	s6 =	sadd.s32 @p2 $0x1, s6;
	s10 =	sadd.s32 @p2 $0x6200, s10  }
0xcb: {  	[tilespmem:s10], [sflag:s6] =	stream.indirect.gather @p2 [hbm4b:s4+s20], $0x8, s9, s20, $0xb8;
	[tilespmem:$0x15580] =	vst v63  }
0xcc: {  	s8 =	sadd.s32 $0x80, s8;
	s9 =	sadd.s32 $0x80, s9  }
0xcd: {  	_ =	swait.ge [sflag:s1], $0x400  }
0xce: {  	[sflag:s1] =	ssyncset.done $0x0  }
0xcf: {  	[sflag:s1] =	ssyncadd.s32 $0xFFFFFC00  }
0xd0: {  	_ =	swait.ge [sflag:s1], $0x400  }
0xd1: {  	[sflag:s1] =	ssyncset.done $0x0  }
0xd2: {  	[sflag:s1] =	ssyncadd.s32 $0xFFFFFC00  }
0xd3: {  	_ =	swait.ge [sflag:s1], $0x400  }
0xd4: {  	[sflag:s1] =	ssyncset.done $0x0  }
0xd5: {  	[sflag:s1] =	ssyncadd.s32 $0xFFFFFC00  }
0xd6: {  	_ =	swait.ge [sflag:s1], $0x400  }
0xd7: {  	[sflag:s1] =	ssyncset.done $0x0  }
0xd8: {  	[sflag:s1] =	ssyncadd.s32 $0xFFFFFC00  }
0xd9: {  	_ =	swait.ge [sflag:s1], $0x400  }
0xda: {  	[sflag:s1] =	ssyncset.done $0x0  }
0xdb: {  	[sflag:s1] =	ssyncadd.s32 $0xFFFFFC00  }
0xdc: {  	_ =	swait.ge [sflag:s1], $0x400  }
0xdd: {  	[sflag:s1] =	ssyncset.done $0x0  }
0xde: {  	s5 =	rddreg [dreg:$0xa];
	[sflag:s1] =	ssyncadd.s32 $0xFFFFFC00  }
0xdf: {  	[tilespmem:s3], [sflag:$0xE] =	stream.linear.gather [hbm4b:s5+s3], $0x3000, $0x38;
	[tilespmem:$0x15580] =	vst v63  }
0xe0: {  	_ =	swait.ge [sflag:s19], $0x3000  }
0xe1: {  	[sflag:s19] =	ssyncset.done $0x0  }
0xe2: {  	s11 =	rddreg [dreg:$0xb];
	[sflag:s19] =	ssyncadd.s32 $0xFFFFD000  }
0xe3: {  	[tilespmem:s18], [sflag:$0xE] =	stream.linear.gather [hbm4b:s11+s3], $0x3000, $0x38;
	[tilespmem:$0x15580] =	vst v63  }
0xe4: {  	_ =	swait.ge [sflag:s19], $0x3000  }
0xe5: {  	s6 =	simm.s32 @!p0 $0x3000;
	[sflag:s19] =	ssyncset.done $0x0  }
0xe6: {  	s5 =	simm.s32 @!p0 $0x0;
	s8 =	rddreg [dreg:$0xc];
	[sflag:s19] =	ssyncadd.s32 $0xFFFFD000  }
0xe7: {  	[tilespmem:s6], [sflag:$0xE] =	stream.linear.gather @!p0 [hbm4b:s8+s5], $0x80, $0x38;
	[tilespmem:$0x15580] =	vst v63  }
0xe8: {  	s21 =	simm.s32 $0x6200;
	s6 =	simm.s32 @!p0 $0xE  }
0xe9: {  	s22 =	simm.s32 $0x6;
	s23 =	simm.s32 $0x3100;
	_ =	swait.ge @!p0 [sflag:s6], $0x80  }
0xea: {  	s10 =	simm.s32 $0x1;
	s18 =	simm.s32 $0x0;
	[sflag:s6] =	ssyncset.done @!p0 $0x0  }
0xeb: {  	s8 =	simm.s32 @!p0 $0x6100;
	s9 =	rddreg [dreg:$0xd];
	[sflag:s6] =	ssyncadd.s32 @!p0 $0xFFFFFF80  }
0xec: {  	[tilespmem:s8], [sflag:$0xE] =	stream.linear.gather @!p0 [hbm4b:s9+s5], $0x80, $0x38;
	[tilespmem:$0x15580] =	vst v63  }
0xed: {  	p2 =	por $0x1, $0x1;
	s5 =	smulhi.u32 $0xAAAAAAAB, s18;
	_ =	swait.ge @!p0 [sflag:s6], $0x80  }
0xee: {  	s24 =	simm.s32 $0x7;
	s11 =	simm.s32 $0x7;
	[sflag:s6] =	ssyncset.done @!p0 $0x0  }
0xef: {  	s8 =	simm.s32 @!p0 $0x61;
	s5 =	sshrl.u32 s5, $0x3;
	[sflag:s6] =	ssyncadd.s32 @!p0 $0xFFFFFF80  }
0xf0: {  	[tilespmem:s21], [sflag:$0x1] =	stream.indirect.gather [hbm4b:s4+s20], $0x8, s18, s20, $0xb8;
	[tilespmem:$0x15580] =	vst v63  }
0xf1: {  	s9 =	simm.s32 $0x300;
	s8 =	simm.s32 @p0 $0x60;
	s25 =	smul.u32 $0xFFFFFFD0, s5  }
0xf2: {  	[tilespmem:s12], [sflag:$0x2] =	stream.indirect.gather [hbm4b:s4+s20], $0x8, s20, s20, $0xb8;
	[tilespmem:$0x15580] =	vst v63  }
0xf3: {  	p1 =	sle.u32 s8, $0x6;
	p3 =	sne.s32 s8, $0x1;
	s6 =	smulhi.u32 $0xAAAAAAAB, s22  }
0xf4: {  	[tilespmem:s14], [sflag:$0x3] =	stream.indirect.gather [hbm4b:s4+s20], $0x8, s13, s20, $0xb8;
	[tilespmem:$0x15580] =	vst v63  }
0xf5: {  	s5 =	smul.u32 $0xFFFF4000, s5;
	s26 =	sshra.s32 s25, $0x2;
	s6 =	sshrl.u32 s6, $0x3  }
0xf6: {  	[tilespmem:s16], [sflag:$0x4] =	stream.indirect.gather [hbm4b:s4+s20], $0x8, s15, s20, $0xb8;
	[tilespmem:$0x15580] =	vst v63  }
0xf7: {  	s5 =	sshra.s32 s5, $0x2;
	s12 =	simm.s32 $0x2;
	s22 =	smul.u32 $0xFFFF4000, s6  }
0xf8: {  	[tilespmem:s30], [sflag:$0x5] =	stream.indirect.gather [hbm4b:s4+s20], $0x8, s17, s20, $0xb8;
	[tilespmem:$0x15580] =	vst v63  }
0xf9: {  	s21 =	sadd.s32 $0x1, s26;
	s5 =	sadd.s32 $0x6200, s5;
	s18 =	smul.u32 $0xFFFFFFD0, s6  }
0xfa: {  	[tilespmem:s0], [sflag:$0x6] =	stream.indirect.gather [hbm4b:s4+s20], $0x8, s31, s20, $0xb8;
	[tilespmem:$0x15580] =	vst v63  }
0xfb: {  	s6 =	simm.s32 @!p1 $0x80;
	s13 =	simm.s32 $0x6600;
	_ =	swait.ge [sflag:s21], $0x400  }
.Ltmp3:
0xfc: {  	s14 =	simm.s32 $0x3180;
	[sflag:s21] =	ssyncset.done $0x0;
	(pc) =	sbr.rel @!p3 .LBB2_9-.Ltmp3, $4  }
0xfd: {  	s22 =	sshra.s32 s22, $0x2;
	[sflag:s21] =	ssyncadd.s32 $0xFFFFFC00;
	s21 =	simm.s32 @!p2 $0xD  }
0xfe: {  	[spmem:s2] =	stream.indirect.scatter.add.bf16 [tilespmem:s5], [sflag:$0xD], $0x8, s23, s20, $0xb8;
	[tilespmem:$0x15580] =	vst v63  }
0xff: {  	s15 =	simm.s32 $0x7A00;
	s16 =	simm.s32 $0x380;
	_ =	swait.ge @!p2 [sflag:s21], $0x400  }
0x100: {  	s17 =	simm.s32 $0x7E00;
	s5 =	simm.s32 $0x8;
	[sflag:s21] =	ssyncset.done @!p2 $0x0  }
.LBB2_8:
0x101: {  	s23 =	sadd.s32 $0x6, s10;
	s18 =	sshra.s32 s18, $0x2;
	s15 =	sadd.s32 s22, s15  }
0x102: {  	s22 =	smov.u32 s10;
	s25 =	smov.u32 s12;
	s26 =	smov.u32 s13  }
0x103: {  	s10 =	sadd.s32 $0xFFFFFFFB, s23;
	s11 =	sadd.s32 s18, s11;
	[sflag:s21] =	ssyncadd.s32 @!p2 $0xFFFFFC00  }
0x104: {  	[tilespmem:s15], [sflag:s11] =	stream.indirect.gather @!p1 [hbm4b:s4+s6], $0x8, s9, s6, $0xb8;
	[tilespmem:$0x15580] =	vst v63  }
0x105: {  	s6 =	smulhi.u32 $0xAAAAAAAB, s22;
	p1 =	sge.u32 s23, s8;
	p3 =	sne.s32 s10, s8  }
0x106: {  	s18 =	smov.u32 s14;
	s9 =	smov.u32 s16;
	s15 =	smov.u32 s17  }
0x107: {  	s11 =	smov.u32 s5;
	s6 =	sshrl.u32 s6, $0x3  }
0x108: {  	s21 =	smul.u32 $0xFFFFFFD0, s6  }
0x109: {  	s12 =	sadd.s32 $0x1, s12;
	s6 =	smul.u32 $0xFFFF4000, s6  }
0x10a: {  	s13 =	sadd.s32 $0x400, s13;
	s14 =	sadd.s32 $0x80, s14;
	s21 =	sshra.s32 s21, $0x2  }
0x10b: {  	s23 =	smulhi.u32 $0xAAAAAAAB, s24;
	s6 =	sshra.s32 s6, $0x2;
	s21 =	sadd.s32 s21, s25  }
0x10c: {  	p2 =	slt.u32 s22, $0x6;
	s16 =	sadd.s32 $0x80, s16;
	_ =	swait.ge [sflag:s21], $0x400  }
0x10d: {  	s17 =	sadd.s32 $0x400, s17;
	s22 =	sshrl.u32 s23, $0x3;
	[sflag:s21] =	ssyncset.done $0x0  }
.Ltmp4:
0x10e: {  	s6 =	sadd.s32 s6, s26;
	[sflag:s21] =	ssyncadd.s32 $0xFFFFFC00;
	(pc) =	sbr.rel @p3 .LBB2_8-.Ltmp4, $4  }
0x10f: {  	s24 =	sadd.s32 $0x1, s24;
	s23 =	smul.u32 $0xFFFF4000, s22;
	s21 =	simm.s32 @!p2 $0xD  }
0x110: {  	[spmem:s2] =	stream.indirect.scatter.add.bf16 [tilespmem:s6], [sflag:$0xD], $0x8, s18, s20, $0xb8;
	[tilespmem:$0x15580] =	vst v63  }
0x111: {  	s5 =	sadd.s32 $0x1, s5;
	s18 =	smul.u32 $0xFFFFFFD0, s22;
	_ =	swait.ge @!p2 [sflag:s21], $0x400  }
0x112: {  	s22 =	sshra.s32 s23, $0x2;
	s6 =	simm.s32 @!p1 $0x80;
	[sflag:s21] =	ssyncset.done @!p2 $0x0  }
.LBB2_9:
0x113: {  	s5 =	sshra.s32 s18, $0x2  }
0x114: {  	s8 =	sadd.s32 s22, s15;
	[sflag:s21] =	ssyncadd.s32 @!p2 $0xFFFFFC00;
	s5 =	sadd.s32 s5, s11  }
0x115: {  	[tilespmem:s8], [sflag:s5] =	stream.indirect.gather @!p1 [hbm4b:s4+s6], $0x8, s9, s6, $0xb8;
	[tilespmem:$0x15580] =	vst v63  }
0x116: {  	_ =	swait.ge [sflag:s1], $0x400  }
0x117: {  	[sflag:s1] =	ssyncset.done $0x0  }
0x118: {  	[sflag:s1] =	ssyncadd.s32 $0xFFFFFC00  }
0x119: {  	_ =	swait.ge [sflag:s1], $0x400  }
0x11a: {  	[sflag:s1] =	ssyncset.done $0x0  }
0x11b: {  	[sflag:s1] =	ssyncadd.s32 $0xFFFFFC00  }
0x11c: {  	_ =	swait.ge [sflag:s1], $0x400  }
0x11d: {  	[sflag:s1] =	ssyncset.done $0x0  }
0x11e: {  	[sflag:s1] =	ssyncadd.s32 $0xFFFFFC00  }
0x11f: {  	_ =	swait.ge [sflag:s1], $0x400  }
0x120: {  	[sflag:s1] =	ssyncset.done $0x0  }
0x121: {  	[sflag:s1] =	ssyncadd.s32 $0xFFFFFC00  }
0x122: {  	_ =	swait.ge [sflag:s1], $0x400  }
0x123: {  	[sflag:s1] =	ssyncset.done $0x0  }
0x124: {  	[sflag:s1] =	ssyncadd.s32 $0xFFFFFC00  }
0x125: {  	_ =	swait.ge [sflag:s1], $0x400  }
0x126: {  	[sflag:s1] =	ssyncset.done $0x0  }
0x127: {  	[sflag:s1] =	ssyncadd.s32 $0xFFFFFC00  }
0x128: {  	[bflag:$0x0] =	sbarrier.arrive $0xFFFF  }
0x129: {  	s26 =	rddreg [dreg:$0xf]  }
0x12a: {  	[hbm:s26], [sflag:s28] =	dma.local [spmem:s29], $0x1870  }
0x12b: {  	_ =	swait.ge [sflag:s19], $0x1870  }
0x12c: {  	s7 =	sadd.s32 $0x1, s7;
	s6 =	smov.u32 s29;
	s29 =	rddreg [dreg:$0xe]  }
0x12d: {  	p1 =	sne.s32 s7, s29  }
.Ltmp5:
0x12e: {  	_ = 	snop;
	(pc) =	sbr.rel @p1 .LBB2_1-.Ltmp5, $4  }
0x12f: {  	s10 =	smov.u32 s28;
	s12 =	simm.s32 $0x6600  }
0x130: {  	s13 =	simm.s32 $0x100;
	s14 =	simm.s32 $0x6A00;
	s15 =	simm.s32 $0x180  }
0x131: {  	s16 =	simm.s32 $0x6E00;
	s17 =	simm.s32 $0x200;
	[sflag:s19] =	ssyncset.done $0x0  }
0x132: {  	s18 =	simm.s32 $0x3100;
	s11 =	simm.s32 $0x6200;
	[sflag:s19] =	ssyncadd.s32 $0xFFFFE790  }
0x133: {  	_ =	sfence.sel $0x180000  }
0x134: {  	[bflag:$0x0] =	sbarrier.arrive $0xFFFF  }
0x135: {  	_ =	strace $0x90000047  }
0x136: {  	s0 =	stileid.u32;
	[bflag:$0x2] =	sbarrier.arrive $0xFFFF  }
0x137: {  	p0 =	sne.s32 s0, $0x0;
	s0 =	rddreg [dreg:$0x2]  }
0x138: {  	s0 =	sadd.s32 @!p0 $0x100000, s0  }
0x139: {  	[sflag:s0] =	ssyncadd.tile.s32 @!p0 $0x1;
	_ =	shalt  }
.Lfunc_end2:
_tile_overlayer_lowered:
.L_overlay_start_2:
0x13a: {  	(tag) =	ssettag $0x2  }
0x13b: {  	s0 =	rddreg [dreg:$0x0];
	s2 =	stileid.u32  }
0x13c: {  	s1 =	rddreg [dreg:$0x1];
	p0 =	sne.s32 s2, $0x0  }
0x13d: {  	s3 =	rddreg [dreg:$0x2];
	[bflag:$0x3] =	sbarrier.arrive $0xFFFF;
	s2 =	simm.s32 @!p0 $0x1C0E  }
0x13e: {  	[timem:s3], [sflag:s2] =	dma.local @!p0 [hbm:s0], s1  }
0x13f: {  	s0 =	simm.s32 @!p0 $0xE  }
0x140: {  	_ =	swait.ge @!p0 [sflag:s0], s1  }
0x141: {  	s1 =	ssub.s32 @!p0 $0x0, s1;
	[sflag:s0] =	ssyncset.done @!p0 $0x0  }
0x142: {  	[sflag:s0] =	ssyncadd.s32 @!p0 s1  }
0x143: {  	[bflag:$0x3] =	sbarrier.arrive $0xFFFF  }
0x144: {  	_ =	shalt  }

</sc_bundles>
